<compile_context>
chip_gen: v7x
topology: tpu7x:2x2x1
jax: 0.10.2.dev20260603
libtpu: 0.0.44.dev20260713+nightly
codegen_flags: <defaults>
</compile_context>

<pallas_src>
import functools

import jax
import jax.numpy as jnp
from jax import lax
from jax.experimental import pallas as pl
from jax.experimental.pallas import tpu as pltpu
from jax.experimental.pallas import tpu_sc as plsc

N = 6_400_000
S = 4096
NW = 32
PW = N // NW
C = 20_000
NCHUNK = PW // C
LANES = 16
LBLOCK = C // LANES
RAIL = LBLOCK // 2

_mesh = plsc.VectorSubcoreMesh(core_axis_name="c", subcore_axis_name="s")


@functools.partial(
    pl.kernel,
    out_type=jax.ShapeDtypeStruct((NW, S), jnp.float32),
    mesh=_mesh,
    compiler_params=pltpu.CompilerParams(needs_layout_passes=False),
    scratch_types=[
        pltpu.VMEM((C,), jnp.float32),
        pltpu.VMEM((C,), jnp.float32),
        pltpu.VMEM((C,), jnp.int32),
        pltpu.VMEM((C,), jnp.int32),
        pltpu.VMEM((S,), jnp.float32),
        pltpu.SemaphoreType.DMA,
        pltpu.SemaphoreType.DMA,
    ],
)
def _sc_segsum(e_hbm, b_hbm, out_hbm, e0, e1, b0, b1, accum, sem0, sem1):
    cid = lax.axis_index("c")
    sid = lax.axis_index("s")
    wid = cid * 16 + sid
    base = wid * PW

    ebufs = (e0, e1)
    bbufs = (b0, b1)
    sems = (sem0, sem1)

    def _issue(k):
        slot = k % 2
        start = base + k * C
        ce = pltpu.async_copy(e_hbm.at[pl.ds(start, C)], ebufs[slot], sems[slot])
        cb = pltpu.async_copy(b_hbm.at[pl.ds(start, C)], bbufs[slot], sems[slot])
        return ce, cb

    pending = {0: _issue(0), 1: _issue(1)}

    zeros16 = jnp.zeros((LANES,), jnp.float32)

    def _zero(i, carry):
        accum[pl.ds(i * LANES, LANES)] = zeros16
        return carry

    lax.fori_loop(0, S // LANES, _zero, 0)

    iota16 = lax.iota(jnp.int32, LANES)
    rail0 = iota16 * LBLOCK
    rail1 = rail0 + RAIL
    zero_r = jnp.zeros((LANES,), jnp.float32)

    for k in range(NCHUNK):
        slot = k % 2
        ce, cb = pending.pop(k)
        ce.wait()
        cb.wait()
        eb = ebufs[slot]
        bb = bbufs[slot]

        ca0 = plsc.load_gather(bb, [rail0])
        cb0 = plsc.load_gather(bb, [rail1])

        def _step(j, carry):
            cur_a, run_a, cur_b, run_b = carry
            ia = rail0 + j
            ib = rail1 + j
            xa = plsc.load_gather(eb, [ia])
            ba = plsc.load_gather(bb, [ia])
            xb = plsc.load_gather(eb, [ib])
            bv = plsc.load_gather(bb, [ib])
            fa = ba != cur_a
            fb = bv != cur_b
            plsc.addupdate_scatter(accum, [cur_a], run_a, mask=fa)
            plsc.addupdate_scatter(accum, [cur_b], run_b, mask=fb)
            run_a = jnp.where(fa, xa, run_a + xa)
            run_b = jnp.where(fb, xb, run_b + xb)
            return ba, run_a, bv, run_b

        ca_f, ra_f, cb_f, rb_f = plsc.parallel_loop(
            0, RAIL, carry=(ca0, zero_r, cb0, zero_r), unroll=5)(_step)
        plsc.addupdate_scatter(accum, [ca_f], ra_f)
        plsc.addupdate_scatter(accum, [cb_f], rb_f)

        if k + 2 < NCHUNK:
            pending[k + 2] = _issue(k + 2)

    pltpu.sync_copy(accum, out_hbm.at[wid])


def _combine_body(p_ref, o_ref):
    o_ref[...] = jnp.sum(p_ref[...], axis=0, keepdims=True)


def kernel(atomic_energy, batch):
    e = atomic_energy.reshape(N)
    b = batch.astype(jnp.int32)
    partials = _sc_segsum(e, b)
    out = pl.pallas_call(
        _combine_body,
        out_shape=jax.ShapeDtypeStruct((1, S), jnp.float32),
    )(partials)
    return out.reshape(S, 1)

# --- scband reference (transcript-rebuilt; emitter-appended) ---
"""Pipeline reference for scband-atomwise-reduce-10634339024905 (READ-ONLY COPY).

The authoritative reference and input builder live on the scoring server;
editing this copy changes nothing except your own understanding.
"""

import jax, jax.numpy as jnp
import numpy as np

N = 6_400_000
NUM_SEGMENTS = 4096


def setup_inputs(seed: int = 0) -> dict:
    key = jax.random.key(seed)
    k1, k2 = jax.random.split(key)
    atomic_energy = jax.random.normal(k1, (N, 1), dtype=jnp.float32)
    batch = jnp.sort(jax.random.randint(k2, (N,), 0, NUM_SEGMENTS))
    return {"atomic_energy": atomic_energy, "batch": batch}


def reference(atomic_energy, batch):
    # AtomwiseReduce.forward: data[out_field] = scatter(data[field], data[BATCH_KEY], dim=0, reduce='sum')
    # scatter-sum of per-atom energies over the per-atom batch (graph) index -> per-graph total_energy
    total_energy = jax.ops.segment_sum(atomic_energy, batch, num_segments=NUM_SEGMENTS)
    return total_energy

if __name__ == "__main__":
    import jax
    _d = setup_inputs()
    print(jax.jit(kernel)(*tuple(_d.values())))

</pallas_src>

<mosaic_0001>
#map = affine_map<(d0, d1) -> (0)>
#map1 = affine_map<(d0, d1) -> (0, 0)>
module attributes {stable_mosaic.version = 14 : i64} {
  func.func @_sc_segsum(%arg0: i32, %arg1: i32, %arg2: memref<6400000xf32, #tpu.memory_space<hbm>>, %arg3: memref<6400000xi32, #tpu.memory_space<hbm>>, %arg4: memref<32x4096xf32, #tpu.memory_space<hbm>>, %arg5: memref<20000xf32, #tpu.memory_space<vmem>>, %arg6: memref<20000xf32, #tpu.memory_space<vmem>>, %arg7: memref<20000xi32, #tpu.memory_space<vmem>>, %arg8: memref<20000xi32, #tpu.memory_space<vmem>>, %arg9: memref<4096xf32, #tpu.memory_space<vmem>>, %arg10: memref<!tpu.dma_semaphore, #tpu.memory_space<semaphore_mem>>, %arg11: memref<!tpu.dma_semaphore, #tpu.memory_space<semaphore_mem>>) attributes {dimension_semantics = [#tpu.dimension_semantics<core_parallel>, #tpu.dimension_semantics<subcore_parallel>], iteration_bounds = array<i64: 2, 16>, scalar_prefetch = 0 : i64, scratch_operands = 7 : i64, tpu.core_type = #tpu.core_type<sc_vector_subcore>, window_params = [{transform_indices = #map}, {transform_indices = #map}, {transform_indices = #map1}]} {
    %mul3A = arith.constant 16 : i32
    %mul3A_0 = arith.muli %arg0, %mul3A : i32
    %add3A = arith.addi %mul3A_0, %arg1 : i32
    %mul3A_1 = arith.constant 200000 : i32
    %mul3A_2 = arith.muli %add3A, %mul3A_1 : i32
    %add3A_3 = arith.constant 0 : i32
    %add3A_4 = arith.addi %mul3A_2, %add3A_3 : i32
    %dma_start3A = tpu.memref_slice %arg2[%add3A_4] : memref<6400000xf32, #tpu.memory_space<hbm>> -> memref<20000xf32, #tpu.memory_space<hbm>>
    %dma_start3A_5 = tpu.memref_slice %arg2[%add3A_4] : memref<6400000xf32, #tpu.memory_space<hbm>> -> memref<20000xf32, #tpu.memory_space<hbm>>
    tpu.enqueue_dma source(%dma_start3A_5 : memref<20000xf32, #tpu.memory_space<hbm>>) target(%arg5 : memref<20000xf32, #tpu.memory_space<vmem>>) target_semaphore(%arg10 : memref<!tpu.dma_semaphore, #tpu.memory_space<semaphore_mem>>)
    %dma_start3A_6 = tpu.memref_slice %arg3[%add3A_4] : memref<6400000xi32, #tpu.memory_space<hbm>> -> memref<20000xi32, #tpu.memory_space<hbm>>
    %dma_start3A_7 = tpu.memref_slice %arg3[%add3A_4] : memref<6400000xi32, #tpu.memory_space<hbm>> -> memref<20000xi32, #tpu.memory_space<hbm>>
    tpu.enqueue_dma source(%dma_start3A_7 : memref<20000xi32, #tpu.memory_space<hbm>>) target(%arg7 : memref<20000xi32, #tpu.memory_space<vmem>>) target_semaphore(%arg10 : memref<!tpu.dma_semaphore, #tpu.memory_space<semaphore_mem>>)
    %add3A_8 = arith.constant 20000 : i32
    %add3A_9 = arith.addi %mul3A_2, %add3A_8 : i32
    %dma_start3A_10 = tpu.memref_slice %arg2[%add3A_9] : memref<6400000xf32, #tpu.memory_space<hbm>> -> memref<20000xf32, #tpu.memory_space<hbm>>
    %dma_start3A_11 = tpu.memref_slice %arg2[%add3A_9] : memref<6400000xf32, #tpu.memory_space<hbm>> -> memref<20000xf32, #tpu.memory_space<hbm>>
    tpu.enqueue_dma source(%dma_start3A_11 : memref<20000xf32, #tpu.memory_space<hbm>>) target(%arg6 : memref<20000xf32, #tpu.memory_space<vmem>>) target_semaphore(%arg11 : memref<!tpu.dma_semaphore, #tpu.memory_space<semaphore_mem>>)
    %dma_start3A_12 = tpu.memref_slice %arg3[%add3A_9] : memref<6400000xi32, #tpu.memory_space<hbm>> -> memref<20000xi32, #tpu.memory_space<hbm>>
    %dma_start3A_13 = tpu.memref_slice %arg3[%add3A_9] : memref<6400000xi32, #tpu.memory_space<hbm>> -> memref<20000xi32, #tpu.memory_space<hbm>>
    tpu.enqueue_dma source(%dma_start3A_13 : memref<20000xi32, #tpu.memory_space<hbm>>) target(%arg8 : memref<20000xi32, #tpu.memory_space<vmem>>) target_semaphore(%arg11 : memref<!tpu.dma_semaphore, #tpu.memory_space<semaphore_mem>>)
    %broadcast_in_dim3A = arith.constant 0.000000e+00 : f32
    %broadcast_in_dim3A_14 = vector.broadcast %broadcast_in_dim3A : f32 to vector<16xf32>
    %scan3A = arith.constant 0 : i32
    %scan3A_15 = arith.constant 0 : i32
    %scan3A_16 = arith.constant 256 : i32
    %scan3A_17 = arith.addi %scan3A_15, %scan3A_16 : i32
    %scan3A_18 = arith.constant 1 : i32
    scf.for %scan3A_173 = %scan3A_15 to %scan3A_17 step %scan3A_18  : i32 {
      %mul3A_174 = arith.constant 16 : i32
      %mul3A_175 = arith.muli %scan3A_173, %mul3A_174 : i32
      %swap3A = arith.index_cast %mul3A_175 : i32 to index
      %swap3A_176 = tpu.vector_load %arg9[%swap3A] {strides = array<i32>} : memref<4096xf32, #tpu.memory_space<vmem>>, vector<16xf32>,
      tpu.vector_store %arg9[%swap3A], %broadcast_in_dim3A_14 {strides = array<i32>} : memref<4096xf32, #tpu.memory_space<vmem>>, vector<16xf32>,
    }
    %scan3A_19 = arith.constant 256 : i32
    %iota3A = tpu.iota {dimensions = array<i32: 0>} : vector<16xi32>
    %mul3A_20 = arith.constant 1250 : i32
    %mul3A_21 = vector.broadcast %mul3A_20 : i32 to vector<16xi32>
    %mul3A_22 = arith.muli %iota3A, %mul3A_21 : vector<16xi32>
    %add3A_23 = arith.constant 625 : i32
    %add3A_24 = vector.broadcast %add3A_23 : i32 to vector<16xi32>
    %add3A_25 = arith.addi %mul3A_22, %add3A_24 : vector<16xi32>
    %broadcast_in_dim3A_26 = arith.constant 0.000000e+00 : f32
    %broadcast_in_dim3A_27 = vector.broadcast %broadcast_in_dim3A_26 : f32 to vector<16xf32>
    %dma_wait3A = tpu.memref_slice %arg2[%add3A_4] : memref<6400000xf32, #tpu.memory_space<hbm>> -> memref<20000xf32, #tpu.memory_space<hbm>>
    %dma_wait3A_28 = tpu.memref_slice %arg2[%add3A_4] : memref<6400000xf32, #tpu.memory_space<hbm>> -> memref<20000xf32, #tpu.memory_space<hbm>>
    tpu.wait_dma2 semaphore(%arg10 : memref<!tpu.dma_semaphore, #tpu.memory_space<semaphore_mem>>) src(%dma_wait3A_28 : memref<20000xf32, #tpu.memory_space<hbm>>) dst(%arg5 : memref<20000xf32, #tpu.memory_space<vmem>>)
    %dma_wait3A_29 = tpu.memref_slice %arg3[%add3A_4] : memref<6400000xi32, #tpu.memory_space<hbm>> -> memref<20000xi32, #tpu.memory_space<hbm>>
    %dma_wait3A_30 = tpu.memref_slice %arg3[%add3A_4] : memref<6400000xi32, #tpu.memory_space<hbm>> -> memref<20000xi32, #tpu.memory_space<hbm>>
    tpu.wait_dma2 semaphore(%arg10 : memref<!tpu.dma_semaphore, #tpu.memory_space<semaphore_mem>>) src(%dma_wait3A_30 : memref<20000xi32, #tpu.memory_space<hbm>>) dst(%arg7 : memref<20000xi32, #tpu.memory_space<vmem>>)
    %gather3A = tpu.vector_load_idx %arg7[%mul3A_22] : memref<20000xi32, #tpu.memory_space<vmem>>[vector<16xi32>], vector<16xi32>,
    %gather3A_31 = tpu.vector_load_idx %arg7[%add3A_25] : memref<20000xi32, #tpu.memory_space<vmem>>[vector<16xi32>], vector<16xi32>,
    %parallel_loop3A = arith.constant 0 : i32
    %parallel_loop3A_32 = arith.constant 625 : i32
    %parallel_loop3A_33 = arith.constant 1 : i32
    %parallel_loop3A_34:4 = scf.for %parallel_loop3A_173 = %parallel_loop3A to %parallel_loop3A_32 step %parallel_loop3A_33 iter_args(%parallel_loop3A_174 = %gather3A, %parallel_loop3A_175 = %broadcast_in_dim3A_27, %parallel_loop3A_176 = %gather3A_31, %parallel_loop3A_177 = %broadcast_in_dim3A_27) -> (vector<16xi32>, vector<16xf32>, vector<16xi32>, vector<16xf32>)  : i32 {
      %parallel_loop3A_178 = vector.broadcast %parallel_loop3A_173 : i32 to vector<16xi32>
      %parallel_loop3A_179 = arith.addi %mul3A_22, %parallel_loop3A_178 : vector<16xi32>
      %parallel_loop3A_180 = vector.broadcast %parallel_loop3A_173 : i32 to vector<16xi32>
      %parallel_loop3A_181 = arith.addi %add3A_25, %parallel_loop3A_180 : vector<16xi32>
      %parallel_loop3A_182 = tpu.vector_load_idx %arg5[%parallel_loop3A_179] : memref<20000xf32, #tpu.memory_space<vmem>>[vector<16xi32>], vector<16xf32>,
      %parallel_loop3A_183 = tpu.vector_load_idx %arg7[%parallel_loop3A_179] : memref<20000xi32, #tpu.memory_space<vmem>>[vector<16xi32>], vector<16xi32>,
      %parallel_loop3A_184 = tpu.vector_load_idx %arg5[%parallel_loop3A_181] : memref<20000xf32, #tpu.memory_space<vmem>>[vector<16xi32>], vector<16xf32>,
      %parallel_loop3A_185 = tpu.vector_load_idx %arg7[%parallel_loop3A_181] : memref<20000xi32, #tpu.memory_space<vmem>>[vector<16xi32>], vector<16xi32>,
      %parallel_loop3A_186 = arith.cmpi ne, %parallel_loop3A_183, %parallel_loop3A_174 : vector<16xi32>
      %parallel_loop3A_187 = arith.cmpi ne, %parallel_loop3A_185, %parallel_loop3A_176 : vector<16xi32>
      tpu.vector_store_idx %arg9[%parallel_loop3A_174], %parallel_loop3A_175 masked %parallel_loop3A_186 {add = true} : memref<4096xf32, #tpu.memory_space<vmem>>[vector<16xi32>], vector<16xf32>, vector<16xi1>
      tpu.vector_store_idx %arg9[%parallel_loop3A_176], %parallel_loop3A_177 masked %parallel_loop3A_187 {add = true} : memref<4096xf32, #tpu.memory_space<vmem>>[vector<16xi32>], vector<16xf32>, vector<16xi1>
      %parallel_loop3A_188 = arith.addf %parallel_loop3A_175, %parallel_loop3A_182 : vector<16xf32>
      %parallel_loop3A_189 = arith.select %parallel_loop3A_186, %parallel_loop3A_182, %parallel_loop3A_188 : vector<16xi1>, vector<16xf32>
      %parallel_loop3A_190 = arith.addf %parallel_loop3A_177, %parallel_loop3A_184 : vector<16xf32>
      %parallel_loop3A_191 = arith.select %parallel_loop3A_187, %parallel_loop3A_184, %parallel_loop3A_190 : vector<16xi1>, vector<16xf32>
      scf.yield %parallel_loop3A_183, %parallel_loop3A_189, %parallel_loop3A_185, %parallel_loop3A_191 : vector<16xi32>, vector<16xf32>, vector<16xi32>, vector<16xf32>
    } {sc.loop_unroll_factor = 5 : i64, sc.parallel_access}
    tpu.vector_store_idx %arg9[%parallel_loop3A_34#0], %parallel_loop3A_34#1 {add = true} : memref<4096xf32, #tpu.memory_space<vmem>>[vector<16xi32>], vector<16xf32>,
    tpu.vector_store_idx %arg9[%parallel_loop3A_34#2], %parallel_loop3A_34#3 {add = true} : memref<4096xf32, #tpu.memory_space<vmem>>[vector<16xi32>], vector<16xf32>,
    %add3A_35 = arith.constant 40000 : i32
    %add3A_36 = arith.addi %mul3A_2, %add3A_35 : i32
    %dma_start3A_37 = tpu.memref_slice %arg2[%add3A_36] : memref<6400000xf32, #tpu.memory_space<hbm>> -> memref<20000xf32, #tpu.memory_space<hbm>>
    %dma_start3A_38 = tpu.memref_slice %arg2[%add3A_36] : memref<6400000xf32, #tpu.memory_space<hbm>> -> memref<20000xf32, #tpu.memory_space<hbm>>
    tpu.enqueue_dma source(%dma_start3A_38 : memref<20000xf32, #tpu.memory_space<hbm>>) target(%arg5 : memref<20000xf32, #tpu.memory_space<vmem>>) target_semaphore(%arg10 : memref<!tpu.dma_semaphore, #tpu.memory_space<semaphore_mem>>)
    %dma_start3A_39 = tpu.memref_slice %arg3[%add3A_36] : memref<6400000xi32, #tpu.memory_space<hbm>> -> memref<20000xi32, #tpu.memory_space<hbm>>
    %dma_start3A_40 = tpu.memref_slice %arg3[%add3A_36] : memref<6400000xi32, #tpu.memory_space<hbm>> -> memref<20000xi32, #tpu.memory_space<hbm>>
    tpu.enqueue_dma source(%dma_start3A_40 : memref<20000xi32, #tpu.memory_space<hbm>>) target(%arg7 : memref<20000xi32, #tpu.memory_space<vmem>>) target_semaphore(%arg10 : memref<!tpu.dma_semaphore, #tpu.memory_space<semaphore_mem>>)
    %dma_wait3A_41 = tpu.memref_slice %arg2[%add3A_9] : memref<6400000xf32, #tpu.memory_space<hbm>> -> memref<20000xf32, #tpu.memory_space<hbm>>
    %dma_wait3A_42 = tpu.memref_slice %arg2[%add3A_9] : memref<6400000xf32, #tpu.memory_space<hbm>> -> memref<20000xf32, #tpu.memory_space<hbm>>
    tpu.wait_dma2 semaphore(%arg11 : memref<!tpu.dma_semaphore, #tpu.memory_space<semaphore_mem>>) src(%dma_wait3A_42 : memref<20000xf32, #tpu.memory_space<hbm>>) dst(%arg6 : memref<20000xf32, #tpu.memory_space<vmem>>)
    %dma_wait3A_43 = tpu.memref_slice %arg3[%add3A_9] : memref<6400000xi32, #tpu.memory_space<hbm>> -> memref<20000xi32, #tpu.memory_space<hbm>>
    %dma_wait3A_44 = tpu.memref_slice %arg3[%add3A_9] : memref<6400000xi32, #tpu.memory_space<hbm>> -> memref<20000xi32, #tpu.memory_space<hbm>>
    tpu.wait_dma2 semaphore(%arg11 : memref<!tpu.dma_semaphore, #tpu.memory_space<semaphore_mem>>) src(%dma_wait3A_44 : memref<20000xi32, #tpu.memory_space<hbm>>) dst(%arg8 : memref<20000xi32, #tpu.memory_space<vmem>>)
    %gather3A_45 = tpu.vector_load_idx %arg8[%mul3A_22] : memref<20000xi32, #tpu.memory_space<vmem>>[vector<16xi32>], vector<16xi32>,
    %gather3A_46 = tpu.vector_load_idx %arg8[%add3A_25] : memref<20000xi32, #tpu.memory_space<vmem>>[vector<16xi32>], vector<16xi32>,
    %parallel_loop3A_47 = arith.constant 0 : i32
    %parallel_loop3A_48 = arith.constant 625 : i32
    %parallel_loop3A_49 = arith.constant 1 : i32
    %parallel_loop3A_50:4 = scf.for %parallel_loop3A_173 = %parallel_loop3A_47 to %parallel_loop3A_48 step %parallel_loop3A_49 iter_args(%parallel_loop3A_174 = %gather3A_45, %parallel_loop3A_175 = %broadcast_in_dim3A_27, %parallel_loop3A_176 = %gather3A_46, %parallel_loop3A_177 = %broadcast_in_dim3A_27) -> (vector<16xi32>, vector<16xf32>, vector<16xi32>, vector<16xf32>)  : i32 {
      %parallel_loop3A_178 = vector.broadcast %parallel_loop3A_173 : i32 to vector<16xi32>
      %parallel_loop3A_179 = arith.addi %mul3A_22, %parallel_loop3A_178 : vector<16xi32>
      %parallel_loop3A_180 = vector.broadcast %parallel_loop3A_173 : i32 to vector<16xi32>
      %parallel_loop3A_181 = arith.addi %add3A_25, %parallel_loop3A_180 : vector<16xi32>
      %parallel_loop3A_182 = tpu.vector_load_idx %arg6[%parallel_loop3A_179] : memref<20000xf32, #tpu.memory_space<vmem>>[vector<16xi32>], vector<16xf32>,
      %parallel_loop3A_183 = tpu.vector_load_idx %arg8[%parallel_loop3A_179] : memref<20000xi32, #tpu.memory_space<vmem>>[vector<16xi32>], vector<16xi32>,
      %parallel_loop3A_184 = tpu.vector_load_idx %arg6[%parallel_loop3A_181] : memref<20000xf32, #tpu.memory_space<vmem>>[vector<16xi32>], vector<16xf32>,
      %parallel_loop3A_185 = tpu.vector_load_idx %arg8[%parallel_loop3A_181] : memref<20000xi32, #tpu.memory_space<vmem>>[vector<16xi32>], vector<16xi32>,
      %parallel_loop3A_186 = arith.cmpi ne, %parallel_loop3A_183, %parallel_loop3A_174 : vector<16xi32>
      %parallel_loop3A_187 = arith.cmpi ne, %parallel_loop3A_185, %parallel_loop3A_176 : vector<16xi32>
      tpu.vector_store_idx %arg9[%parallel_loop3A_174], %parallel_loop3A_175 masked %parallel_loop3A_186 {add = true} : memref<4096xf32, #tpu.memory_space<vmem>>[vector<16xi32>], vector<16xf32>, vector<16xi1>
      tpu.vector_store_idx %arg9[%parallel_loop3A_176], %parallel_loop3A_177 masked %parallel_loop3A_187 {add = true} : memref<4096xf32, #tpu.memory_space<vmem>>[vector<16xi32>], vector<16xf32>, vector<16xi1>
      %parallel_loop3A_188 = arith.addf %parallel_loop3A_175, %parallel_loop3A_182 : vector<16xf32>
      %parallel_loop3A_189 = arith.select %parallel_loop3A_186, %parallel_loop3A_182, %parallel_loop3A_188 : vector<16xi1>, vector<16xf32>
      %parallel_loop3A_190 = arith.addf %parallel_loop3A_177, %parallel_loop3A_184 : vector<16xf32>
      %parallel_loop3A_191 = arith.select %parallel_loop3A_187, %parallel_loop3A_184, %parallel_loop3A_190 : vector<16xi1>, vector<16xf32>
      scf.yield %parallel_loop3A_183, %parallel_loop3A_189, %parallel_loop3A_185, %parallel_loop3A_191 : vector<16xi32>, vector<16xf32>, vector<16xi32>, vector<16xf32>
    } {sc.loop_unroll_factor = 5 : i64, sc.parallel_access}
    tpu.vector_store_idx %arg9[%parallel_loop3A_50#0], %parallel_loop3A_50#1 {add = true} : memref<4096xf32, #tpu.memory_space<vmem>>[vector<16xi32>], vector<16xf32>,
    tpu.vector_store_idx %arg9[%parallel_loop3A_50#2], %parallel_loop3A_50#3 {add = true} : memref<4096xf32, #tpu.memory_space<vmem>>[vector<16xi32>], vector<16xf32>,
    %add3A_51 = arith.constant 60000 : i32
    %add3A_52 = arith.addi %mul3A_2, %add3A_51 : i32
    %dma_start3A_53 = tpu.memref_slice %arg2[%add3A_52] : memref<6400000xf32, #tpu.memory_space<hbm>> -> memref<20000xf32, #tpu.memory_space<hbm>>
    %dma_start3A_54 = tpu.memref_slice %arg2[%add3A_52] : memref<6400000xf32, #tpu.memory_space<hbm>> -> memref<20000xf32, #tpu.memory_space<hbm>>
    tpu.enqueue_dma source(%dma_start3A_54 : memref<20000xf32, #tpu.memory_space<hbm>>) target(%arg6 : memref<20000xf32, #tpu.memory_space<vmem>>) target_semaphore(%arg11 : memref<!tpu.dma_semaphore, #tpu.memory_space<semaphore_mem>>)
    %dma_start3A_55 = tpu.memref_slice %arg3[%add3A_52] : memref<6400000xi32, #tpu.memory_space<hbm>> -> memref<20000xi32, #tpu.memory_space<hbm>>
    %dma_start3A_56 = tpu.memref_slice %arg3[%add3A_52] : memref<6400000xi32, #tpu.memory_space<hbm>> -> memref<20000xi32, #tpu.memory_space<hbm>>
    tpu.enqueue_dma source(%dma_start3A_56 : memref<20000xi32, #tpu.memory_space<hbm>>) target(%arg8 : memref<20000xi32, #tpu.memory_space<vmem>>) target_semaphore(%arg11 : memref<!tpu.dma_semaphore, #tpu.memory_space<semaphore_mem>>)
    %dma_wait3A_57 = tpu.memref_slice %arg2[%add3A_36] : memref<6400000xf32, #tpu.memory_space<hbm>> -> memref<20000xf32, #tpu.memory_space<hbm>>
    %dma_wait3A_58 = tpu.memref_slice %arg2[%add3A_36] : memref<6400000xf32, #tpu.memory_space<hbm>> -> memref<20000xf32, #tpu.memory_space<hbm>>
    tpu.wait_dma2 semaphore(%arg10 : memref<!tpu.dma_semaphore, #tpu.memory_space<semaphore_mem>>) src(%dma_wait3A_58 : memref<20000xf32, #tpu.memory_space<hbm>>) dst(%arg5 : memref<20000xf32, #tpu.memory_space<vmem>>)
    %dma_wait3A_59 = tpu.memref_slice %arg3[%add3A_36] : memref<6400000xi32, #tpu.memory_space<hbm>> -> memref<20000xi32, #tpu.memory_space<hbm>>
    %dma_wait3A_60 = tpu.memref_slice %arg3[%add3A_36] : memref<6400000xi32, #tpu.memory_space<hbm>> -> memref<20000xi32, #tpu.memory_space<hbm>>
    tpu.wait_dma2 semaphore(%arg10 : memref<!tpu.dma_semaphore, #tpu.memory_space<semaphore_mem>>) src(%dma_wait3A_60 : memref<20000xi32, #tpu.memory_space<hbm>>) dst(%arg7 : memref<20000xi32, #tpu.memory_space<vmem>>)
    %gather3A_61 = tpu.vector_load_idx %arg7[%mul3A_22] : memref<20000xi32, #tpu.memory_space<vmem>>[vector<16xi32>], vector<16xi32>,
    %gather3A_62 = tpu.vector_load_idx %arg7[%add3A_25] : memref<20000xi32, #tpu.memory_space<vmem>>[vector<16xi32>], vector<16xi32>,
    %parallel_loop3A_63 = arith.constant 0 : i32
    %parallel_loop3A_64 = arith.constant 625 : i32
    %parallel_loop3A_65 = arith.constant 1 : i32
    %parallel_loop3A_66:4 = scf.for %parallel_loop3A_173 = %parallel_loop3A_63 to %parallel_loop3A_64 step %parallel_loop3A_65 iter_args(%parallel_loop3A_174 = %gather3A_61, %parallel_loop3A_175 = %broadcast_in_dim3A_27, %parallel_loop3A_176 = %gather3A_62, %parallel_loop3A_177 = %broadcast_in_dim3A_27) -> (vector<16xi32>, vector<16xf32>, vector<16xi32>, vector<16xf32>)  : i32 {
      %parallel_loop3A_178 = vector.broadcast %parallel_loop3A_173 : i32 to vector<16xi32>
      %parallel_loop3A_179 = arith.addi %mul3A_22, %parallel_loop3A_178 : vector<16xi32>
      %parallel_loop3A_180 = vector.broadcast %parallel_loop3A_173 : i32 to vector<16xi32>
      %parallel_loop3A_181 = arith.addi %add3A_25, %parallel_loop3A_180 : vector<16xi32>
      %parallel_loop3A_182 = tpu.vector_load_idx %arg5[%parallel_loop3A_179] : memref<20000xf32, #tpu.memory_space<vmem>>[vector<16xi32>], vector<16xf32>,
      %parallel_loop3A_183 = tpu.vector_load_idx %arg7[%parallel_loop3A_179] : memref<20000xi32, #tpu.memory_space<vmem>>[vector<16xi32>], vector<16xi32>,
      %parallel_loop3A_184 = tpu.vector_load_idx %arg5[%parallel_loop3A_181] : memref<20000xf32, #tpu.memory_space<vmem>>[vector<16xi32>], vector<16xf32>,
      %parallel_loop3A_185 = tpu.vector_load_idx %arg7[%parallel_loop3A_181] : memref<20000xi32, #tpu.memory_space<vmem>>[vector<16xi32>], vector<16xi32>,
      %parallel_loop3A_186 = arith.cmpi ne, %parallel_loop3A_183, %parallel_loop3A_174 : vector<16xi32>
      %parallel_loop3A_187 = arith.cmpi ne, %parallel_loop3A_185, %parallel_loop3A_176 : vector<16xi32>
      tpu.vector_store_idx %arg9[%parallel_loop3A_174], %parallel_loop3A_175 masked %parallel_loop3A_186 {add = true} : memref<4096xf32, #tpu.memory_space<vmem>>[vector<16xi32>], vector<16xf32>, vector<16xi1>
      tpu.vector_store_idx %arg9[%parallel_loop3A_176], %parallel_loop3A_177 masked %parallel_loop3A_187 {add = true} : memref<4096xf32, #tpu.memory_space<vmem>>[vector<16xi32>], vector<16xf32>, vector<16xi1>
      %parallel_loop3A_188 = arith.addf %parallel_loop3A_175, %parallel_loop3A_182 : vector<16xf32>
      %parallel_loop3A_189 = arith.select %parallel_loop3A_186, %parallel_loop3A_182, %parallel_loop3A_188 : vector<16xi1>, vector<16xf32>
      %parallel_loop3A_190 = arith.addf %parallel_loop3A_177, %parallel_loop3A_184 : vector<16xf32>
      %parallel_loop3A_191 = arith.select %parallel_loop3A_187, %parallel_loop3A_184, %parallel_loop3A_190 : vector<16xi1>, vector<16xf32>
      scf.yield %parallel_loop3A_183, %parallel_loop3A_189, %parallel_loop3A_185, %parallel_loop3A_191 : vector<16xi32>, vector<16xf32>, vector<16xi32>, vector<16xf32>
    } {sc.loop_unroll_factor = 5 : i64, sc.parallel_access}
    tpu.vector_store_idx %arg9[%parallel_loop3A_66#0], %parallel_loop3A_66#1 {add = true} : memref<4096xf32, #tpu.memory_space<vmem>>[vector<16xi32>], vector<16xf32>,
    tpu.vector_store_idx %arg9[%parallel_loop3A_66#2], %parallel_loop3A_66#3 {add = true} : memref<4096xf32, #tpu.memory_space<vmem>>[vector<16xi32>], vector<16xf32>,
    %add3A_67 = arith.constant 80000 : i32
    %add3A_68 = arith.addi %mul3A_2, %add3A_67 : i32
    %dma_start3A_69 = tpu.memref_slice %arg2[%add3A_68] : memref<6400000xf32, #tpu.memory_space<hbm>> -> memref<20000xf32, #tpu.memory_space<hbm>>
    %dma_start3A_70 = tpu.memref_slice %arg2[%add3A_68] : memref<6400000xf32, #tpu.memory_space<hbm>> -> memref<20000xf32, #tpu.memory_space<hbm>>
    tpu.enqueue_dma source(%dma_start3A_70 : memref<20000xf32, #tpu.memory_space<hbm>>) target(%arg5 : memref<20000xf32, #tpu.memory_space<vmem>>) target_semaphore(%arg10 : memref<!tpu.dma_semaphore, #tpu.memory_space<semaphore_mem>>)
    %dma_start3A_71 = tpu.memref_slice %arg3[%add3A_68] : memref<6400000xi32, #tpu.memory_space<hbm>> -> memref<20000xi32, #tpu.memory_space<hbm>>
    %dma_start3A_72 = tpu.memref_slice %arg3[%add3A_68] : memref<6400000xi32, #tpu.memory_space<hbm>> -> memref<20000xi32, #tpu.memory_space<hbm>>
    tpu.enqueue_dma source(%dma_start3A_72 : memref<20000xi32, #tpu.memory_space<hbm>>) target(%arg7 : memref<20000xi32, #tpu.memory_space<vmem>>) target_semaphore(%arg10 : memref<!tpu.dma_semaphore, #tpu.memory_space<semaphore_mem>>)
    %dma_wait3A_73 = tpu.memref_slice %arg2[%add3A_52] : memref<6400000xf32, #tpu.memory_space<hbm>> -> memref<20000xf32, #tpu.memory_space<hbm>>
    %dma_wait3A_74 = tpu.memref_slice %arg2[%add3A_52] : memref<6400000xf32, #tpu.memory_space<hbm>> -> memref<20000xf32, #tpu.memory_space<hbm>>
    tpu.wait_dma2 semaphore(%arg11 : memref<!tpu.dma_semaphore, #tpu.memory_space<semaphore_mem>>) src(%dma_wait3A_74 : memref<20000xf32, #tpu.memory_space<hbm>>) dst(%arg6 : memref<20000xf32, #tpu.memory_space<vmem>>)
    %dma_wait3A_75 = tpu.memref_slice %arg3[%add3A_52] : memref<6400000xi32, #tpu.memory_space<hbm>> -> memref<20000xi32, #tpu.memory_space<hbm>>
    %dma_wait3A_76 = tpu.memref_slice %arg3[%add3A_52] : memref<6400000xi32, #tpu.memory_space<hbm>> -> memref<20000xi32, #tpu.memory_space<hbm>>
    tpu.wait_dma2 semaphore(%arg11 : memref<!tpu.dma_semaphore, #tpu.memory_space<semaphore_mem>>) src(%dma_wait3A_76 : memref<20000xi32, #tpu.memory_space<hbm>>) dst(%arg8 : memref<20000xi32, #tpu.memory_space<vmem>>)
    %gather3A_77 = tpu.vector_load_idx %arg8[%mul3A_22] : memref<20000xi32, #tpu.memory_space<vmem>>[vector<16xi32>], vector<16xi32>,
    %gather3A_78 = tpu.vector_load_idx %arg8[%add3A_25] : memref<20000xi32, #tpu.memory_space<vmem>>[vector<16xi32>], vector<16xi32>,
    %parallel_loop3A_79 = arith.constant 0 : i32
    %parallel_loop3A_80 = arith.constant 625 : i32
    %parallel_loop3A_81 = arith.constant 1 : i32
    %parallel_loop3A_82:4 = scf.for %parallel_loop3A_173 = %parallel_loop3A_79 to %parallel_loop3A_80 step %parallel_loop3A_81 iter_args(%parallel_loop3A_174 = %gather3A_77, %parallel_loop3A_175 = %broadcast_in_dim3A_27, %parallel_loop3A_176 = %gather3A_78, %parallel_loop3A_177 = %broadcast_in_dim3A_27) -> (vector<16xi32>, vector<16xf32>, vector<16xi32>, vector<16xf32>)  : i32 {
      %parallel_loop3A_178 = vector.broadcast %parallel_loop3A_173 : i32 to vector<16xi32>
      %parallel_loop3A_179 = arith.addi %mul3A_22, %parallel_loop3A_178 : vector<16xi32>
      %parallel_loop3A_180 = vector.broadcast %parallel_loop3A_173 : i32 to vector<16xi32>
      %parallel_loop3A_181 = arith.addi %add3A_25, %parallel_loop3A_180 : vector<16xi32>
      %parallel_loop3A_182 = tpu.vector_load_idx %arg6[%parallel_loop3A_179] : memref<20000xf32, #tpu.memory_space<vmem>>[vector<16xi32>], vector<16xf32>,
      %parallel_loop3A_183 = tpu.vector_load_idx %arg8[%parallel_loop3A_179] : memref<20000xi32, #tpu.memory_space<vmem>>[vector<16xi32>], vector<16xi32>,
      %parallel_loop3A_184 = tpu.vector_load_idx %arg6[%parallel_loop3A_181] : memref<20000xf32, #tpu.memory_space<vmem>>[vector<16xi32>], vector<16xf32>,
      %parallel_loop3A_185 = tpu.vector_load_idx %arg8[%parallel_loop3A_181] : memref<20000xi32, #tpu.memory_space<vmem>>[vector<16xi32>], vector<16xi32>,
      %parallel_loop3A_186 = arith.cmpi ne, %parallel_loop3A_183, %parallel_loop3A_174 : vector<16xi32>
      %parallel_loop3A_187 = arith.cmpi ne, %parallel_loop3A_185, %parallel_loop3A_176 : vector<16xi32>
      tpu.vector_store_idx %arg9[%parallel_loop3A_174], %parallel_loop3A_175 masked %parallel_loop3A_186 {add = true} : memref<4096xf32, #tpu.memory_space<vmem>>[vector<16xi32>], vector<16xf32>, vector<16xi1>
      tpu.vector_store_idx %arg9[%parallel_loop3A_176], %parallel_loop3A_177 masked %parallel_loop3A_187 {add = true} : memref<4096xf32, #tpu.memory_space<vmem>>[vector<16xi32>], vector<16xf32>, vector<16xi1>
      %parallel_loop3A_188 = arith.addf %parallel_loop3A_175, %parallel_loop3A_182 : vector<16xf32>
      %parallel_loop3A_189 = arith.select %parallel_loop3A_186, %parallel_loop3A_182, %parallel_loop3A_188 : vector<16xi1>, vector<16xf32>
      %parallel_loop3A_190 = arith.addf %parallel_loop3A_177, %parallel_loop3A_184 : vector<16xf32>
      %parallel_loop3A_191 = arith.select %parallel_loop3A_187, %parallel_loop3A_184, %parallel_loop3A_190 : vector<16xi1>, vector<16xf32>
      scf.yield %parallel_loop3A_183, %parallel_loop3A_189, %parallel_loop3A_185, %parallel_loop3A_191 : vector<16xi32>, vector<16xf32>, vector<16xi32>, vector<16xf32>
    } {sc.loop_unroll_factor = 5 : i64, sc.parallel_access}
    tpu.vector_store_idx %arg9[%parallel_loop3A_82#0], %parallel_loop3A_82#1 {add = true} : memref<4096xf32, #tpu.memory_space<vmem>>[vector<16xi32>], vector<16xf32>,
    tpu.vector_store_idx %arg9[%parallel_loop3A_82#2], %parallel_loop3A_82#3 {add = true} : memref<4096xf32, #tpu.memory_space<vmem>>[vector<16xi32>], vector<16xf32>,
    %add3A_83 = arith.constant 100000 : i32
    %add3A_84 = arith.addi %mul3A_2, %add3A_83 : i32
    %dma_start3A_85 = tpu.memref_slice %arg2[%add3A_84] : memref<6400000xf32, #tpu.memory_space<hbm>> -> memref<20000xf32, #tpu.memory_space<hbm>>
    %dma_start3A_86 = tpu.memref_slice %arg2[%add3A_84] : memref<6400000xf32, #tpu.memory_space<hbm>> -> memref<20000xf32, #tpu.memory_space<hbm>>
    tpu.enqueue_dma source(%dma_start3A_86 : memref<20000xf32, #tpu.memory_space<hbm>>) target(%arg6 : memref<20000xf32, #tpu.memory_space<vmem>>) target_semaphore(%arg11 : memref<!tpu.dma_semaphore, #tpu.memory_space<semaphore_mem>>)
    %dma_start3A_87 = tpu.memref_slice %arg3[%add3A_84] : memref<6400000xi32, #tpu.memory_space<hbm>> -> memref<20000xi32, #tpu.memory_space<hbm>>
    %dma_start3A_88 = tpu.memref_slice %arg3[%add3A_84] : memref<6400000xi32, #tpu.memory_space<hbm>> -> memref<20000xi32, #tpu.memory_space<hbm>>
    tpu.enqueue_dma source(%dma_start3A_88 : memref<20000xi32, #tpu.memory_space<hbm>>) target(%arg8 : memref<20000xi32, #tpu.memory_space<vmem>>) target_semaphore(%arg11 : memref<!tpu.dma_semaphore, #tpu.memory_space<semaphore_mem>>)
    %dma_wait3A_89 = tpu.memref_slice %arg2[%add3A_68] : memref<6400000xf32, #tpu.memory_space<hbm>> -> memref<20000xf32, #tpu.memory_space<hbm>>
    %dma_wait3A_90 = tpu.memref_slice %arg2[%add3A_68] : memref<6400000xf32, #tpu.memory_space<hbm>> -> memref<20000xf32, #tpu.memory_space<hbm>>
    tpu.wait_dma2 semaphore(%arg10 : memref<!tpu.dma_semaphore, #tpu.memory_space<semaphore_mem>>) src(%dma_wait3A_90 : memref<20000xf32, #tpu.memory_space<hbm>>) dst(%arg5 : memref<20000xf32, #tpu.memory_space<vmem>>)
    %dma_wait3A_91 = tpu.memref_slice %arg3[%add3A_68] : memref<6400000xi32, #tpu.memory_space<hbm>> -> memref<20000xi32, #tpu.memory_space<hbm>>
    %dma_wait3A_92 = tpu.memref_slice %arg3[%add3A_68] : memref<6400000xi32, #tpu.memory_space<hbm>> -> memref<20000xi32, #tpu.memory_space<hbm>>
    tpu.wait_dma2 semaphore(%arg10 : memref<!tpu.dma_semaphore, #tpu.memory_space<semaphore_mem>>) src(%dma_wait3A_92 : memref<20000xi32, #tpu.memory_space<hbm>>) dst(%arg7 : memref<20000xi32, #tpu.memory_space<vmem>>)
    %gather3A_93 = tpu.vector_load_idx %arg7[%mul3A_22] : memref<20000xi32, #tpu.memory_space<vmem>>[vector<16xi32>], vector<16xi32>,
    %gather3A_94 = tpu.vector_load_idx %arg7[%add3A_25] : memref<20000xi32, #tpu.memory_space<vmem>>[vector<16xi32>], vector<16xi32>,
    %parallel_loop3A_95 = arith.constant 0 : i32
    %parallel_loop3A_96 = arith.constant 625 : i32
    %parallel_loop3A_97 = arith.constant 1 : i32
    %parallel_loop3A_98:4 = scf.for %parallel_loop3A_173 = %parallel_loop3A_95 to %parallel_loop3A_96 step %parallel_loop3A_97 iter_args(%parallel_loop3A_174 = %gather3A_93, %parallel_loop3A_175 = %broadcast_in_dim3A_27, %parallel_loop3A_176 = %gather3A_94, %parallel_loop3A_177 = %broadcast_in_dim3A_27) -> (vector<16xi32>, vector<16xf32>, vector<16xi32>, vector<16xf32>)  : i32 {
      %parallel_loop3A_178 = vector.broadcast %parallel_loop3A_173 : i32 to vector<16xi32>
      %parallel_loop3A_179 = arith.addi %mul3A_22, %parallel_loop3A_178 : vector<16xi32>
      %parallel_loop3A_180 = vector.broadcast %parallel_loop3A_173 : i32 to vector<16xi32>
      %parallel_loop3A_181 = arith.addi %add3A_25, %parallel_loop3A_180 : vector<16xi32>
      %parallel_loop3A_182 = tpu.vector_load_idx %arg5[%parallel_loop3A_179] : memref<20000xf32, #tpu.memory_space<vmem>>[vector<16xi32>], vector<16xf32>,
      %parallel_loop3A_183 = tpu.vector_load_idx %arg7[%parallel_loop3A_179] : memref<20000xi32, #tpu.memory_space<vmem>>[vector<16xi32>], vector<16xi32>,
      %parallel_loop3A_184 = tpu.vector_load_idx %arg5[%parallel_loop3A_181] : memref<20000xf32, #tpu.memory_space<vmem>>[vector<16xi32>], vector<16xf32>,
      %parallel_loop3A_185 = tpu.vector_load_idx %arg7[%parallel_loop3A_181] : memref<20000xi32, #tpu.memory_space<vmem>>[vector<16xi32>], vector<16xi32>,
      %parallel_loop3A_186 = arith.cmpi ne, %parallel_loop3A_183, %parallel_loop3A_174 : vector<16xi32>
      %parallel_loop3A_187 = arith.cmpi ne, %parallel_loop3A_185, %parallel_loop3A_176 : vector<16xi32>
      tpu.vector_store_idx %arg9[%parallel_loop3A_174], %parallel_loop3A_175 masked %parallel_loop3A_186 {add = true} : memref<4096xf32, #tpu.memory_space<vmem>>[vector<16xi32>], vector<16xf32>, vector<16xi1>
      tpu.vector_store_idx %arg9[%parallel_loop3A_176], %parallel_loop3A_177 masked %parallel_loop3A_187 {add = true} : memref<4096xf32, #tpu.memory_space<vmem>>[vector<16xi32>], vector<16xf32>, vector<16xi1>
      %parallel_loop3A_188 = arith.addf %parallel_loop3A_175, %parallel_loop3A_182 : vector<16xf32>
      %parallel_loop3A_189 = arith.select %parallel_loop3A_186, %parallel_loop3A_182, %parallel_loop3A_188 : vector<16xi1>, vector<16xf32>
      %parallel_loop3A_190 = arith.addf %parallel_loop3A_177, %parallel_loop3A_184 : vector<16xf32>
      %parallel_loop3A_191 = arith.select %parallel_loop3A_187, %parallel_loop3A_184, %parallel_loop3A_190 : vector<16xi1>, vector<16xf32>
      scf.yield %parallel_loop3A_183, %parallel_loop3A_189, %parallel_loop3A_185, %parallel_loop3A_191 : vector<16xi32>, vector<16xf32>, vector<16xi32>, vector<16xf32>
    } {sc.loop_unroll_factor = 5 : i64, sc.parallel_access}
    tpu.vector_store_idx %arg9[%parallel_loop3A_98#0], %parallel_loop3A_98#1 {add = true} : memref<4096xf32, #tpu.memory_space<vmem>>[vector<16xi32>], vector<16xf32>,
    tpu.vector_store_idx %arg9[%parallel_loop3A_98#2], %parallel_loop3A_98#3 {add = true} : memref<4096xf32, #tpu.memory_space<vmem>>[vector<16xi32>], vector<16xf32>,
    %add3A_99 = arith.constant 120000 : i32
    %add3A_100 = arith.addi %mul3A_2, %add3A_99 : i32
    %dma_start3A_101 = tpu.memref_slice %arg2[%add3A_100] : memref<6400000xf32, #tpu.memory_space<hbm>> -> memref<20000xf32, #tpu.memory_space<hbm>>
    %dma_start3A_102 = tpu.memref_slice %arg2[%add3A_100] : memref<6400000xf32, #tpu.memory_space<hbm>> -> memref<20000xf32, #tpu.memory_space<hbm>>
    tpu.enqueue_dma source(%dma_start3A_102 : memref<20000xf32, #tpu.memory_space<hbm>>) target(%arg5 : memref<20000xf32, #tpu.memory_space<vmem>>) target_semaphore(%arg10 : memref<!tpu.dma_semaphore, #tpu.memory_space<semaphore_mem>>)
    %dma_start3A_103 = tpu.memref_slice %arg3[%add3A_100] : memref<6400000xi32, #tpu.memory_space<hbm>> -> memref<20000xi32, #tpu.memory_space<hbm>>
    %dma_start3A_104 = tpu.memref_slice %arg3[%add3A_100] : memref<6400000xi32, #tpu.memory_space<hbm>> -> memref<20000xi32, #tpu.memory_space<hbm>>
    tpu.enqueue_dma source(%dma_start3A_104 : memref<20000xi32, #tpu.memory_space<hbm>>) target(%arg7 : memref<20000xi32, #tpu.memory_space<vmem>>) target_semaphore(%arg10 : memref<!tpu.dma_semaphore, #tpu.memory_space<semaphore_mem>>)
    %dma_wait3A_105 = tpu.memref_slice %arg2[%add3A_84] : memref<6400000xf32, #tpu.memory_space<hbm>> -> memref<20000xf32, #tpu.memory_space<hbm>>
    %dma_wait3A_106 = tpu.memref_slice %arg2[%add3A_84] : memref<6400000xf32, #tpu.memory_space<hbm>> -> memref<20000xf32, #tpu.memory_space<hbm>>
    tpu.wait_dma2 semaphore(%arg11 : memref<!tpu.dma_semaphore, #tpu.memory_space<semaphore_mem>>) src(%dma_wait3A_106 : memref<20000xf32, #tpu.memory_space<hbm>>) dst(%arg6 : memref<20000xf32, #tpu.memory_space<vmem>>)
    %dma_wait3A_107 = tpu.memref_slice %arg3[%add3A_84] : memref<6400000xi32, #tpu.memory_space<hbm>> -> memref<20000xi32, #tpu.memory_space<hbm>>
    %dma_wait3A_108 = tpu.memref_slice %arg3[%add3A_84] : memref<6400000xi32, #tpu.memory_space<hbm>> -> memref<20000xi32, #tpu.memory_space<hbm>>
    tpu.wait_dma2 semaphore(%arg11 : memref<!tpu.dma_semaphore, #tpu.memory_space<semaphore_mem>>) src(%dma_wait3A_108 : memref<20000xi32, #tpu.memory_space<hbm>>) dst(%arg8 : memref<20000xi32, #tpu.memory_space<vmem>>)
    %gather3A_109 = tpu.vector_load_idx %arg8[%mul3A_22] : memref<20000xi32, #tpu.memory_space<vmem>>[vector<16xi32>], vector<16xi32>,
    %gather3A_110 = tpu.vector_load_idx %arg8[%add3A_25] : memref<20000xi32, #tpu.memory_space<vmem>>[vector<16xi32>], vector<16xi32>,
    %parallel_loop3A_111 = arith.constant 0 : i32
    %parallel_loop3A_112 = arith.constant 625 : i32
    %parallel_loop3A_113 = arith.constant 1 : i32
    %parallel_loop3A_114:4 = scf.for %parallel_loop3A_173 = %parallel_loop3A_111 to %parallel_loop3A_112 step %parallel_loop3A_113 iter_args(%parallel_loop3A_174 = %gather3A_109, %parallel_loop3A_175 = %broadcast_in_dim3A_27, %parallel_loop3A_176 = %gather3A_110, %parallel_loop3A_177 = %broadcast_in_dim3A_27) -> (vector<16xi32>, vector<16xf32>, vector<16xi32>, vector<16xf32>)  : i32 {
      %parallel_loop3A_178 = vector.broadcast %parallel_loop3A_173 : i32 to vector<16xi32>
      %parallel_loop3A_179 = arith.addi %mul3A_22, %parallel_loop3A_178 : vector<16xi32>
      %parallel_loop3A_180 = vector.broadcast %parallel_loop3A_173 : i32 to vector<16xi32>
      %parallel_loop3A_181 = arith.addi %add3A_25, %parallel_loop3A_180 : vector<16xi32>
      %parallel_loop3A_182 = tpu.vector_load_idx %arg6[%parallel_loop3A_179] : memref<20000xf32, #tpu.memory_space<vmem>>[vector<16xi32>], vector<16xf32>,
      %parallel_loop3A_183 = tpu.vector_load_idx %arg8[%parallel_loop3A_179] : memref<20000xi32, #tpu.memory_space<vmem>>[vector<16xi32>], vector<16xi32>,
      %parallel_loop3A_184 = tpu.vector_load_idx %arg6[%parallel_loop3A_181] : memref<20000xf32, #tpu.memory_space<vmem>>[vector<16xi32>], vector<16xf32>,
      %parallel_loop3A_185 = tpu.vector_load_idx %arg8[%parallel_loop3A_181] : memref<20000xi32, #tpu.memory_space<vmem>>[vector<16xi32>], vector<16xi32>,
      %parallel_loop3A_186 = arith.cmpi ne, %parallel_loop3A_183, %parallel_loop3A_174 : vector<16xi32>
      %parallel_loop3A_187 = arith.cmpi ne, %parallel_loop3A_185, %parallel_loop3A_176 : vector<16xi32>
      tpu.vector_store_idx %arg9[%parallel_loop3A_174], %parallel_loop3A_175 masked %parallel_loop3A_186 {add = true} : memref<4096xf32, #tpu.memory_space<vmem>>[vector<16xi32>], vector<16xf32>, vector<16xi1>
      tpu.vector_store_idx %arg9[%parallel_loop3A_176], %parallel_loop3A_177 masked %parallel_loop3A_187 {add = true} : memref<4096xf32, #tpu.memory_space<vmem>>[vector<16xi32>], vector<16xf32>, vector<16xi1>
      %parallel_loop3A_188 = arith.addf %parallel_loop3A_175, %parallel_loop3A_182 : vector<16xf32>
      %parallel_loop3A_189 = arith.select %parallel_loop3A_186, %parallel_loop3A_182, %parallel_loop3A_188 : vector<16xi1>, vector<16xf32>
      %parallel_loop3A_190 = arith.addf %parallel_loop3A_177, %parallel_loop3A_184 : vector<16xf32>
      %parallel_loop3A_191 = arith.select %parallel_loop3A_187, %parallel_loop3A_184, %parallel_loop3A_190 : vector<16xi1>, vector<16xf32>
      scf.yield %parallel_loop3A_183, %parallel_loop3A_189, %parallel_loop3A_185, %parallel_loop3A_191 : vector<16xi32>, vector<16xf32>, vector<16xi32>, vector<16xf32>
    } {sc.loop_unroll_factor = 5 : i64, sc.parallel_access}
    tpu.vector_store_idx %arg9[%parallel_loop3A_114#0], %parallel_loop3A_114#1 {add = true} : memref<4096xf32, #tpu.memory_space<vmem>>[vector<16xi32>], vector<16xf32>,
    tpu.vector_store_idx %arg9[%parallel_loop3A_114#2], %parallel_loop3A_114#3 {add = true} : memref<4096xf32, #tpu.memory_space<vmem>>[vector<16xi32>], vector<16xf32>,
    %add3A_115 = arith.constant 140000 : i32
    %add3A_116 = arith.addi %mul3A_2, %add3A_115 : i32
    %dma_start3A_117 = tpu.memref_slice %arg2[%add3A_116] : memref<6400000xf32, #tpu.memory_space<hbm>> -> memref<20000xf32, #tpu.memory_space<hbm>>
    %dma_start3A_118 = tpu.memref_slice %arg2[%add3A_116] : memref<6400000xf32, #tpu.memory_space<hbm>> -> memref<20000xf32, #tpu.memory_space<hbm>>
    tpu.enqueue_dma source(%dma_start3A_118 : memref<20000xf32, #tpu.memory_space<hbm>>) target(%arg6 : memref<20000xf32, #tpu.memory_space<vmem>>) target_semaphore(%arg11 : memref<!tpu.dma_semaphore, #tpu.memory_space<semaphore_mem>>)
    %dma_start3A_119 = tpu.memref_slice %arg3[%add3A_116] : memref<6400000xi32, #tpu.memory_space<hbm>> -> memref<20000xi32, #tpu.memory_space<hbm>>
    %dma_start3A_120 = tpu.memref_slice %arg3[%add3A_116] : memref<6400000xi32, #tpu.memory_space<hbm>> -> memref<20000xi32, #tpu.memory_space<hbm>>
    tpu.enqueue_dma source(%dma_start3A_120 : memref<20000xi32, #tpu.memory_space<hbm>>) target(%arg8 : memref<20000xi32, #tpu.memory_space<vmem>>) target_semaphore(%arg11 : memref<!tpu.dma_semaphore, #tpu.memory_space<semaphore_mem>>)
    %dma_wait3A_121 = tpu.memref_slice %arg2[%add3A_100] : memref<6400000xf32, #tpu.memory_space<hbm>> -> memref<20000xf32, #tpu.memory_space<hbm>>
    %dma_wait3A_122 = tpu.memref_slice %arg2[%add3A_100] : memref<6400000xf32, #tpu.memory_space<hbm>> -> memref<20000xf32, #tpu.memory_space<hbm>>
    tpu.wait_dma2 semaphore(%arg10 : memref<!tpu.dma_semaphore, #tpu.memory_space<semaphore_mem>>) src(%dma_wait3A_122 : memref<20000xf32, #tpu.memory_space<hbm>>) dst(%arg5 : memref<20000xf32, #tpu.memory_space<vmem>>)
    %dma_wait3A_123 = tpu.memref_slice %arg3[%add3A_100] : memref<6400000xi32, #tpu.memory_space<hbm>> -> memref<20000xi32, #tpu.memory_space<hbm>>
    %dma_wait3A_124 = tpu.memref_slice %arg3[%add3A_100] : memref<6400000xi32, #tpu.memory_space<hbm>> -> memref<20000xi32, #tpu.memory_space<hbm>>
    tpu.wait_dma2 semaphore(%arg10 : memref<!tpu.dma_semaphore, #tpu.memory_space<semaphore_mem>>) src(%dma_wait3A_124 : memref<20000xi32, #tpu.memory_space<hbm>>) dst(%arg7 : memref<20000xi32, #tpu.memory_space<vmem>>)
    %gather3A_125 = tpu.vector_load_idx %arg7[%mul3A_22] : memref<20000xi32, #tpu.memory_space<vmem>>[vector<16xi32>], vector<16xi32>,
    %gather3A_126 = tpu.vector_load_idx %arg7[%add3A_25] : memref<20000xi32, #tpu.memory_space<vmem>>[vector<16xi32>], vector<16xi32>,
    %parallel_loop3A_127 = arith.constant 0 : i32
    %parallel_loop3A_128 = arith.constant 625 : i32
    %parallel_loop3A_129 = arith.constant 1 : i32
    %parallel_loop3A_130:4 = scf.for %parallel_loop3A_173 = %parallel_loop3A_127 to %parallel_loop3A_128 step %parallel_loop3A_129 iter_args(%parallel_loop3A_174 = %gather3A_125, %parallel_loop3A_175 = %broadcast_in_dim3A_27, %parallel_loop3A_176 = %gather3A_126, %parallel_loop3A_177 = %broadcast_in_dim3A_27) -> (vector<16xi32>, vector<16xf32>, vector<16xi32>, vector<16xf32>)  : i32 {
      %parallel_loop3A_178 = vector.broadcast %parallel_loop3A_173 : i32 to vector<16xi32>
      %parallel_loop3A_179 = arith.addi %mul3A_22, %parallel_loop3A_178 : vector<16xi32>
      %parallel_loop3A_180 = vector.broadcast %parallel_loop3A_173 : i32 to vector<16xi32>
      %parallel_loop3A_181 = arith.addi %add3A_25, %parallel_loop3A_180 : vector<16xi32>
      %parallel_loop3A_182 = tpu.vector_load_idx %arg5[%parallel_loop3A_179] : memref<20000xf32, #tpu.memory_space<vmem>>[vector<16xi32>], vector<16xf32>,
      %parallel_loop3A_183 = tpu.vector_load_idx %arg7[%parallel_loop3A_179] : memref<20000xi32, #tpu.memory_space<vmem>>[vector<16xi32>], vector<16xi32>,
      %parallel_loop3A_184 = tpu.vector_load_idx %arg5[%parallel_loop3A_181] : memref<20000xf32, #tpu.memory_space<vmem>>[vector<16xi32>], vector<16xf32>,
      %parallel_loop3A_185 = tpu.vector_load_idx %arg7[%parallel_loop3A_181] : memref<20000xi32, #tpu.memory_space<vmem>>[vector<16xi32>], vector<16xi32>,
      %parallel_loop3A_186 = arith.cmpi ne, %parallel_loop3A_183, %parallel_loop3A_174 : vector<16xi32>
      %parallel_loop3A_187 = arith.cmpi ne, %parallel_loop3A_185, %parallel_loop3A_176 : vector<16xi32>
      tpu.vector_store_idx %arg9[%parallel_loop3A_174], %parallel_loop3A_175 masked %parallel_loop3A_186 {add = true} : memref<4096xf32, #tpu.memory_space<vmem>>[vector<16xi32>], vector<16xf32>, vector<16xi1>
      tpu.vector_store_idx %arg9[%parallel_loop3A_176], %parallel_loop3A_177 masked %parallel_loop3A_187 {add = true} : memref<4096xf32, #tpu.memory_space<vmem>>[vector<16xi32>], vector<16xf32>, vector<16xi1>
      %parallel_loop3A_188 = arith.addf %parallel_loop3A_175, %parallel_loop3A_182 : vector<16xf32>
      %parallel_loop3A_189 = arith.select %parallel_loop3A_186, %parallel_loop3A_182, %parallel_loop3A_188 : vector<16xi1>, vector<16xf32>
      %parallel_loop3A_190 = arith.addf %parallel_loop3A_177, %parallel_loop3A_184 : vector<16xf32>
      %parallel_loop3A_191 = arith.select %parallel_loop3A_187, %parallel_loop3A_184, %parallel_loop3A_190 : vector<16xi1>, vector<16xf32>
      scf.yield %parallel_loop3A_183, %parallel_loop3A_189, %parallel_loop3A_185, %parallel_loop3A_191 : vector<16xi32>, vector<16xf32>, vector<16xi32>, vector<16xf32>
    } {sc.loop_unroll_factor = 5 : i64, sc.parallel_access}
    tpu.vector_store_idx %arg9[%parallel_loop3A_130#0], %parallel_loop3A_130#1 {add = true} : memref<4096xf32, #tpu.memory_space<vmem>>[vector<16xi32>], vector<16xf32>,
    tpu.vector_store_idx %arg9[%parallel_loop3A_130#2], %parallel_loop3A_130#3 {add = true} : memref<4096xf32, #tpu.memory_space<vmem>>[vector<16xi32>], vector<16xf32>,
    %add3A_131 = arith.constant 160000 : i32
    %add3A_132 = arith.addi %mul3A_2, %add3A_131 : i32
    %dma_start3A_133 = tpu.memref_slice %arg2[%add3A_132] : memref<6400000xf32, #tpu.memory_space<hbm>> -> memref<20000xf32, #tpu.memory_space<hbm>>
    %dma_start3A_134 = tpu.memref_slice %arg2[%add3A_132] : memref<6400000xf32, #tpu.memory_space<hbm>> -> memref<20000xf32, #tpu.memory_space<hbm>>
    tpu.enqueue_dma source(%dma_start3A_134 : memref<20000xf32, #tpu.memory_space<hbm>>) target(%arg5 : memref<20000xf32, #tpu.memory_space<vmem>>) target_semaphore(%arg10 : memref<!tpu.dma_semaphore, #tpu.memory_space<semaphore_mem>>)
    %dma_start3A_135 = tpu.memref_slice %arg3[%add3A_132] : memref<6400000xi32, #tpu.memory_space<hbm>> -> memref<20000xi32, #tpu.memory_space<hbm>>
    %dma_start3A_136 = tpu.memref_slice %arg3[%add3A_132] : memref<6400000xi32, #tpu.memory_space<hbm>> -> memref<20000xi32, #tpu.memory_space<hbm>>
    tpu.enqueue_dma source(%dma_start3A_136 : memref<20000xi32, #tpu.memory_space<hbm>>) target(%arg7 : memref<20000xi32, #tpu.memory_space<vmem>>) target_semaphore(%arg10 : memref<!tpu.dma_semaphore, #tpu.memory_space<semaphore_mem>>)
    %dma_wait3A_137 = tpu.memref_slice %arg2[%add3A_116] : memref<6400000xf32, #tpu.memory_space<hbm>> -> memref<20000xf32, #tpu.memory_space<hbm>>
    %dma_wait3A_138 = tpu.memref_slice %arg2[%add3A_116] : memref<6400000xf32, #tpu.memory_space<hbm>> -> memref<20000xf32, #tpu.memory_space<hbm>>
    tpu.wait_dma2 semaphore(%arg11 : memref<!tpu.dma_semaphore, #tpu.memory_space<semaphore_mem>>) src(%dma_wait3A_138 : memref<20000xf32, #tpu.memory_space<hbm>>) dst(%arg6 : memref<20000xf32, #tpu.memory_space<vmem>>)
    %dma_wait3A_139 = tpu.memref_slice %arg3[%add3A_116] : memref<6400000xi32, #tpu.memory_space<hbm>> -> memref<20000xi32, #tpu.memory_space<hbm>>
    %dma_wait3A_140 = tpu.memref_slice %arg3[%add3A_116] : memref<6400000xi32, #tpu.memory_space<hbm>> -> memref<20000xi32, #tpu.memory_space<hbm>>
    tpu.wait_dma2 semaphore(%arg11 : memref<!tpu.dma_semaphore, #tpu.memory_space<semaphore_mem>>) src(%dma_wait3A_140 : memref<20000xi32, #tpu.memory_space<hbm>>) dst(%arg8 : memref<20000xi32, #tpu.memory_space<vmem>>)
    %gather3A_141 = tpu.vector_load_idx %arg8[%mul3A_22] : memref<20000xi32, #tpu.memory_space<vmem>>[vector<16xi32>], vector<16xi32>,
    %gather3A_142 = tpu.vector_load_idx %arg8[%add3A_25] : memref<20000xi32, #tpu.memory_space<vmem>>[vector<16xi32>], vector<16xi32>,
    %parallel_loop3A_143 = arith.constant 0 : i32
    %parallel_loop3A_144 = arith.constant 625 : i32
    %parallel_loop3A_145 = arith.constant 1 : i32
    %parallel_loop3A_146:4 = scf.for %parallel_loop3A_173 = %parallel_loop3A_143 to %parallel_loop3A_144 step %parallel_loop3A_145 iter_args(%parallel_loop3A_174 = %gather3A_141, %parallel_loop3A_175 = %broadcast_in_dim3A_27, %parallel_loop3A_176 = %gather3A_142, %parallel_loop3A_177 = %broadcast_in_dim3A_27) -> (vector<16xi32>, vector<16xf32>, vector<16xi32>, vector<16xf32>)  : i32 {
      %parallel_loop3A_178 = vector.broadcast %parallel_loop3A_173 : i32 to vector<16xi32>
      %parallel_loop3A_179 = arith.addi %mul3A_22, %parallel_loop3A_178 : vector<16xi32>
      %parallel_loop3A_180 = vector.broadcast %parallel_loop3A_173 : i32 to vector<16xi32>
      %parallel_loop3A_181 = arith.addi %add3A_25, %parallel_loop3A_180 : vector<16xi32>
      %parallel_loop3A_182 = tpu.vector_load_idx %arg6[%parallel_loop3A_179] : memref<20000xf32, #tpu.memory_space<vmem>>[vector<16xi32>], vector<16xf32>,
      %parallel_loop3A_183 = tpu.vector_load_idx %arg8[%parallel_loop3A_179] : memref<20000xi32, #tpu.memory_space<vmem>>[vector<16xi32>], vector<16xi32>,
      %parallel_loop3A_184 = tpu.vector_load_idx %arg6[%parallel_loop3A_181] : memref<20000xf32, #tpu.memory_space<vmem>>[vector<16xi32>], vector<16xf32>,
      %parallel_loop3A_185 = tpu.vector_load_idx %arg8[%parallel_loop3A_181] : memref<20000xi32, #tpu.memory_space<vmem>>[vector<16xi32>], vector<16xi32>,
      %parallel_loop3A_186 = arith.cmpi ne, %parallel_loop3A_183, %parallel_loop3A_174 : vector<16xi32>
      %parallel_loop3A_187 = arith.cmpi ne, %parallel_loop3A_185, %parallel_loop3A_176 : vector<16xi32>
      tpu.vector_store_idx %arg9[%parallel_loop3A_174], %parallel_loop3A_175 masked %parallel_loop3A_186 {add = true} : memref<4096xf32, #tpu.memory_space<vmem>>[vector<16xi32>], vector<16xf32>, vector<16xi1>
      tpu.vector_store_idx %arg9[%parallel_loop3A_176], %parallel_loop3A_177 masked %parallel_loop3A_187 {add = true} : memref<4096xf32, #tpu.memory_space<vmem>>[vector<16xi32>], vector<16xf32>, vector<16xi1>
      %parallel_loop3A_188 = arith.addf %parallel_loop3A_175, %parallel_loop3A_182 : vector<16xf32>
      %parallel_loop3A_189 = arith.select %parallel_loop3A_186, %parallel_loop3A_182, %parallel_loop3A_188 : vector<16xi1>, vector<16xf32>
      %parallel_loop3A_190 = arith.addf %parallel_loop3A_177, %parallel_loop3A_184 : vector<16xf32>
      %parallel_loop3A_191 = arith.select %parallel_loop3A_187, %parallel_loop3A_184, %parallel_loop3A_190 : vector<16xi1>, vector<16xf32>
      scf.yield %parallel_loop3A_183, %parallel_loop3A_189, %parallel_loop3A_185, %parallel_loop3A_191 : vector<16xi32>, vector<16xf32>, vector<16xi32>, vector<16xf32>
    } {sc.loop_unroll_factor = 5 : i64, sc.parallel_access}
    tpu.vector_store_idx %arg9[%parallel_loop3A_146#0], %parallel_loop3A_146#1 {add = true} : memref<4096xf32, #tpu.memory_space<vmem>>[vector<16xi32>], vector<16xf32>,
    tpu.vector_store_idx %arg9[%parallel_loop3A_146#2], %parallel_loop3A_146#3 {add = true} : memref<4096xf32, #tpu.memory_space<vmem>>[vector<16xi32>], vector<16xf32>,
    %add3A_147 = arith.constant 180000 : i32
    %add3A_148 = arith.addi %mul3A_2, %add3A_147 : i32
    %dma_start3A_149 = tpu.memref_slice %arg2[%add3A_148] : memref<6400000xf32, #tpu.memory_space<hbm>> -> memref<20000xf32, #tpu.memory_space<hbm>>
    %dma_start3A_150 = tpu.memref_slice %arg2[%add3A_148] : memref<6400000xf32, #tpu.memory_space<hbm>> -> memref<20000xf32, #tpu.memory_space<hbm>>
    tpu.enqueue_dma source(%dma_start3A_150 : memref<20000xf32, #tpu.memory_space<hbm>>) target(%arg6 : memref<20000xf32, #tpu.memory_space<vmem>>) target_semaphore(%arg11 : memref<!tpu.dma_semaphore, #tpu.memory_space<semaphore_mem>>)
    %dma_start3A_151 = tpu.memref_slice %arg3[%add3A_148] : memref<6400000xi32, #tpu.memory_space<hbm>> -> memref<20000xi32, #tpu.memory_space<hbm>>
    %dma_start3A_152 = tpu.memref_slice %arg3[%add3A_148] : memref<6400000xi32, #tpu.memory_space<hbm>> -> memref<20000xi32, #tpu.memory_space<hbm>>
    tpu.enqueue_dma source(%dma_start3A_152 : memref<20000xi32, #tpu.memory_space<hbm>>) target(%arg8 : memref<20000xi32, #tpu.memory_space<vmem>>) target_semaphore(%arg11 : memref<!tpu.dma_semaphore, #tpu.memory_space<semaphore_mem>>)
    %dma_wait3A_153 = tpu.memref_slice %arg2[%add3A_132] : memref<6400000xf32, #tpu.memory_space<hbm>> -> memref<20000xf32, #tpu.memory_space<hbm>>
    %dma_wait3A_154 = tpu.memref_slice %arg2[%add3A_132] : memref<6400000xf32, #tpu.memory_space<hbm>> -> memref<20000xf32, #tpu.memory_space<hbm>>
    tpu.wait_dma2 semaphore(%arg10 : memref<!tpu.dma_semaphore, #tpu.memory_space<semaphore_mem>>) src(%dma_wait3A_154 : memref<20000xf32, #tpu.memory_space<hbm>>) dst(%arg5 : memref<20000xf32, #tpu.memory_space<vmem>>)
    %dma_wait3A_155 = tpu.memref_slice %arg3[%add3A_132] : memref<6400000xi32, #tpu.memory_space<hbm>> -> memref<20000xi32, #tpu.memory_space<hbm>>
    %dma_wait3A_156 = tpu.memref_slice %arg3[%add3A_132] : memref<6400000xi32, #tpu.memory_space<hbm>> -> memref<20000xi32, #tpu.memory_space<hbm>>
    tpu.wait_dma2 semaphore(%arg10 : memref<!tpu.dma_semaphore, #tpu.memory_space<semaphore_mem>>) src(%dma_wait3A_156 : memref<20000xi32, #tpu.memory_space<hbm>>) dst(%arg7 : memref<20000xi32, #tpu.memory_space<vmem>>)
    %gather3A_157 = tpu.vector_load_idx %arg7[%mul3A_22] : memref<20000xi32, #tpu.memory_space<vmem>>[vector<16xi32>], vector<16xi32>,
    %gather3A_158 = tpu.vector_load_idx %arg7[%add3A_25] : memref<20000xi32, #tpu.memory_space<vmem>>[vector<16xi32>], vector<16xi32>,
    %parallel_loop3A_159 = arith.constant 0 : i32
    %parallel_loop3A_160 = arith.constant 625 : i32
    %parallel_loop3A_161 = arith.constant 1 : i32
    %parallel_loop3A_162:4 = scf.for %parallel_loop3A_173 = %parallel_loop3A_159 to %parallel_loop3A_160 step %parallel_loop3A_161 iter_args(%parallel_loop3A_174 = %gather3A_157, %parallel_loop3A_175 = %broadcast_in_dim3A_27, %parallel_loop3A_176 = %gather3A_158, %parallel_loop3A_177 = %broadcast_in_dim3A_27) -> (vector<16xi32>, vector<16xf32>, vector<16xi32>, vector<16xf32>)  : i32 {
      %parallel_loop3A_178 = vector.broadcast %parallel_loop3A_173 : i32 to vector<16xi32>
      %parallel_loop3A_179 = arith.addi %mul3A_22, %parallel_loop3A_178 : vector<16xi32>
      %parallel_loop3A_180 = vector.broadcast %parallel_loop3A_173 : i32 to vector<16xi32>
      %parallel_loop3A_181 = arith.addi %add3A_25, %parallel_loop3A_180 : vector<16xi32>
      %parallel_loop3A_182 = tpu.vector_load_idx %arg5[%parallel_loop3A_179] : memref<20000xf32, #tpu.memory_space<vmem>>[vector<16xi32>], vector<16xf32>,
      %parallel_loop3A_183 = tpu.vector_load_idx %arg7[%parallel_loop3A_179] : memref<20000xi32, #tpu.memory_space<vmem>>[vector<16xi32>], vector<16xi32>,
      %parallel_loop3A_184 = tpu.vector_load_idx %arg5[%parallel_loop3A_181] : memref<20000xf32, #tpu.memory_space<vmem>>[vector<16xi32>], vector<16xf32>,
      %parallel_loop3A_185 = tpu.vector_load_idx %arg7[%parallel_loop3A_181] : memref<20000xi32, #tpu.memory_space<vmem>>[vector<16xi32>], vector<16xi32>,
      %parallel_loop3A_186 = arith.cmpi ne, %parallel_loop3A_183, %parallel_loop3A_174 : vector<16xi32>
      %parallel_loop3A_187 = arith.cmpi ne, %parallel_loop3A_185, %parallel_loop3A_176 : vector<16xi32>
      tpu.vector_store_idx %arg9[%parallel_loop3A_174], %parallel_loop3A_175 masked %parallel_loop3A_186 {add = true} : memref<4096xf32, #tpu.memory_space<vmem>>[vector<16xi32>], vector<16xf32>, vector<16xi1>
      tpu.vector_store_idx %arg9[%parallel_loop3A_176], %parallel_loop3A_177 masked %parallel_loop3A_187 {add = true} : memref<4096xf32, #tpu.memory_space<vmem>>[vector<16xi32>], vector<16xf32>, vector<16xi1>
      %parallel_loop3A_188 = arith.addf %parallel_loop3A_175, %parallel_loop3A_182 : vector<16xf32>
      %parallel_loop3A_189 = arith.select %parallel_loop3A_186, %parallel_loop3A_182, %parallel_loop3A_188 : vector<16xi1>, vector<16xf32>
      %parallel_loop3A_190 = arith.addf %parallel_loop3A_177, %parallel_loop3A_184 : vector<16xf32>
      %parallel_loop3A_191 = arith.select %parallel_loop3A_187, %parallel_loop3A_184, %parallel_loop3A_190 : vector<16xi1>, vector<16xf32>
      scf.yield %parallel_loop3A_183, %parallel_loop3A_189, %parallel_loop3A_185, %parallel_loop3A_191 : vector<16xi32>, vector<16xf32>, vector<16xi32>, vector<16xf32>
    } {sc.loop_unroll_factor = 5 : i64, sc.parallel_access}
    tpu.vector_store_idx %arg9[%parallel_loop3A_162#0], %parallel_loop3A_162#1 {add = true} : memref<4096xf32, #tpu.memory_space<vmem>>[vector<16xi32>], vector<16xf32>,
    tpu.vector_store_idx %arg9[%parallel_loop3A_162#2], %parallel_loop3A_162#3 {add = true} : memref<4096xf32, #tpu.memory_space<vmem>>[vector<16xi32>], vector<16xf32>,
    %dma_wait3A_163 = tpu.memref_slice %arg2[%add3A_148] : memref<6400000xf32, #tpu.memory_space<hbm>> -> memref<20000xf32, #tpu.memory_space<hbm>>
    %dma_wait3A_164 = tpu.memref_slice %arg2[%add3A_148] : memref<6400000xf32, #tpu.memory_space<hbm>> -> memref<20000xf32, #tpu.memory_space<hbm>>
    tpu.wait_dma2 semaphore(%arg11 : memref<!tpu.dma_semaphore, #tpu.memory_space<semaphore_mem>>) src(%dma_wait3A_164 : memref<20000xf32, #tpu.memory_space<hbm>>) dst(%arg6 : memref<20000xf32, #tpu.memory_space<vmem>>)
    %dma_wait3A_165 = tpu.memref_slice %arg3[%add3A_148] : memref<6400000xi32, #tpu.memory_space<hbm>> -> memref<20000xi32, #tpu.memory_space<hbm>>
    %dma_wait3A_166 = tpu.memref_slice %arg3[%add3A_148] : memref<6400000xi32, #tpu.memory_space<hbm>> -> memref<20000xi32, #tpu.memory_space<hbm>>
    tpu.wait_dma2 semaphore(%arg11 : memref<!tpu.dma_semaphore, #tpu.memory_space<semaphore_mem>>) src(%dma_wait3A_166 : memref<20000xi32, #tpu.memory_space<hbm>>) dst(%arg8 : memref<20000xi32, #tpu.memory_space<vmem>>)
    %gather3A_167 = tpu.vector_load_idx %arg8[%mul3A_22] : memref<20000xi32, #tpu.memory_space<vmem>>[vector<16xi32>], vector<16xi32>,
    %gather3A_168 = tpu.vector_load_idx %arg8[%add3A_25] : memref<20000xi32, #tpu.memory_space<vmem>>[vector<16xi32>], vector<16xi32>,
    %parallel_loop3A_169 = arith.constant 0 : i32
    %parallel_loop3A_170 = arith.constant 625 : i32
    %parallel_loop3A_171 = arith.constant 1 : i32
    %parallel_loop3A_172:4 = scf.for %parallel_loop3A_173 = %parallel_loop3A_169 to %parallel_loop3A_170 step %parallel_loop3A_171 iter_args(%parallel_loop3A_174 = %gather3A_167, %parallel_loop3A_175 = %broadcast_in_dim3A_27, %parallel_loop3A_176 = %gather3A_168, %parallel_loop3A_177 = %broadcast_in_dim3A_27) -> (vector<16xi32>, vector<16xf32>, vector<16xi32>, vector<16xf32>)  : i32 {
      %parallel_loop3A_178 = vector.broadcast %parallel_loop3A_173 : i32 to vector<16xi32>
      %parallel_loop3A_179 = arith.addi %mul3A_22, %parallel_loop3A_178 : vector<16xi32>
      %parallel_loop3A_180 = vector.broadcast %parallel_loop3A_173 : i32 to vector<16xi32>
      %parallel_loop3A_181 = arith.addi %add3A_25, %parallel_loop3A_180 : vector<16xi32>
      %parallel_loop3A_182 = tpu.vector_load_idx %arg6[%parallel_loop3A_179] : memref<20000xf32, #tpu.memory_space<vmem>>[vector<16xi32>], vector<16xf32>,
      %parallel_loop3A_183 = tpu.vector_load_idx %arg8[%parallel_loop3A_179] : memref<20000xi32, #tpu.memory_space<vmem>>[vector<16xi32>], vector<16xi32>,
      %parallel_loop3A_184 = tpu.vector_load_idx %arg6[%parallel_loop3A_181] : memref<20000xf32, #tpu.memory_space<vmem>>[vector<16xi32>], vector<16xf32>,
      %parallel_loop3A_185 = tpu.vector_load_idx %arg8[%parallel_loop3A_181] : memref<20000xi32, #tpu.memory_space<vmem>>[vector<16xi32>], vector<16xi32>,
      %parallel_loop3A_186 = arith.cmpi ne, %parallel_loop3A_183, %parallel_loop3A_174 : vector<16xi32>
      %parallel_loop3A_187 = arith.cmpi ne, %parallel_loop3A_185, %parallel_loop3A_176 : vector<16xi32>
      tpu.vector_store_idx %arg9[%parallel_loop3A_174], %parallel_loop3A_175 masked %parallel_loop3A_186 {add = true} : memref<4096xf32, #tpu.memory_space<vmem>>[vector<16xi32>], vector<16xf32>, vector<16xi1>
      tpu.vector_store_idx %arg9[%parallel_loop3A_176], %parallel_loop3A_177 masked %parallel_loop3A_187 {add = true} : memref<4096xf32, #tpu.memory_space<vmem>>[vector<16xi32>], vector<16xf32>, vector<16xi1>
      %parallel_loop3A_188 = arith.addf %parallel_loop3A_175, %parallel_loop3A_182 : vector<16xf32>
      %parallel_loop3A_189 = arith.select %parallel_loop3A_186, %parallel_loop3A_182, %parallel_loop3A_188 : vector<16xi1>, vector<16xf32>
      %parallel_loop3A_190 = arith.addf %parallel_loop3A_177, %parallel_loop3A_184 : vector<16xf32>
      %parallel_loop3A_191 = arith.select %parallel_loop3A_187, %parallel_loop3A_184, %parallel_loop3A_190 : vector<16xi1>, vector<16xf32>
      scf.yield %parallel_loop3A_183, %parallel_loop3A_189, %parallel_loop3A_185, %parallel_loop3A_191 : vector<16xi32>, vector<16xf32>, vector<16xi32>, vector<16xf32>
    } {sc.loop_unroll_factor = 5 : i64, sc.parallel_access}
    tpu.vector_store_idx %arg9[%parallel_loop3A_172#0], %parallel_loop3A_172#1 {add = true} : memref<4096xf32, #tpu.memory_space<vmem>>[vector<16xi32>], vector<16xf32>,
    tpu.vector_store_idx %arg9[%parallel_loop3A_172#2], %parallel_loop3A_172#3 {add = true} : memref<4096xf32, #tpu.memory_space<vmem>>[vector<16xi32>], vector<16xf32>,
    "tpu.region"() ({
      %run_scoped3A = tpu.sem_alloc : memref<!tpu.dma_semaphore, #tpu.memory_space<semaphore_mem>>
      %dma_start3A_173 = arith.constant 0 : i32
      %dma_start3A_174 = tpu.memref_slice %arg4[%add3A, %dma_start3A_173] : memref<32x4096xf32, #tpu.memory_space<hbm>> -> memref<1x4096xf32, #tpu.memory_space<hbm>>
      %dma_start3A_175 = tpu.memref_squeeze %dma_start3A_174 : memref<1x4096xf32, #tpu.memory_space<hbm>> -> memref<4096xf32, #tpu.memory_space<hbm>>
      %dma_start3A_176 = arith.constant 0 : i32
      %dma_start3A_177 = tpu.memref_slice %arg4[%add3A, %dma_start3A_176] : memref<32x4096xf32, #tpu.memory_space<hbm>> -> memref<1x4096xf32, #tpu.memory_space<hbm>>
      %dma_start3A_178 = tpu.memref_squeeze %dma_start3A_177 : memref<1x4096xf32, #tpu.memory_space<hbm>> -> memref<4096xf32, #tpu.memory_space<hbm>>
      tpu.enqueue_dma source(%arg9 : memref<4096xf32, #tpu.memory_space<vmem>>) target(%dma_start3A_178 : memref<4096xf32, #tpu.memory_space<hbm>>) target_semaphore(%run_scoped3A : memref<!tpu.dma_semaphore, #tpu.memory_space<semaphore_mem>>)
      %dma_wait3A_179 = arith.constant 0 : i32
      %dma_wait3A_180 = tpu.memref_slice %arg4[%add3A, %dma_wait3A_179] : memref<32x4096xf32, #tpu.memory_space<hbm>> -> memref<1x4096xf32, #tpu.memory_space<hbm>>
      %dma_wait3A_181 = tpu.memref_squeeze %dma_wait3A_180 : memref<1x4096xf32, #tpu.memory_space<hbm>> -> memref<4096xf32, #tpu.memory_space<hbm>>
      %dma_wait3A_182 = arith.constant 0 : i32
      %dma_wait3A_183 = tpu.memref_slice %arg4[%add3A, %dma_wait3A_182] : memref<32x4096xf32, #tpu.memory_space<hbm>> -> memref<1x4096xf32, #tpu.memory_space<hbm>>
      %dma_wait3A_184 = tpu.memref_squeeze %dma_wait3A_183 : memref<1x4096xf32, #tpu.memory_space<hbm>> -> memref<4096xf32, #tpu.memory_space<hbm>>
      tpu.wait_dma2 semaphore(%run_scoped3A : memref<!tpu.dma_semaphore, #tpu.memory_space<semaphore_mem>>) src(%arg9 : memref<4096xf32, #tpu.memory_space<vmem>>) dst(%dma_wait3A_184 : memref<4096xf32, #tpu.memory_space<hbm>>)
      tpu.yield
    }) : () -> ()
    return
  }
}

module attributes {stable_mosaic.version = 14 : i64} {
  func.func @_combine_body(%arg0: memref<32x4096xf32, #tpu.memory_space<vmem>>, %arg1: memref<1x4096xf32, #tpu.memory_space<vmem>>) attributes {dimension_semantics = [], scalar_prefetch = 0 : i64, scratch_operands = 0 : i64, tpu.core_type = #tpu.core_type<tc>} {
    %get3A = arith.constant 0 : index
    %get3A_0 = arith.constant 0 : index
    %get3A_1 = vector.load %arg0[%get3A, %get3A_0] : memref<32x4096xf32, #tpu.memory_space<vmem>>, vector<32x4096xf32>
    %reduce_sum3A = arith.constant dense<0.000000e+00> : vector<4096xf32>
    %reduce_sum3A_2 = vector.multi_reduction <add>, %get3A_1, %reduce_sum3A [0] : vector<32x4096xf32> to vector<4096xf32>
    %broadcast_in_dim3A = vector.shape_cast %reduce_sum3A_2 : vector<4096xf32> to vector<1x4096xf32>
    %swap3A = arith.constant 0 : index
    %swap3A_3 = arith.constant 0 : index
    %swap3A_4 = vector.load %arg1[%swap3A, %swap3A_3] : memref<1x4096xf32, #tpu.memory_space<vmem>>, vector<1x4096xf32>
    tpu.vector_store %arg1[%swap3A, %swap3A_3], %broadcast_in_dim3A {strides = array<i32>} : memref<1x4096xf32, #tpu.memory_space<vmem>>, vector<1x4096xf32>,
    return
  }
}

</mosaic_0001>

<sc_bundles>
// kernel: kernel.4.cloned.1.call-start
scs
__scs_entry_jumppad:
0x0: {  	(pc) =	sbr.rel $0x88, $3  }
0x1: {  	(tag) =	ssettag $0x0;
	lr =	simm.s32 $0x1  }
0x2: {  	[smem:$0x3F9F] =	sst lr;
	_ =	strace $0xD0000000  }
0x3: {  	_ = 	snop  }
0x4: {  	_ = 	snop  }
0x5: {  	_ = 	snop  }
0x6: {  	_ = 	snop  }
0x7: {  	_ = 	snop  }
__scs_overlays_trampoline_lowered:
0x8: {  	[smem:$0x3FAE] =	sst s0  }
0x9: {  	[smem:$0x3FAF] =	sst s1  }
0xa: {  	[smem:$0x3FB0] =	sst s2  }
0xb: {  	[smem:$0x3FB1] =	sst s3  }
0xc: {  	[smem:$0x3FB2] =	sst s4  }
0xd: {  	[smem:$0x3FB3] =	sst s5  }
0xe: {  	[smem:$0x3FB4] =	sst s6  }
0xf: {  	[smem:$0x3FB5] =	sst s7  }
0x10: {  	[smem:$0x3FB6] =	sst s8  }
0x11: {  	[smem:$0x3FB7] =	sst s9;
	s0 =	simm.s32 @!p0 $0x0  }
0x12: {  	s1 =	sld [smem:$0x3F9D];
	s0 =	simm.s32 @p0 $0x1  }
0x13: {  	[smem:$0x3FB8] =	sst s0;
	s0 =	simm.s32 @!p1 $0x0  }
0x14: {  	s2 =	sld [smem:$0x3F9C];
	s0 =	simm.s32 @p1 $0x1  }
0x15: {  	[smem:$0x3FB9] =	sst s0;
	s0 =	simm.s32 @!p2 $0x0  }
0x16: {  	s3 =	sld [smem:$0x3FDB];
	s0 =	simm.s32 @p2 $0x1  }
0x17: {  	s4 =	simm.s32 $0x1BF5;
	[smem:$0x3FBB] =	sst s0  }
0x18: {  	s0 =	sld [smem:$0x3F9E];
	_ =	swait.ge [sflag:s4], $0x0  }
0x19: {  	s7 =	sld [smem:$0x3F9F]  }
0x1a: {  	s8 =	sadd.s32 $0xFFFFE003, lr  }
0x1b: {  	s9 =	sadd.s32 $0xFFFFFEF7, lr;
	s5 =	simm.s32 $0xFFFFFFFF;
	p2 =	slt.u32 s8, $0xFFFFF086  }
0x1c: {  	p1 =	slt.u32 s9, $0xF7A;
	s5 =	simm.s32 @!p2 $0x0  }
0x1d: {  	s5 =	simm.s32 @p1 $0x1;
	p0 =	seq.s32 s7, s2  }
0x1e: {  	s7 =	smul.u32 @!p0 $0xF7A, s2;
	p2 =	seq.s32 @!p0 s5, $0x0  }
0x1f: {  	s9 =	smul.u32 $0xF7A, s1;
	s8 =	simm.s32 @!p0 $0x1BF5;
	p2 =	por !p2, p0  }
0x20: {  	[sflag:s8] =	ssyncset.s32 @!p0 $0xFFFFF086;
	s6 =	sadd.s32 @!p0 s3, s7;
	s7 =	simm.s32 @!p0 $0x108  }
0x21: {  	s3 =	sadd.s32 s3, s9;
	s6 =	sadd.s32 @!p0 $0x88, s6;
	s7 =	simm.s32 @p2 $0x1082  }
0x22: {  	[simem:s7], [sflag:s8] =	dma.local @!p0 [hbm:s6], $0xF7A  }
0x23: {  	s9 =	sor.u32 $0xD0000000, s2;
	s6 =	simm.s32 $0x108;
	_ =	swait.ge @!p0 [sflag:s8], $0x0  }
0x24: {  	s3 =	sadd.s32 $0x88, s3;
	s6 =	simm.s32 @!p1 $0x1082;
	[sflag:s4] =	ssyncset.s32 $0xFFFFF086  }
0x25: {  	[simem:s6], [sflag:s4] =	dma.local [hbm:s3], $0xF7A  }
0x26: {  	[smem:$0x3F9F] =	sst s1;
	(tag) =	ssettag s2;
	_ =	strace s9  }
0x27: {  	s1 =	sld [smem:$0x3FAF]  }
0x28: {  	s2 =	sld [smem:$0x3FB0]  }
0x29: {  	s4 =	sld [smem:$0x3FB2]  }
0x2a: {  	p0 =	seq.s32 s5, $0x0;
	s5 =	sld [smem:$0x3FB3]  }
0x2b: {  	s6 =	sld [smem:$0x3FB4]  }
0x2c: {  	s7 =	sld [smem:$0x3FB5]  }
0x2d: {  	s3 =	simm.s32 $0x108;
	s8 =	sld [smem:$0x3FB6]  }
0x2e: {  	s3 =	simm.s32 @!p0 $0x1082;
	s9 =	sld [smem:$0x3FB7]  }
0x2f: {  	lr =	sadd.s32 s0, s3;
	s0 =	sld [smem:$0x3FAE]  }
0x30: {  	s3 =	sld [smem:$0x3FB1]  }
0x31: {  	[smem:$0x3FBA] =	sst s10  }
0x32: {  	s10 =	sld [smem:$0x3FB8];
	_ =	sdelay $0x3  }
0x33: {  	p0 =	seq.s32 s10, $0x1;
	s10 =	sld [smem:$0x3FBA];
	_ =	sdelay $0x3  }
0x34: {  	[smem:$0x3FBA] =	sst s10  }
0x35: {  	s10 =	sld [smem:$0x3FB9];
	_ =	sdelay $0x3  }
0x36: {  	p1 =	seq.s32 s10, $0x1;
	s10 =	sld [smem:$0x3FBA];
	_ =	sdelay $0x3  }
0x37: {  	[smem:$0x3FBA] =	sst s10  }
0x38: {  	s10 =	sld [smem:$0x3FBB]  }
0x39: {  	_ = 	snop;
	(pc) =	sbr.ind lr, $3  }
0x3a: {  	_ = 	snop  }
0x3b: {  	_ = 	snop  }
0x3c: {  	p2 =	seq.s32 s10, $0x1;
	s10 =	sld [smem:$0x3FBA]  }
0x3d: {  	_ =	shalt  }
0x3e: {  	_ =	shalt  }
0x3f: {  	_ =	shalt  }
0x40: {  	_ =	shalt  }
0x41: {  	_ =	shalt  }
0x42: {  	_ =	shalt  }
0x43: {  	_ =	shalt  }
0x44: {  	_ =	shalt  }
0x45: {  	_ =	shalt  }
0x46: {  	_ =	shalt  }
0x47: {  	_ =	shalt  }
0x48: {  	_ =	shalt  }
0x49: {  	_ =	shalt  }
0x4a: {  	_ =	shalt  }
0x4b: {  	_ =	shalt  }
0x4c: {  	_ =	shalt  }
0x4d: {  	_ =	shalt  }
0x4e: {  	_ =	shalt  }
0x4f: {  	_ =	shalt  }
0x50: {  	_ =	shalt  }
0x51: {  	_ =	shalt  }
0x52: {  	_ =	shalt  }
0x53: {  	_ =	shalt  }
0x54: {  	_ =	shalt  }
0x55: {  	_ =	shalt  }
0x56: {  	_ =	shalt  }
0x57: {  	_ =	shalt  }
0x58: {  	_ =	shalt  }
0x59: {  	_ =	shalt  }
0x5a: {  	_ =	shalt  }
0x5b: {  	_ =	shalt  }
0x5c: {  	_ =	shalt  }
0x5d: {  	_ =	shalt  }
0x5e: {  	_ =	shalt  }
0x5f: {  	_ =	shalt  }
0x60: {  	_ =	shalt  }
0x61: {  	_ =	shalt  }
0x62: {  	_ =	shalt  }
0x63: {  	_ =	shalt  }
0x64: {  	_ =	shalt  }
0x65: {  	_ =	shalt  }
0x66: {  	_ =	shalt  }
0x67: {  	_ =	shalt  }
0x68: {  	_ =	shalt  }
0x69: {  	_ =	shalt  }
0x6a: {  	_ =	shalt  }
0x6b: {  	_ =	shalt  }
0x6c: {  	_ =	shalt  }
0x6d: {  	_ =	shalt  }
0x6e: {  	_ =	shalt  }
0x6f: {  	_ =	shalt  }
0x70: {  	_ =	shalt  }
0x71: {  	_ =	shalt  }
0x72: {  	_ =	shalt  }
0x73: {  	_ =	shalt  }
0x74: {  	_ =	shalt  }
0x75: {  	_ =	shalt  }
0x76: {  	_ =	shalt  }
0x77: {  	_ =	shalt  }
0x78: {  	_ =	shalt  }
0x79: {  	_ =	shalt  }
0x7a: {  	_ =	shalt  }
0x7b: {  	_ =	shalt  }
0x7c: {  	_ =	shalt  }
0x7d: {  	_ =	shalt  }
0x7e: {  	_ =	shalt  }
0x7f: {  	_ =	shalt  }
0x80: {  	_ =	shalt  }
0x81: {  	_ =	shalt  }
0x82: {  	_ =	shalt  }
0x83: {  	_ =	shalt  }
0x84: {  	_ =	shalt  }
0x85: {  	_ =	shalt  }
0x86: {  	_ =	shalt  }
0x87: {  	_ =	shalt  }
.Lfunc_end0:
.L_simem_size_0:
called_computation_lowered:
.L_overlay_start_0:
0x88: {  	s2 =	sld [smem:$0x3FD9]  }
0x89: {  	s3 =	sld [smem:$0x3FFE];
	_ =	sdelay $0x1  }
0x8a: {  	s1 =	srdreg.scid  }
0x8b: {  	s0 =	sand.u32 $0x1, s1  }
0x8c: {  	s17 =	sshll.u32 s0, $0xA;
	s2 =	sadd.s32 s3, s2  }
0x8d: {  	s2 =	sadd.s32 s2, s17  }
0x8e: {  	[smem:$0x3FC6] =	sst s2  }
0x8f: {  	_ = 	snop  }
0x90: {  	s2 =	sld [smem:$0x3FC9]  }
0x91: {  	s18 =	sld [smem:$0x3FC8];
	(tm) =	ssettm $0x1  }
0x92: {  	s4 =	sld [smem:$0x3FFB];
	_ =	sdelay $0x3  }
0x93: {  	_ =	strace s4  }
0x94: {  	s4 =	sld [smem:$0x3FFC];
	_ =	sdelay $0x3  }
0x95: {  	_ =	strace s4  }
0x96: {  	s4 =	sld [smem:$0x3FFD];
	_ =	sdelay $0x3  }
0x97: {  	_ =	strace s4  }
0x98: {  	_ =	strace $0x8FFFFFFF  }
0x99: {  	s19 =	sld [smem:$0x3FDB];
	_ =	sdelay $0x1  }
0x9a: {  	s5 =	simm.s32 $_scs_section_size  }
0x9b: {  	s6 =	simm.s32 $_size__tile_overlayer_lowered;
	s7 =	simm.s32 $_tile_overlayer_lowered  }
0x9c: {  	s22 =	simm.s32 $0x1BFF;
	s21 =	sshll.u32 s7, $0x1;
	s4 =	sadd.s32 s5, s19  }
0x9d: {  	s8 =	simm.s32 $0x0;
	s20 =	sshll.u32 s6, $0x1;
	s6 =	sadd.s32 s21, s4  }
0x9e: {  	[timem:s8], [sflag:s22] =	dma.local [hbm:s6], s20  }
0x9f: {  	_ =	swait.ge [sflag:s22], s20  }
0xa0: {  	s5 =	ssub.s32 $0x0, s20;
	[sflag:s22] =	ssyncset.done $0x0  }
0xa1: {  	[sflag:s22] =	ssyncadd.s32 s5;
	_ =	sdelay $0x1  }
0xa2: {  	s23 =	simm.s32 $0x1B8B  }
0xa3: {  	_ =	swait.ge [sflag:s23], $0x1  }
0xa4: {  	[sflag:s23] =	ssyncset.done $0x0  }
0xa5: {  	s25 =	simm.s32 $0x1B8E;
	s24 =	sld [smem:$0x3FFE];
	[sflag:s23] =	ssyncadd.s32 $0xFFFFFFFF  }
0xa6: {  	s26 =	simm.s32 $execute0_lowered;
	[smem:$0x3FD2] =	sst s25  }
0xa7: {  	s6 =	sshll.u32 s26, $0x1;
	_ =	strace $0x80000046;
	[dreg:$0x1] =	wrdreg $0xFFFFFFFF  }
0xa8: {  	s28 =	simm.s32 $_size_execute0_lowered;
	s4 =	sadd.s32 s4, s6;
	[dreg:$0x0] =	wrdreg $0x0  }
0xa9: {  	s6 =	sshll.u32 s28, $0x1;
	[dreg:$0x2] =	wrdreg s4  }
0xaa: {  	[dreg:$0x3] =	wrdreg s6  }
0xab: {  	[dreg:$0x4] =	wrdreg $0xC0  }
0xac: {  	_ =	task [dreg:s8], $0x5FFFF  }
0xad: {  	[dreg:$0x1] =	wrdreg $0xFFFFFFFF  }
0xae: {  	[dreg:$0x0] =	wrdreg $0x60  }
0xaf: {  	[dreg:$0x2] =	wrdreg s2  }
0xb0: {  	[dreg:$0x3] =	wrdreg s18  }
0xb1: {  	[dreg:$0x4] =	wrdreg s24  }
0xb2: {  	[dreg:$0x5] =	wrdreg $0x9  }
0xb3: {  	_ =	task.clear_ibuf [dreg:s8], $0x6FFFF;
	_ =	strace $0x90000046  }
0xb4: {  	s29 =	simm.s32 $0x9;
	_ =	strace $0x80000048  }
0xb5: {  	_ =	swait.ge [sflag:s29], $0x1  }
0xb6: {  	[sflag:s29] =	ssyncadd.s32 $0xFFFFFFFF  }
0xb7: {  	_ =	strace $0x90000048  }
0xb8: {  	_ =	sfence  }
0xb9: {  	s30 =	sld [smem:$0x0];
	_ =	sdelay $0x2  }
0xba: {  	s31 =	sshll.u32 s1, $0xD;
	s1 =	sshrl.u32 s1, $0x2  }
0xbb: {  	s3 =	sand.u32 $0x4000, s31;
	s1 =	sadd.s32 s1, s30  }
0xbc: {  	s0 =	sor.u32 s3, s0;
	s1 =	sshll.u32 s1, $0x11  }
0xbd: {  	s0 =	sor.u32 s1, s0  }
0xbe: {  	s0 =	sadd.s32 $0x8F2B, s0  }
0xbf: {  	[sflag:s0] =	ssyncadd.remote.s32 $0x1  }
0xc0: {  	_ =	sfence.sel $0xFFFF  }
0xc1: {  	[dreg:$0x0] =	wrdreg $0xFFFFFFFF;
	(pc) =	sbr.abs _section_cstart, $3  }
0xc2: {  	[dreg:$0x1] =	wrdreg $0xFFFFFFFF  }
0xc3: {  	_ =	task.clear_ibuf [dreg:s8], $0x2FFFF;
	_ =	strace $0x9FFFFFFF  }
0xc4: {  	(tm) =	ssettm $0x7FFFFFFF  }
0xc5: {  	_ =	shalt  }
tec
execute0_lowered:
.L_overlay_start_1:
0x0: {  	(tag) =	ssettag $0x1  }
0x1: {  	s2 =	rddreg [dreg:$0x0]  }
0x2: {  	s0 =	srdreg.scid;
	s3 =	rddreg [dreg:$0x1]  }
0x3: {  	s7 =	stileid.u32;
	s5 =	rddreg [dreg:$0x2];
	s28 =	simm.s32 $0xEB80  }
0x4: {  	s29 =	simm.s32 $0x1;
	s30 =	simm.s32 $0x13A00;
	s0 =	sand.u32 $0x1, s0  }
0x5: {  	s31 =	simm.s32 $0x2;
	s1 =	sshll.u32 s0, $0x4;
	s0 =	ssub.s32 $0x2, s0  }
0x6: {  	s4 =	sor.u32 s7, s1;
	s1 =	simm.s32 $0x0;
	s7 =	sshll.u32 s7, $0x4  }
0x7: {  	s8 =	sshrl.u32 s0, $0x1;
	s6 =	smul.u32 $0x30D40, s4;
	[smem:$0x7FF] =	sst s1  }
0x8: {  	s7 =	sand.u32 $0x70, s7;
	s0 =	ssub.s32 s0, s8;
	s4 =	sshll.u32 s4, $0x9  }
0x9: {  	s5 =	sadd.s32 s7, s5;
	s26 =	sand.u32 $0x3000, s4;
	s6 =	sshrl.u32 s6, $0x3  }
0xa: {  	s20 =	sadd.s32 s2, s6;
	s21 =	sadd.s32 s3, s6;
	s22 =	sadd.s32 $0x9C4, s6  }
0xb: {  	s23 =	sadd.s32 $0x1388, s6;
	s25 =	sadd.s32 $0x1D4C, s6;
	s11 =	sadd.s32 $0x2710, s6  }
0xc: {  	s13 =	sadd.s32 $0x30D4, s6;
	s15 =	sadd.s32 $0x3A98, s6;
	s17 =	sadd.s32 $0x445C, s6  }
0xd: {  	s18 =	sadd.s32 $0x4E20, s6;
	s6 =	sadd.s32 $0x57E4, s6;
	[dreg:$0x4] =	wrdreg s20  }
0xe: {  	[dreg:$0x5] =	wrdreg s21;
	s9 =	sadd.s32 s2, s22;
	s7 =	sadd.s32 s3, s22  }
0xf: {  	s24 =	sadd.s32 s2, s23;
	s8 =	sadd.s32 s2, s25;
	s10 =	sadd.s32 s2, s11  }
0x10: {  	s11 =	sadd.s32 s3, s11;
	s12 =	sadd.s32 s2, s13;
	s13 =	sadd.s32 s3, s13  }
0x11: {  	s14 =	sadd.s32 s2, s15;
	s15 =	sadd.s32 s3, s15;
	s16 =	sadd.s32 s2, s17  }
0x12: {  	s17 =	sadd.s32 s3, s17;
	s19 =	sadd.s32 s2, s18;
	s20 =	sadd.s32 s3, s18  }
0x13: {  	s21 =	sadd.s32 s2, s6;
	s22 =	sadd.s32 s3, s6;
	[dreg:$0x6] =	wrdreg s9  }
0x14: {  	v0 =	vlaneseq.u32;
	s2 =	sadd.s32 s26, s5;
	s26 =	simm.s32 $0x4E80;
	[dreg:$0x7] =	wrdreg s7  }
0x15: {  	v0 =	vmul.u32 $0x4E2, v0;
	s18 =	simm.s32 $0x3;
	[dreg:$0x8] =	wrdreg s24;
	s7 =	sadd.s32 s3, s23  }
0x16: {  	s9 =	sadd.s32 s3, s25;
	s23 =	sadd.s32 $0x600, s2;
	s24 =	smax.u32 s0, $0x1  }
0x17: {  	v1 =	vimm.f32 $0.0e+00;
	v2 =	vadd.s32 $0x271, v0;
	s25 =	simm.s32 $0x9D00;
	s0 =	simm.s32 $0x0;
	_ =	strace $0x80000047  }
.LBB2_1:
0x18: {  	s2 =	rddreg [dreg:$0x4]  }
0x19: {  	[tilespmem:s1], [sflag:$0x1] =	stream.linear.gather [hbm4b:s2+s1], $0x4E20, $0x38;
	[tilespmem:$0x14A00] =	vst v63  }
0x1a: {  	s4 =	rddreg [dreg:$0x5]  }
0x1b: {  	[tilespmem:s25], [sflag:$0x1] =	stream.linear.gather [hbm4b:s4+s1], $0x4E20, $0x38;
	[tilespmem:$0x14A00] =	vst v63  }
0x1c: {  	s5 =	rddreg [dreg:$0x6]  }
0x1d: {  	[tilespmem:s26], [sflag:$0x2] =	stream.linear.gather [hbm4b:s5+s1], $0x4E20, $0x38;
	[tilespmem:$0x14A00] =	vst v63  }
0x1e: {  	s6 =	rddreg [dreg:$0x7];
	s3 =	simm.s32 $0x0;
	s2 =	simm.s32 $0x40  }
0x1f: {  	[tilespmem:s28], [sflag:$0x2] =	stream.linear.gather [hbm4b:s6+s1], $0x4E20, $0x38;
	[tilespmem:$0x14A00] =	vst v63  }
.LBB2_2:
0x20: {  	p0 =	sne.s32 s2, $0x3FC0;
	[tilespmem:s3+$0x13A00] =	vst v1;
	s3 =	smov.u32 s2;
	s2 =	sadd.s32 $0x40, s2  }
.Ltmp0:
0x21: {  	(pc) =	sbr.rel @p0 .LBB2_2-.Ltmp0, $2  }
0x22: {  	_ =	sdelay $0x2  }
0x23: {  	s3 =	sshra.s32 s3, $0x2  }
0x24: {  	[tilespmem:s3+$0x13A00] =	vst v1  }
0x25: {  	_ =	swait.ge [sflag:s29], $0x4E20  }
0x26: {  	[sflag:s29] =	ssyncset.done $0x0  }
0x27: {  	s2 =	simm.s32 $0x0;
	[sflag:s29] =	ssyncadd.s32 $0xFFFFB1E0  }
0x28: {  	v3 =	vadd.s32 s2, v0;
	_ =	swait.ge [sflag:s29], $0x4E20  }
0x29: {  	v4 =	vadd.s32 s2, v2;
	[sflag:s29] =	ssyncset.done $0x0  }
0x2a: {  	[sflag:s29] =	ssyncadd.s32 $0xFFFFB1E0  }
0x2b: {  	s2 =	simm.s32 $0x4;
	v5 =	vld.idx.msk [tilespmem:v0+s25+$0x0], $0xffff  }
0x2c: {  	s6 =	simm.s32 $0x3;
	v7 =	vadd.s32 s2, v0;
	v6 =	vld.idx.msk [tilespmem:v2+s25+$0x0], $0xffff  }
0x2d: {  	s4 =	simm.s32 $0x2;
	v9 =	vadd.s32 s6, v0;
	v8 =	vld.idx.msk [tilespmem:v3+s25+$0x0], $0xffff  }
0x2e: {  	s5 =	simm.s32 $0x1;
	v11 =	vadd.s32 s4, v0;
	v10 =	vld.idx.msk [tilespmem:v4+s25+$0x0], $0xffff  }
0x2f: {  	v12 =	vadd.s32 s5, v0;
	v3 =	vld.idx.msk [tilespmem:v3+s1+$0x0], $0xffff  }
0x30: {  	v4 =	vld.idx.msk [tilespmem:v4+s1+$0x0], $0xffff  }
0x31: {  	v13 =	vadd.s32 s5, v2;
	v14 =	vld.idx.msk [tilespmem:v7+s1+$0x0], $0xffff  }
0x32: {  	v15 =	vld.idx.msk [tilespmem:v9+s1+$0x0], $0xffff  }
0x33: {  	v16 =	vld.idx.msk [tilespmem:v11+s25+$0x0], $0xffff  }
0x34: {  	v18 =	vadd.s32 s4, v2;
	v17 =	vld.idx.msk [tilespmem:v12+s25+$0x0], $0xffff  }
0x35: {  	v12 =	vld.idx.msk [tilespmem:v12+s1+$0x0], $0xffff  }
0x36: {  	v19 =	vld.idx.msk [tilespmem:v13+s1+$0x0], $0xffff  }
0x37: {  	v20 =	vadd.s32 s6, v2;
	v13 =	vld.idx.msk [tilespmem:v13+s25+$0x0], $0xffff  }
0x38: {  	v22 =	vimm.f32 $0.0e+00;
	v21 =	vld.idx.msk [tilespmem:v11+s1+$0x0], $0xffff  }
0x39: {  	v24 =	vadd.s32 s2, v2;
	v23 =	vld.idx.msk [tilespmem:v18+s1+$0x0], $0xffff;
	v11 =	vadd.f32 v3, v22  }
0x3a: {  	v25 =	vld.idx.msk [tilespmem:v18+s25+$0x0], $0xffff;
	v18 =	vadd.f32 v4, v22;
	vm1 =	vne.s32 v8, v5  }
0x3b: {  	vm2 =	vne.s32 v17, v8;
	vm0 =	vne.s32 v10, v6;
	v27 =	vsel vm1, v3, v11;
	v3 =	vld.idx.msk [tilespmem:v9+s25+$0x0], $0xffff  }
0x3c: {  	vm3 =	vne.s32 v13, v10;
	v9 =	vsel vm0, v4, v18;
	v4 =	vld.idx.msk [tilespmem:v20+s25+$0x0], $0xffff  }
0x3d: {  	v26 =	vld.idx.msk [tilespmem:v20+s1+$0x0], $0xffff;
	v11 =	vadd.f32 v12, v27;
	v18 =	vadd.f32 v19, v9  }
0x3e: {  	vm4 =	vne.s32 v16, v17;
	v20 =	vld.idx.msk [tilespmem:v24+s1+$0x0], $0xffff  }
0x3f: {  	vm5 =	vne.s32 v25, v13;
	v28 =	vsel vm2, v12, v11;
	v11 =	vld.idx.msk [tilespmem:v7+s25+$0x0], $0xffff;
	v7 =	vsel vm3, v19, v18  }
0x40: {  	v12 =	vld.idx.msk [tilespmem:v24+s25+$0x0], $0xffff;
	v18 =	vadd.f32 v21, v28;
	v19 =	vadd.f32 v23, v7  }
0x41: {  	[tilespmem:v8+s30+$0x0] =	vst.idx.add.f32.msk vm2, v27;
	vm2 =	vne.s32 v3, v16;
	vm6 =	vne.s32 v4, v25  }
0x42: {  	s6 =	simm.s32 $0x5;
	[tilespmem:v10+s30+$0x0] =	vst.idx.add.f32.msk vm3, v9;
	v8 =	vsel vm4, v21, v18;
	v10 =	vsel vm5, v23, v19  }
0x43: {  	[tilespmem:v5+s30+$0x0] =	vst.idx.add.f32.msk vm1, v22;
	v18 =	vadd.s32 s6, v0;
	v5 =	vadd.f32 v15, v8;
	v21 =	vadd.f32 v26, v10  }
0x44: {  	[tilespmem:v17+s30+$0x0] =	vst.idx.add.f32.msk vm4, v28  }
0x45: {  	[tilespmem:v13+s30+$0x0] =	vst.idx.add.f32.msk vm5, v7;
	v19 =	vadd.s32 s6, v2;
	v9 =	vsel vm2, v15, v5;
	v7 =	vsel vm6, v26, v21  }
0x46: {  	[tilespmem:v6+s30+$0x0] =	vst.idx.add.f32.msk vm0, v22;
	v5 =	vadd.f32 v14, v9;
	v6 =	vadd.f32 v20, v7  }
0x47: {  	s3 =	simm.s32 $0x9;
	[tilespmem:v16+s30+$0x0] =	vst.idx.add.f32.msk vm2, v8  }
0x48: {  	s4 =	simm.s32 $0x8;
	vm0 =	vne.s32 v12, v4;
	v15 =	vadd.s32 s3, v0;
	v13 =	vld.idx.msk [tilespmem:v18+s25+$0x0], $0xffff  }
0x49: {  	s5 =	simm.s32 $0x7;
	v17 =	vadd.s32 s4, v0;
	vm1 =	vne.s32 v11, v3;
	[tilespmem:v25+s30+$0x0] =	vst.idx.add.f32.msk vm6, v10;
	v16 =	vsel vm0, v20, v6  }
0x4a: {  	s2 =	simm.s32 $0xA;
	s6 =	simm.s32 $0x6;
	v8 =	vsel vm1, v14, v5;
	v14 =	vld.idx.msk [tilespmem:v19+s25+$0x0], $0xffff;
	v20 =	vadd.s32 s5, v0;
	v10 =	vmovc v11;
	v5 =	vmovc v16;
	v6 =	vmov v12  }
.LBB2_4:
0x4b: {  	p0 =	slt.u32 s2, $0x26C;
	v18 =	vld.idx.msk [tilespmem:v18+s1+$0x0], $0xffff;
	v21 =	vadd.s32 s6, v0  }
0x4c: {  	v19 =	vld.idx.msk [tilespmem:v19+s1+$0x0], $0xffff  }
0x4d: {  	v22 =	vadd.s32 s6, v2;
	v23 =	vld.idx.msk [tilespmem:v15+s1+$0x0], $0xffff  }
0x4e: {  	v24 =	vld.idx.msk [tilespmem:v17+s1+$0x0], $0xffff  }
0x4f: {  	v25 =	vld.idx.msk [tilespmem:v20+s25+$0x0], $0xffff  }
0x50: {  	v27 =	vadd.s32 s5, v2;
	v26 =	vld.idx.msk [tilespmem:v21+s25+$0x0], $0xffff  }
0x51: {  	v21 =	vld.idx.msk [tilespmem:v21+s1+$0x0], $0xffff  }
0x52: {  	v29 =	vadd.s32 s4, v2;
	v28 =	vld.idx.msk [tilespmem:v22+s1+$0x0], $0xffff  }
0x53: {  	v22 =	vld.idx.msk [tilespmem:v22+s25+$0x0], $0xffff  }
0x54: {  	v20 =	vld.idx.msk [tilespmem:v20+s1+$0x0], $0xffff  }
0x55: {  	v32 =	vadd.s32 s3, v2;
	v30 =	vadd.f32 v18, v8;
	v16 =	vadd.f32 v19, v16;
	v31 =	vld.idx.msk [tilespmem:v27+s1+$0x0], $0xffff  }
0x56: {  	vm3 =	vne.s32 v13, v11;
	vm2 =	vne.s32 v14, v12;
	v27 =	vld.idx.msk [tilespmem:v27+s25+$0x0], $0xffff  }
0x57: {  	v18 =	vsel vm3, v18, v30;
	v16 =	vsel vm2, v19, v16;
	v19 =	vld.idx.msk [tilespmem:v29+s1+$0x0], $0xffff  }
0x58: {  	v11 =	vadd.f32 v21, v18;
	v12 =	vadd.f32 v28, v16;
	v17 =	vld.idx.msk [tilespmem:v17+s25+$0x0], $0xffff  }
0x59: {  	vm4 =	vne.s32 v26, v13;
	vm5 =	vne.s32 v22, v14;
	v29 =	vld.idx.msk [tilespmem:v29+s25+$0x0], $0xffff  }
0x5a: {  	v21 =	vsel vm4, v21, v11;
	v28 =	vsel vm5, v28, v12;
	v30 =	vld.idx.msk [tilespmem:v32+s1+$0x0], $0xffff  }
0x5b: {  	v33 =	vadd.f32 v20, v21;
	v34 =	vadd.f32 v31, v28;
	v11 =	vld.idx.msk [tilespmem:v15+s25+$0x0], $0xffff  }
0x5c: {  	vm6 =	vne.s32 v25, v26;
	vm7 =	vne.s32 v27, v22;
	v12 =	vld.idx.msk [tilespmem:v32+s25+$0x0], $0xffff  }
0x5d: {  	v15 =	vsel vm6, v20, v33;
	v20 =	vsel vm7, v31, v34;
	[tilespmem:v3+s30+$0x0] =	vst.idx.add.f32.msk vm1, v9;
	v3 =	vmov v17  }
0x5e: {  	v9 =	vadd.f32 v24, v15;
	v17 =	vadd.f32 v19, v20;
	[tilespmem:v4+s30+$0x0] =	vst.idx.add.f32.msk vm0, v7;
	v4 =	vmov v29  }
0x5f: {  	[tilespmem:v13+s30+$0x0] =	vst.idx.add.f32.msk vm4, v18;
	vm4 =	vne.s32 v3, v25;
	vm8 =	vne.s32 v4, v27  }
0x60: {  	[tilespmem:v14+s30+$0x0] =	vst.idx.add.f32.msk vm5, v16;
	v9 =	vsel vm4, v24, v9;
	v7 =	vsel vm8, v19, v17  }
0x61: {  	[tilespmem:v10+s30+$0x0] =	vst.idx.add.f32.msk vm3, v8;
	v8 =	vadd.f32 v23, v9;
	v13 =	vadd.f32 v30, v7;
	v10 =	vmov v11  }
0x62: {  	v18 =	vadd.s32 s2, v0;
	vm1 =	vne.s32 v11, v3;
	vm0 =	vne.s32 v12, v4;
	[tilespmem:v26+s30+$0x0] =	vst.idx.add.f32.msk vm6, v21  }
0x63: {  	v19 =	vadd.s32 s2, v2;
	[tilespmem:v22+s30+$0x0] =	vst.idx.add.f32.msk vm7, v28;
	v8 =	vsel vm1, v23, v8;
	v16 =	vsel vm0, v30, v13  }
.Ltmp1:
0x64: {  	[tilespmem:v6+s30+$0x0] =	vst.idx.add.f32.msk vm2, v5;
	v6 =	vmov v12;
	v5 =	vmov v16;
	(pc) =	sbr.rel @p0 .LBB2_4-.Ltmp1, $4  }
0x65: {  	s3 =	sadd.s32 $0x4, s2;
	[tilespmem:v25+s30+$0x0] =	vst.idx.add.f32.msk vm4, v15  }
0x66: {  	s4 =	sadd.s32 $0x3, s2;
	v15 =	vadd.s32 s3, v0;
	[tilespmem:v27+s30+$0x0] =	vst.idx.add.f32.msk vm8, v20  }
0x67: {  	s5 =	sadd.s32 $0x2, s2;
	v17 =	vadd.s32 s4, v0;
	v13 =	vld.idx.msk [tilespmem:v18+s25+$0x0], $0xffff  }
0x68: {  	s6 =	sadd.s32 $0x1, s2;
	s2 =	sadd.s32 $0x5, s2;
	v20 =	vadd.s32 s5, v0;
	v14 =	vld.idx.msk [tilespmem:v19+s25+$0x0], $0xffff  }
0x69: {  	_ =	sdelay $0x3  }
0x6a: {  	v18 =	vld.idx.msk [tilespmem:v18+s1+$0x0], $0xffff  }
0x6b: {  	v19 =	vld.idx.msk [tilespmem:v19+s1+$0x0], $0xffff  }
0x6c: {  	v23 =	vld.idx.msk [tilespmem:v15+s1+$0x0], $0xffff  }
0x6d: {  	v21 =	vadd.s32 s6, v0;
	v24 =	vld.idx.msk [tilespmem:v17+s1+$0x0], $0xffff  }
0x6e: {  	v25 =	vld.idx.msk [tilespmem:v20+s25+$0x0], $0xffff  }
0x6f: {  	v22 =	vadd.s32 s6, v2;
	v20 =	vld.idx.msk [tilespmem:v20+s1+$0x0], $0xffff  }
0x70: {  	v17 =	vld.idx.msk [tilespmem:v17+s25+$0x0], $0xffff  }
0x71: {  	v27 =	vadd.s32 s5, v2;
	v15 =	vld.idx.msk [tilespmem:v15+s25+$0x0], $0xffff  }
0x72: {  	v26 =	vld.idx.msk [tilespmem:v21+s25+$0x0], $0xffff  }
0x73: {  	v29 =	vadd.s32 s4, v2;
	v21 =	vld.idx.msk [tilespmem:v21+s1+$0x0], $0xffff  }
0x74: {  	v28 =	vld.idx.msk [tilespmem:v22+s1+$0x0], $0xffff  }
0x75: {  	v22 =	vld.idx.msk [tilespmem:v22+s25+$0x0], $0xffff  }
0x76: {  	v30 =	vld.idx.msk [tilespmem:v27+s1+$0x0], $0xffff  }
0x77: {  	v31 =	vadd.s32 s3, v2;
	vm3 =	vne.s32 v13, v11;
	v27 =	vld.idx.msk [tilespmem:v27+s25+$0x0], $0xffff  }
0x78: {  	v32 =	vld.idx.msk [tilespmem:v29+s1+$0x0], $0xffff  }
0x79: {  	vm5 =	vne.s32 v14, v12;
	v33 =	vadd.f32 v18, v8;
	v29 =	vld.idx.msk [tilespmem:v29+s25+$0x0], $0xffff  }
0x7a: {  	[tilespmem:v3+s30+$0x0] =	vst.idx.add.f32.msk vm1, v9;
	v16 =	vadd.f32 v19, v16;
	vm2 =	vne.s32 v26, v13  }
0x7b: {  	[tilespmem:v4+s30+$0x0] =	vst.idx.add.f32.msk vm0, v7;
	v12 =	vsel vm3, v18, v33;
	vm6 =	vne.s32 v25, v26  }
0x7c: {  	vm0 =	vne.s32 v17, v25;
	v16 =	vsel vm5, v19, v16;
	v19 =	vld.idx.msk [tilespmem:v31+s25+$0x0], $0xffff;
	v18 =	vadd.f32 v21, v12  }
0x7d: {  	[tilespmem:v10+s30+$0x0] =	vst.idx.add.f32.msk vm3, v8;
	v58 =	vadd.f32 v28, v16;
	vm7 =	vne.s32 v27, v22  }
0x7e: {  	v11 =	vld.idx.msk [tilespmem:v31+s1+$0x0], $0xffff;
	vm4 =	vne.s32 v22, v14;
	vm1 =	vne.s32 v29, v27;
	v3 =	vsel vm2, v21, v18  }
0x7f: {  	[tilespmem:v6+s30+$0x0] =	vst.idx.add.f32.msk vm5, v5;
	v4 =	vsel vm4, v28, v58;
	v7 =	vadd.f32 v20, v3  }
0x80: {  	v9 =	vadd.f32 v30, v4;
	[tilespmem:v13+s30+$0x0] =	vst.idx.add.f32.msk vm2, v12;
	vm2 =	vne.s32 v15, v17  }
0x81: {  	vm3 =	vne.s32 v19, v29;
	v7 =	vsel vm6, v20, v7;
	[tilespmem:v26+s30+$0x0] =	vst.idx.add.f32.msk vm6, v3  }
0x82: {  	v3 =	vsel vm7, v30, v9;
	v8 =	vadd.f32 v24, v7;
	[tilespmem:v25+s30+$0x0] =	vst.idx.add.f32.msk vm0, v7  }
0x83: {  	[tilespmem:v22+s30+$0x0] =	vst.idx.add.f32.msk vm7, v4;
	v4 =	vadd.f32 v32, v3  }
0x84: {  	[tilespmem:v14+s30+$0x0] =	vst.idx.add.f32.msk vm4, v16;
	v5 =	vsel vm0, v24, v8  }
0x85: {  	[tilespmem:v27+s30+$0x0] =	vst.idx.add.f32.msk vm1, v3;
	v4 =	vsel vm1, v32, v4;
	v6 =	vadd.f32 v23, v5  }
0x86: {  	v3 =	vadd.f32 v11, v4;
	[tilespmem:v17+s30+$0x0] =	vst.idx.add.f32.msk vm2, v5  }
0x87: {  	v5 =	vsel vm2, v23, v6;
	[tilespmem:v29+s30+$0x0] =	vst.idx.add.f32.msk vm3, v4  }
0x88: {  	v3 =	vsel vm3, v11, v3;
	[tilespmem:v15+s30+$0x0] =	vst.idx.add.f32.msk $0xffff, v5  }
0x89: {  	s2 =	simm.s32 $0x0;
	s5 =	rddreg [dreg:$0x8];
	[tilespmem:v19+s30+$0x0] =	vst.idx.add.f32.msk $0xffff, v3  }
0x8a: {  	[tilespmem:s2], [sflag:$0x1] =	stream.linear.gather [hbm4b:s5+s2], $0x4E20, $0x38;
	[tilespmem:$0x14A00] =	vst v63  }
0x8b: {  	_ = 	snop  }
0x8c: {  	[tilespmem:s25], [sflag:$0x1] =	stream.linear.gather [hbm4b:s7+s2], $0x4E20, $0x38;
	[tilespmem:$0x14A00] =	vst v63  }
0x8d: {  	_ =	swait.ge [sflag:s31], $0x4E20  }
0x8e: {  	[sflag:s31] =	ssyncset.done $0x0  }
0x8f: {  	[sflag:s31] =	ssyncadd.s32 $0xFFFFB1E0  }
0x90: {  	v3 =	vadd.s32 s2, v0;
	_ =	swait.ge [sflag:s31], $0x4E20  }
0x91: {  	v4 =	vadd.s32 s2, v2;
	[sflag:s31] =	ssyncset.done $0x0  }
0x92: {  	[sflag:s31] =	ssyncadd.s32 $0xFFFFB1E0  }
0x93: {  	s2 =	simm.s32 $0x4;
	v5 =	vld.idx.msk [tilespmem:v0+s28+$0x0], $0xffff  }
0x94: {  	s3 =	simm.s32 $0x3;
	v7 =	vadd.s32 s2, v0;
	v6 =	vld.idx.msk [tilespmem:v2+s28+$0x0], $0xffff  }
0x95: {  	s4 =	simm.s32 $0x2;
	v9 =	vadd.s32 s3, v0;
	v8 =	vld.idx.msk [tilespmem:v3+s28+$0x0], $0xffff  }
0x96: {  	s6 =	simm.s32 $0x1;
	v11 =	vadd.s32 s4, v0;
	v10 =	vld.idx.msk [tilespmem:v4+s28+$0x0], $0xffff  }
0x97: {  	v12 =	vadd.s32 s6, v0;
	v3 =	vld.idx.msk [tilespmem:v3+s26+$0x0], $0xffff  }
0x98: {  	v4 =	vld.idx.msk [tilespmem:v4+s26+$0x0], $0xffff  }
0x99: {  	v13 =	vadd.s32 s6, v2;
	v14 =	vld.idx.msk [tilespmem:v7+s26+$0x0], $0xffff  }
0x9a: {  	v15 =	vld.idx.msk [tilespmem:v9+s26+$0x0], $0xffff  }
0x9b: {  	v16 =	vld.idx.msk [tilespmem:v11+s28+$0x0], $0xffff  }
0x9c: {  	v18 =	vadd.s32 s4, v2;
	v17 =	vld.idx.msk [tilespmem:v12+s28+$0x0], $0xffff  }
0x9d: {  	v12 =	vld.idx.msk [tilespmem:v12+s26+$0x0], $0xffff  }
0x9e: {  	v19 =	vld.idx.msk [tilespmem:v13+s26+$0x0], $0xffff  }
0x9f: {  	v20 =	vadd.s32 s3, v2;
	v13 =	vld.idx.msk [tilespmem:v13+s28+$0x0], $0xffff  }
0xa0: {  	v22 =	vimm.f32 $0.0e+00;
	v21 =	vld.idx.msk [tilespmem:v11+s26+$0x0], $0xffff  }
0xa1: {  	v59 =	vadd.s32 s2, v2;
	v23 =	vld.idx.msk [tilespmem:v18+s26+$0x0], $0xffff;
	v11 =	vadd.f32 v3, v22  }
0xa2: {  	v60 =	vld.idx.msk [tilespmem:v18+s28+$0x0], $0xffff;
	v18 =	vadd.f32 v4, v22;
	vm1 =	vne.s32 v8, v5  }
0xa3: {  	vm2 =	vne.s32 v17, v8;
	vm0 =	vne.s32 v10, v6;
	v62 =	vsel vm1, v3, v11;
	v3 =	vld.idx.msk [tilespmem:v9+s28+$0x0], $0xffff  }
0xa4: {  	vm3 =	vne.s32 v13, v10;
	v9 =	vsel vm0, v4, v18;
	v4 =	vld.idx.msk [tilespmem:v20+s28+$0x0], $0xffff  }
0xa5: {  	v61 =	vld.idx.msk [tilespmem:v20+s26+$0x0], $0xffff;
	v11 =	vadd.f32 v12, v62;
	v18 =	vadd.f32 v19, v9  }
0xa6: {  	vm13 =	vne.s32 v16, v17;
	v20 =	vld.idx.msk [tilespmem:v59+s26+$0x0], $0xffff  }
0xa7: {  	vm14 =	vne.s32 v60, v13;
	v63 =	vsel vm2, v12, v11;
	v11 =	vld.idx.msk [tilespmem:v7+s28+$0x0], $0xffff;
	v7 =	vsel vm3, v19, v18  }
0xa8: {  	v12 =	vld.idx.msk [tilespmem:v59+s28+$0x0], $0xffff;
	v18 =	vadd.f32 v21, v63;
	v19 =	vadd.f32 v23, v7  }
0xa9: {  	[tilespmem:v8+s30+$0x0] =	vst.idx.add.f32.msk vm2, v62;
	vm2 =	vne.s32 v3, v16;
	vm15 =	vne.s32 v4, v60  }
0xaa: {  	s6 =	simm.s32 $0x5;
	[tilespmem:v10+s30+$0x0] =	vst.idx.add.f32.msk vm3, v9;
	v8 =	vsel vm13, v21, v18;
	v10 =	vsel vm14, v23, v19  }
0xab: {  	[tilespmem:v5+s30+$0x0] =	vst.idx.add.f32.msk vm1, v22;
	v18 =	vadd.s32 s6, v0;
	v5 =	vadd.f32 v15, v8;
	v21 =	vadd.f32 v61, v10  }
0xac: {  	[tilespmem:v17+s30+$0x0] =	vst.idx.add.f32.msk vm13, v63  }
0xad: {  	[tilespmem:v13+s30+$0x0] =	vst.idx.add.f32.msk vm14, v7;
	v19 =	vadd.s32 s6, v2;
	v9 =	vsel vm2, v15, v5;
	v7 =	vsel vm15, v61, v21  }
0xae: {  	[tilespmem:v6+s30+$0x0] =	vst.idx.add.f32.msk vm0, v22;
	v5 =	vadd.f32 v14, v9;
	v6 =	vadd.f32 v20, v7  }
0xaf: {  	s3 =	simm.s32 $0x9;
	[tilespmem:v16+s30+$0x0] =	vst.idx.add.f32.msk vm2, v8  }
0xb0: {  	s4 =	simm.s32 $0x8;
	vm0 =	vne.s32 v12, v4;
	v15 =	vadd.s32 s3, v0;
	v13 =	vld.idx.msk [tilespmem:v18+s28+$0x0], $0xffff  }
0xb1: {  	s5 =	simm.s32 $0x7;
	v17 =	vadd.s32 s4, v0;
	vm1 =	vne.s32 v11, v3;
	[tilespmem:v60+s30+$0x0] =	vst.idx.add.f32.msk vm15, v10;
	v16 =	vsel vm0, v20, v6  }
0xb2: {  	s2 =	simm.s32 $0xA;
	s6 =	simm.s32 $0x6;
	v8 =	vsel vm1, v14, v5;
	v14 =	vld.idx.msk [tilespmem:v19+s28+$0x0], $0xffff;
	v20 =	vadd.s32 s5, v0;
	v10 =	vmovc v11;
	v5 =	vmovc v16;
	v6 =	vmov v12  }
.LBB2_6:
0xb3: {  	p0 =	slt.u32 s2, $0x26C;
	v18 =	vld.idx.msk [tilespmem:v18+s26+$0x0], $0xffff;
	v21 =	vadd.s32 s6, v0  }
0xb4: {  	v19 =	vld.idx.msk [tilespmem:v19+s26+$0x0], $0xffff  }
0xb5: {  	v22 =	vadd.s32 s6, v2;
	v23 =	vld.idx.msk [tilespmem:v15+s26+$0x0], $0xffff  }
0xb6: {  	v24 =	vld.idx.msk [tilespmem:v17+s26+$0x0], $0xffff  }
0xb7: {  	v25 =	vld.idx.msk [tilespmem:v20+s28+$0x0], $0xffff  }
0xb8: {  	v27 =	vadd.s32 s5, v2;
	v26 =	vld.idx.msk [tilespmem:v21+s28+$0x0], $0xffff  }
0xb9: {  	v21 =	vld.idx.msk [tilespmem:v21+s26+$0x0], $0xffff  }
0xba: {  	v29 =	vadd.s32 s4, v2;
	v28 =	vld.idx.msk [tilespmem:v22+s26+$0x0], $0xffff  }
0xbb: {  	v22 =	vld.idx.msk [tilespmem:v22+s28+$0x0], $0xffff  }
0xbc: {  	v20 =	vld.idx.msk [tilespmem:v20+s26+$0x0], $0xffff  }
0xbd: {  	v32 =	vadd.s32 s3, v2;
	v30 =	vadd.f32 v18, v8;
	v16 =	vadd.f32 v19, v16;
	v31 =	vld.idx.msk [tilespmem:v27+s26+$0x0], $0xffff  }
0xbe: {  	vm3 =	vne.s32 v13, v11;
	vm2 =	vne.s32 v14, v12;
	v27 =	vld.idx.msk [tilespmem:v27+s28+$0x0], $0xffff  }
0xbf: {  	v18 =	vsel vm3, v18, v30;
	v16 =	vsel vm2, v19, v16;
	v19 =	vld.idx.msk [tilespmem:v29+s26+$0x0], $0xffff  }
0xc0: {  	v11 =	vadd.f32 v21, v18;
	v12 =	vadd.f32 v28, v16;
	v17 =	vld.idx.msk [tilespmem:v17+s28+$0x0], $0xffff  }
0xc1: {  	vm4 =	vne.s32 v26, v13;
	vm5 =	vne.s32 v22, v14;
	v29 =	vld.idx.msk [tilespmem:v29+s28+$0x0], $0xffff  }
0xc2: {  	v21 =	vsel vm4, v21, v11;
	v28 =	vsel vm5, v28, v12;
	v30 =	vld.idx.msk [tilespmem:v32+s26+$0x0], $0xffff  }
0xc3: {  	v33 =	vadd.f32 v20, v21;
	v34 =	vadd.f32 v31, v28;
	v11 =	vld.idx.msk [tilespmem:v15+s28+$0x0], $0xffff  }
0xc4: {  	vm6 =	vne.s32 v25, v26;
	vm7 =	vne.s32 v27, v22;
	v12 =	vld.idx.msk [tilespmem:v32+s28+$0x0], $0xffff  }
0xc5: {  	v15 =	vsel vm6, v20, v33;
	v20 =	vsel vm7, v31, v34;
	[tilespmem:v3+s30+$0x0] =	vst.idx.add.f32.msk vm1, v9;
	v3 =	vmov v17  }
0xc6: {  	v9 =	vadd.f32 v24, v15;
	v17 =	vadd.f32 v19, v20;
	[tilespmem:v4+s30+$0x0] =	vst.idx.add.f32.msk vm0, v7;
	v4 =	vmov v29  }
0xc7: {  	[tilespmem:v13+s30+$0x0] =	vst.idx.add.f32.msk vm4, v18;
	vm4 =	vne.s32 v3, v25;
	vm8 =	vne.s32 v4, v27  }
0xc8: {  	[tilespmem:v14+s30+$0x0] =	vst.idx.add.f32.msk vm5, v16;
	v9 =	vsel vm4, v24, v9;
	v7 =	vsel vm8, v19, v17  }
0xc9: {  	[tilespmem:v10+s30+$0x0] =	vst.idx.add.f32.msk vm3, v8;
	v8 =	vadd.f32 v23, v9;
	v13 =	vadd.f32 v30, v7;
	v10 =	vmov v11  }
0xca: {  	v18 =	vadd.s32 s2, v0;
	vm1 =	vne.s32 v11, v3;
	vm0 =	vne.s32 v12, v4;
	[tilespmem:v26+s30+$0x0] =	vst.idx.add.f32.msk vm6, v21  }
0xcb: {  	v19 =	vadd.s32 s2, v2;
	[tilespmem:v22+s30+$0x0] =	vst.idx.add.f32.msk vm7, v28;
	v8 =	vsel vm1, v23, v8;
	v16 =	vsel vm0, v30, v13  }
.Ltmp2:
0xcc: {  	[tilespmem:v6+s30+$0x0] =	vst.idx.add.f32.msk vm2, v5;
	v6 =	vmov v12;
	v5 =	vmov v16;
	(pc) =	sbr.rel @p0 .LBB2_6-.Ltmp2, $4  }
0xcd: {  	s3 =	sadd.s32 $0x4, s2;
	[tilespmem:v25+s30+$0x0] =	vst.idx.add.f32.msk vm4, v15  }
0xce: {  	s4 =	sadd.s32 $0x3, s2;
	v15 =	vadd.s32 s3, v0;
	[tilespmem:v27+s30+$0x0] =	vst.idx.add.f32.msk vm8, v20  }
0xcf: {  	s5 =	sadd.s32 $0x2, s2;
	v17 =	vadd.s32 s4, v0;
	v13 =	vld.idx.msk [tilespmem:v18+s28+$0x0], $0xffff  }
0xd0: {  	s6 =	sadd.s32 $0x1, s2;
	s2 =	sadd.s32 $0x5, s2;
	v20 =	vadd.s32 s5, v0;
	v14 =	vld.idx.msk [tilespmem:v19+s28+$0x0], $0xffff  }
0xd1: {  	_ =	sdelay $0x3  }
0xd2: {  	v18 =	vld.idx.msk [tilespmem:v18+s26+$0x0], $0xffff  }
0xd3: {  	v19 =	vld.idx.msk [tilespmem:v19+s26+$0x0], $0xffff  }
0xd4: {  	v23 =	vld.idx.msk [tilespmem:v15+s26+$0x0], $0xffff  }
0xd5: {  	v21 =	vadd.s32 s6, v0;
	v24 =	vld.idx.msk [tilespmem:v17+s26+$0x0], $0xffff  }
0xd6: {  	v25 =	vld.idx.msk [tilespmem:v20+s28+$0x0], $0xffff  }
0xd7: {  	v22 =	vadd.s32 s6, v2;
	v20 =	vld.idx.msk [tilespmem:v20+s26+$0x0], $0xffff  }
0xd8: {  	v17 =	vld.idx.msk [tilespmem:v17+s28+$0x0], $0xffff  }
0xd9: {  	v27 =	vadd.s32 s5, v2;
	v15 =	vld.idx.msk [tilespmem:v15+s28+$0x0], $0xffff  }
0xda: {  	v26 =	vld.idx.msk [tilespmem:v21+s28+$0x0], $0xffff  }
0xdb: {  	v29 =	vadd.s32 s4, v2;
	v21 =	vld.idx.msk [tilespmem:v21+s26+$0x0], $0xffff  }
0xdc: {  	v28 =	vld.idx.msk [tilespmem:v22+s26+$0x0], $0xffff  }
0xdd: {  	v22 =	vld.idx.msk [tilespmem:v22+s28+$0x0], $0xffff  }
0xde: {  	v30 =	vld.idx.msk [tilespmem:v27+s26+$0x0], $0xffff  }
0xdf: {  	v31 =	vadd.s32 s3, v2;
	vm3 =	vne.s32 v13, v11;
	v27 =	vld.idx.msk [tilespmem:v27+s28+$0x0], $0xffff  }
0xe0: {  	v32 =	vld.idx.msk [tilespmem:v29+s26+$0x0], $0xffff  }
0xe1: {  	vm5 =	vne.s32 v14, v12;
	v33 =	vadd.f32 v18, v8;
	v29 =	vld.idx.msk [tilespmem:v29+s28+$0x0], $0xffff  }
0xe2: {  	[tilespmem:v3+s30+$0x0] =	vst.idx.add.f32.msk vm1, v9;
	v16 =	vadd.f32 v19, v16;
	vm2 =	vne.s32 v26, v13  }
0xe3: {  	[tilespmem:v4+s30+$0x0] =	vst.idx.add.f32.msk vm0, v7;
	v12 =	vsel vm3, v18, v33;
	vm6 =	vne.s32 v25, v26  }
0xe4: {  	vm0 =	vne.s32 v17, v25;
	v16 =	vsel vm5, v19, v16;
	v19 =	vld.idx.msk [tilespmem:v31+s28+$0x0], $0xffff;
	v18 =	vadd.f32 v21, v12  }
0xe5: {  	[tilespmem:v10+s30+$0x0] =	vst.idx.add.f32.msk vm3, v8;
	v58 =	vadd.f32 v28, v16;
	vm7 =	vne.s32 v27, v22  }
0xe6: {  	v11 =	vld.idx.msk [tilespmem:v31+s26+$0x0], $0xffff;
	vm4 =	vne.s32 v22, v14;
	vm1 =	vne.s32 v29, v27;
	v3 =	vsel vm2, v21, v18  }
0xe7: {  	[tilespmem:v6+s30+$0x0] =	vst.idx.add.f32.msk vm5, v5;
	v4 =	vsel vm4, v28, v58;
	v7 =	vadd.f32 v20, v3  }
0xe8: {  	v9 =	vadd.f32 v30, v4;
	[tilespmem:v13+s30+$0x0] =	vst.idx.add.f32.msk vm2, v12;
	vm2 =	vne.s32 v15, v17  }
0xe9: {  	vm3 =	vne.s32 v19, v29;
	v7 =	vsel vm6, v20, v7;
	[tilespmem:v26+s30+$0x0] =	vst.idx.add.f32.msk vm6, v3  }
0xea: {  	v3 =	vsel vm7, v30, v9;
	v8 =	vadd.f32 v24, v7;
	[tilespmem:v25+s30+$0x0] =	vst.idx.add.f32.msk vm0, v7  }
0xeb: {  	[tilespmem:v22+s30+$0x0] =	vst.idx.add.f32.msk vm7, v4;
	v4 =	vadd.f32 v32, v3  }
0xec: {  	[tilespmem:v14+s30+$0x0] =	vst.idx.add.f32.msk vm4, v16;
	v5 =	vsel vm0, v24, v8  }
0xed: {  	[tilespmem:v27+s30+$0x0] =	vst.idx.add.f32.msk vm1, v3;
	v4 =	vsel vm1, v32, v4;
	v6 =	vadd.f32 v23, v5  }
0xee: {  	v3 =	vadd.f32 v11, v4;
	[tilespmem:v17+s30+$0x0] =	vst.idx.add.f32.msk vm2, v5  }
0xef: {  	v5 =	vsel vm2, v23, v6;
	[tilespmem:v29+s30+$0x0] =	vst.idx.add.f32.msk vm3, v4  }
0xf0: {  	v3 =	vsel vm3, v11, v3;
	[tilespmem:v15+s30+$0x0] =	vst.idx.add.f32.msk $0xffff, v5  }
0xf1: {  	s2 =	simm.s32 $0x0;
	[tilespmem:v19+s30+$0x0] =	vst.idx.add.f32.msk $0xffff, v3  }
0xf2: {  	[tilespmem:s26], [sflag:$0x2] =	stream.linear.gather [hbm4b:s8+s2], $0x4E20, $0x38;
	[tilespmem:$0x14A00] =	vst v63  }
0xf3: {  	_ = 	snop  }
0xf4: {  	[tilespmem:s28], [sflag:$0x2] =	stream.linear.gather [hbm4b:s9+s2], $0x4E20, $0x38;
	[tilespmem:$0x14A00] =	vst v63  }
0xf5: {  	_ =	swait.ge [sflag:s29], $0x4E20  }
0xf6: {  	[sflag:s29] =	ssyncset.done $0x0  }
0xf7: {  	[sflag:s29] =	ssyncadd.s32 $0xFFFFB1E0  }
0xf8: {  	v3 =	vadd.s32 s2, v0;
	_ =	swait.ge [sflag:s29], $0x4E20  }
0xf9: {  	v4 =	vadd.s32 s2, v2;
	[sflag:s29] =	ssyncset.done $0x0  }
0xfa: {  	[sflag:s29] =	ssyncadd.s32 $0xFFFFB1E0  }
0xfb: {  	s2 =	simm.s32 $0x4;
	v5 =	vld.idx.msk [tilespmem:v0+s25+$0x0], $0xffff  }
0xfc: {  	s3 =	simm.s32 $0x3;
	v7 =	vadd.s32 s2, v0;
	v6 =	vld.idx.msk [tilespmem:v2+s25+$0x0], $0xffff  }
0xfd: {  	s4 =	simm.s32 $0x2;
	v9 =	vadd.s32 s3, v0;
	v8 =	vld.idx.msk [tilespmem:v3+s25+$0x0], $0xffff  }
0xfe: {  	s6 =	simm.s32 $0x1;
	v11 =	vadd.s32 s4, v0;
	v10 =	vld.idx.msk [tilespmem:v4+s25+$0x0], $0xffff  }
0xff: {  	v12 =	vadd.s32 s6, v0;
	v3 =	vld.idx.msk [tilespmem:v3+s1+$0x0], $0xffff  }
0x100: {  	v4 =	vld.idx.msk [tilespmem:v4+s1+$0x0], $0xffff  }
0x101: {  	v13 =	vadd.s32 s6, v2;
	v14 =	vld.idx.msk [tilespmem:v7+s1+$0x0], $0xffff  }
0x102: {  	v15 =	vld.idx.msk [tilespmem:v9+s1+$0x0], $0xffff  }
0x103: {  	v16 =	vld.idx.msk [tilespmem:v11+s25+$0x0], $0xffff  }
0x104: {  	v18 =	vadd.s32 s4, v2;
	v17 =	vld.idx.msk [tilespmem:v12+s25+$0x0], $0xffff  }
0x105: {  	v12 =	vld.idx.msk [tilespmem:v12+s1+$0x0], $0xffff  }
0x106: {  	v19 =	vld.idx.msk [tilespmem:v13+s1+$0x0], $0xffff  }
0x107: {  	v20 =	vadd.s32 s3, v2;
	v13 =	vld.idx.msk [tilespmem:v13+s25+$0x0], $0xffff  }
0x108: {  	v22 =	vimm.f32 $0.0e+00;
	v21 =	vld.idx.msk [tilespmem:v11+s1+$0x0], $0xffff  }
0x109: {  	v59 =	vadd.s32 s2, v2;
	v23 =	vld.idx.msk [tilespmem:v18+s1+$0x0], $0xffff;
	v11 =	vadd.f32 v3, v22  }
0x10a: {  	v60 =	vld.idx.msk [tilespmem:v18+s25+$0x0], $0xffff;
	v18 =	vadd.f32 v4, v22;
	vm1 =	vne.s32 v8, v5  }
0x10b: {  	vm2 =	vne.s32 v17, v8;
	vm0 =	vne.s32 v10, v6;
	v62 =	vsel vm1, v3, v11;
	v3 =	vld.idx.msk [tilespmem:v9+s25+$0x0], $0xffff  }
0x10c: {  	vm3 =	vne.s32 v13, v10;
	v9 =	vsel vm0, v4, v18;
	v4 =	vld.idx.msk [tilespmem:v20+s25+$0x0], $0xffff  }
0x10d: {  	v61 =	vld.idx.msk [tilespmem:v20+s1+$0x0], $0xffff;
	v11 =	vadd.f32 v12, v62;
	v18 =	vadd.f32 v19, v9  }
0x10e: {  	vm13 =	vne.s32 v16, v17;
	v20 =	vld.idx.msk [tilespmem:v59+s1+$0x0], $0xffff  }
0x10f: {  	vm14 =	vne.s32 v60, v13;
	v63 =	vsel vm2, v12, v11;
	v11 =	vld.idx.msk [tilespmem:v7+s25+$0x0], $0xffff;
	v7 =	vsel vm3, v19, v18  }
0x110: {  	v12 =	vld.idx.msk [tilespmem:v59+s25+$0x0], $0xffff;
	v18 =	vadd.f32 v21, v63;
	v19 =	vadd.f32 v23, v7  }
0x111: {  	[tilespmem:v8+s30+$0x0] =	vst.idx.add.f32.msk vm2, v62;
	vm2 =	vne.s32 v3, v16;
	vm15 =	vne.s32 v4, v60  }
0x112: {  	s6 =	simm.s32 $0x5;
	[tilespmem:v10+s30+$0x0] =	vst.idx.add.f32.msk vm3, v9;
	v8 =	vsel vm13, v21, v18;
	v10 =	vsel vm14, v23, v19  }
0x113: {  	[tilespmem:v5+s30+$0x0] =	vst.idx.add.f32.msk vm1, v22;
	v18 =	vadd.s32 s6, v0;
	v5 =	vadd.f32 v15, v8;
	v21 =	vadd.f32 v61, v10  }
0x114: {  	[tilespmem:v17+s30+$0x0] =	vst.idx.add.f32.msk vm13, v63  }
0x115: {  	[tilespmem:v13+s30+$0x0] =	vst.idx.add.f32.msk vm14, v7;
	v19 =	vadd.s32 s6, v2;
	v9 =	vsel vm2, v15, v5;
	v7 =	vsel vm15, v61, v21  }
0x116: {  	[tilespmem:v6+s30+$0x0] =	vst.idx.add.f32.msk vm0, v22;
	v5 =	vadd.f32 v14, v9;
	v6 =	vadd.f32 v20, v7  }
0x117: {  	s3 =	simm.s32 $0x9;
	[tilespmem:v16+s30+$0x0] =	vst.idx.add.f32.msk vm2, v8  }
0x118: {  	s4 =	simm.s32 $0x8;
	vm0 =	vne.s32 v12, v4;
	v15 =	vadd.s32 s3, v0;
	v13 =	vld.idx.msk [tilespmem:v18+s25+$0x0], $0xffff  }
0x119: {  	s5 =	simm.s32 $0x7;
	v17 =	vadd.s32 s4, v0;
	vm1 =	vne.s32 v11, v3;
	[tilespmem:v60+s30+$0x0] =	vst.idx.add.f32.msk vm15, v10;
	v16 =	vsel vm0, v20, v6  }
0x11a: {  	s2 =	simm.s32 $0xA;
	s6 =	simm.s32 $0x6;
	v8 =	vsel vm1, v14, v5;
	v14 =	vld.idx.msk [tilespmem:v19+s25+$0x0], $0xffff;
	v20 =	vadd.s32 s5, v0;
	v10 =	vmovc v11;
	v5 =	vmovc v16;
	v6 =	vmov v12  }
.LBB2_8:
0x11b: {  	p0 =	slt.u32 s2, $0x26C;
	v18 =	vld.idx.msk [tilespmem:v18+s1+$0x0], $0xffff;
	v21 =	vadd.s32 s6, v0  }
0x11c: {  	v19 =	vld.idx.msk [tilespmem:v19+s1+$0x0], $0xffff  }
0x11d: {  	v22 =	vadd.s32 s6, v2;
	v23 =	vld.idx.msk [tilespmem:v15+s1+$0x0], $0xffff  }
0x11e: {  	v24 =	vld.idx.msk [tilespmem:v17+s1+$0x0], $0xffff  }
0x11f: {  	v25 =	vld.idx.msk [tilespmem:v20+s25+$0x0], $0xffff  }
0x120: {  	v27 =	vadd.s32 s5, v2;
	v26 =	vld.idx.msk [tilespmem:v21+s25+$0x0], $0xffff  }
0x121: {  	v21 =	vld.idx.msk [tilespmem:v21+s1+$0x0], $0xffff  }
0x122: {  	v29 =	vadd.s32 s4, v2;
	v28 =	vld.idx.msk [tilespmem:v22+s1+$0x0], $0xffff  }
0x123: {  	v22 =	vld.idx.msk [tilespmem:v22+s25+$0x0], $0xffff  }
0x124: {  	v20 =	vld.idx.msk [tilespmem:v20+s1+$0x0], $0xffff  }
0x125: {  	v32 =	vadd.s32 s3, v2;
	v30 =	vadd.f32 v18, v8;
	v16 =	vadd.f32 v19, v16;
	v31 =	vld.idx.msk [tilespmem:v27+s1+$0x0], $0xffff  }
0x126: {  	vm3 =	vne.s32 v13, v11;
	vm2 =	vne.s32 v14, v12;
	v27 =	vld.idx.msk [tilespmem:v27+s25+$0x0], $0xffff  }
0x127: {  	v18 =	vsel vm3, v18, v30;
	v16 =	vsel vm2, v19, v16;
	v19 =	vld.idx.msk [tilespmem:v29+s1+$0x0], $0xffff  }
0x128: {  	v11 =	vadd.f32 v21, v18;
	v12 =	vadd.f32 v28, v16;
	v17 =	vld.idx.msk [tilespmem:v17+s25+$0x0], $0xffff  }
0x129: {  	vm4 =	vne.s32 v26, v13;
	vm5 =	vne.s32 v22, v14;
	v29 =	vld.idx.msk [tilespmem:v29+s25+$0x0], $0xffff  }
0x12a: {  	v21 =	vsel vm4, v21, v11;
	v28 =	vsel vm5, v28, v12;
	v30 =	vld.idx.msk [tilespmem:v32+s1+$0x0], $0xffff  }
0x12b: {  	v33 =	vadd.f32 v20, v21;
	v34 =	vadd.f32 v31, v28;
	v11 =	vld.idx.msk [tilespmem:v15+s25+$0x0], $0xffff  }
0x12c: {  	vm6 =	vne.s32 v25, v26;
	vm7 =	vne.s32 v27, v22;
	v12 =	vld.idx.msk [tilespmem:v32+s25+$0x0], $0xffff  }
0x12d: {  	v15 =	vsel vm6, v20, v33;
	v20 =	vsel vm7, v31, v34;
	[tilespmem:v3+s30+$0x0] =	vst.idx.add.f32.msk vm1, v9;
	v3 =	vmov v17  }
0x12e: {  	v9 =	vadd.f32 v24, v15;
	v17 =	vadd.f32 v19, v20;
	[tilespmem:v4+s30+$0x0] =	vst.idx.add.f32.msk vm0, v7;
	v4 =	vmov v29  }
0x12f: {  	[tilespmem:v13+s30+$0x0] =	vst.idx.add.f32.msk vm4, v18;
	vm4 =	vne.s32 v3, v25;
	vm8 =	vne.s32 v4, v27  }
0x130: {  	[tilespmem:v14+s30+$0x0] =	vst.idx.add.f32.msk vm5, v16;
	v9 =	vsel vm4, v24, v9;
	v7 =	vsel vm8, v19, v17  }
0x131: {  	[tilespmem:v10+s30+$0x0] =	vst.idx.add.f32.msk vm3, v8;
	v8 =	vadd.f32 v23, v9;
	v13 =	vadd.f32 v30, v7;
	v10 =	vmov v11  }
0x132: {  	v18 =	vadd.s32 s2, v0;
	vm1 =	vne.s32 v11, v3;
	vm0 =	vne.s32 v12, v4;
	[tilespmem:v26+s30+$0x0] =	vst.idx.add.f32.msk vm6, v21  }
0x133: {  	v19 =	vadd.s32 s2, v2;
	[tilespmem:v22+s30+$0x0] =	vst.idx.add.f32.msk vm7, v28;
	v8 =	vsel vm1, v23, v8;
	v16 =	vsel vm0, v30, v13  }
.Ltmp3:
0x134: {  	[tilespmem:v6+s30+$0x0] =	vst.idx.add.f32.msk vm2, v5;
	v6 =	vmov v12;
	v5 =	vmov v16;
	(pc) =	sbr.rel @p0 .LBB2_8-.Ltmp3, $4  }
0x135: {  	s3 =	sadd.s32 $0x4, s2;
	[tilespmem:v25+s30+$0x0] =	vst.idx.add.f32.msk vm4, v15  }
0x136: {  	s4 =	sadd.s32 $0x3, s2;
	v15 =	vadd.s32 s3, v0;
	[tilespmem:v27+s30+$0x0] =	vst.idx.add.f32.msk vm8, v20  }
0x137: {  	s5 =	sadd.s32 $0x2, s2;
	v17 =	vadd.s32 s4, v0;
	v13 =	vld.idx.msk [tilespmem:v18+s25+$0x0], $0xffff  }
0x138: {  	s6 =	sadd.s32 $0x1, s2;
	s2 =	sadd.s32 $0x5, s2;
	v20 =	vadd.s32 s5, v0;
	v14 =	vld.idx.msk [tilespmem:v19+s25+$0x0], $0xffff  }
0x139: {  	_ =	sdelay $0x3  }
0x13a: {  	v18 =	vld.idx.msk [tilespmem:v18+s1+$0x0], $0xffff  }
0x13b: {  	v19 =	vld.idx.msk [tilespmem:v19+s1+$0x0], $0xffff  }
0x13c: {  	v23 =	vld.idx.msk [tilespmem:v15+s1+$0x0], $0xffff  }
0x13d: {  	v21 =	vadd.s32 s6, v0;
	v24 =	vld.idx.msk [tilespmem:v17+s1+$0x0], $0xffff  }
0x13e: {  	v25 =	vld.idx.msk [tilespmem:v20+s25+$0x0], $0xffff  }
0x13f: {  	v22 =	vadd.s32 s6, v2;
	v20 =	vld.idx.msk [tilespmem:v20+s1+$0x0], $0xffff  }
0x140: {  	v17 =	vld.idx.msk [tilespmem:v17+s25+$0x0], $0xffff  }
0x141: {  	v27 =	vadd.s32 s5, v2;
	v15 =	vld.idx.msk [tilespmem:v15+s25+$0x0], $0xffff  }
0x142: {  	v26 =	vld.idx.msk [tilespmem:v21+s25+$0x0], $0xffff  }
0x143: {  	v29 =	vadd.s32 s4, v2;
	v21 =	vld.idx.msk [tilespmem:v21+s1+$0x0], $0xffff  }
0x144: {  	v28 =	vld.idx.msk [tilespmem:v22+s1+$0x0], $0xffff  }
0x145: {  	v22 =	vld.idx.msk [tilespmem:v22+s25+$0x0], $0xffff  }
0x146: {  	v30 =	vld.idx.msk [tilespmem:v27+s1+$0x0], $0xffff  }
0x147: {  	v31 =	vadd.s32 s3, v2;
	vm3 =	vne.s32 v13, v11;
	v27 =	vld.idx.msk [tilespmem:v27+s25+$0x0], $0xffff  }
0x148: {  	v32 =	vld.idx.msk [tilespmem:v29+s1+$0x0], $0xffff  }
0x149: {  	vm5 =	vne.s32 v14, v12;
	v33 =	vadd.f32 v18, v8;
	v29 =	vld.idx.msk [tilespmem:v29+s25+$0x0], $0xffff  }
0x14a: {  	[tilespmem:v3+s30+$0x0] =	vst.idx.add.f32.msk vm1, v9;
	v16 =	vadd.f32 v19, v16;
	vm2 =	vne.s32 v26, v13  }
0x14b: {  	[tilespmem:v4+s30+$0x0] =	vst.idx.add.f32.msk vm0, v7;
	v12 =	vsel vm3, v18, v33;
	vm6 =	vne.s32 v25, v26  }
0x14c: {  	vm0 =	vne.s32 v17, v25;
	v16 =	vsel vm5, v19, v16;
	v19 =	vld.idx.msk [tilespmem:v31+s25+$0x0], $0xffff;
	v18 =	vadd.f32 v21, v12  }
0x14d: {  	[tilespmem:v10+s30+$0x0] =	vst.idx.add.f32.msk vm3, v8;
	v58 =	vadd.f32 v28, v16;
	vm7 =	vne.s32 v27, v22  }
0x14e: {  	v11 =	vld.idx.msk [tilespmem:v31+s1+$0x0], $0xffff;
	vm4 =	vne.s32 v22, v14;
	vm1 =	vne.s32 v29, v27;
	v3 =	vsel vm2, v21, v18  }
0x14f: {  	[tilespmem:v6+s30+$0x0] =	vst.idx.add.f32.msk vm5, v5;
	v4 =	vsel vm4, v28, v58;
	v7 =	vadd.f32 v20, v3  }
0x150: {  	v9 =	vadd.f32 v30, v4;
	[tilespmem:v13+s30+$0x0] =	vst.idx.add.f32.msk vm2, v12;
	vm2 =	vne.s32 v15, v17  }
0x151: {  	vm3 =	vne.s32 v19, v29;
	v7 =	vsel vm6, v20, v7;
	[tilespmem:v26+s30+$0x0] =	vst.idx.add.f32.msk vm6, v3  }
0x152: {  	v3 =	vsel vm7, v30, v9;
	v8 =	vadd.f32 v24, v7;
	[tilespmem:v25+s30+$0x0] =	vst.idx.add.f32.msk vm0, v7  }
0x153: {  	[tilespmem:v22+s30+$0x0] =	vst.idx.add.f32.msk vm7, v4;
	v4 =	vadd.f32 v32, v3  }
0x154: {  	[tilespmem:v14+s30+$0x0] =	vst.idx.add.f32.msk vm4, v16;
	v5 =	vsel vm0, v24, v8  }
0x155: {  	[tilespmem:v27+s30+$0x0] =	vst.idx.add.f32.msk vm1, v3;
	v4 =	vsel vm1, v32, v4;
	v6 =	vadd.f32 v23, v5  }
0x156: {  	v3 =	vadd.f32 v11, v4;
	[tilespmem:v17+s30+$0x0] =	vst.idx.add.f32.msk vm2, v5  }
0x157: {  	v5 =	vsel vm2, v23, v6;
	[tilespmem:v29+s30+$0x0] =	vst.idx.add.f32.msk vm3, v4  }
0x158: {  	v3 =	vsel vm3, v11, v3;
	[tilespmem:v15+s30+$0x0] =	vst.idx.add.f32.msk $0xffff, v5  }
0x159: {  	s2 =	simm.s32 $0x0;
	[tilespmem:v19+s30+$0x0] =	vst.idx.add.f32.msk $0xffff, v3  }
0x15a: {  	[tilespmem:s2], [sflag:$0x1] =	stream.linear.gather [hbm4b:s10+s2], $0x4E20, $0x38;
	[tilespmem:$0x14A00] =	vst v63  }
0x15b: {  	_ = 	snop  }
0x15c: {  	[tilespmem:s25], [sflag:$0x1] =	stream.linear.gather [hbm4b:s11+s2], $0x4E20, $0x38;
	[tilespmem:$0x14A00] =	vst v63  }
0x15d: {  	_ =	swait.ge [sflag:s31], $0x4E20  }
0x15e: {  	[sflag:s31] =	ssyncset.done $0x0  }
0x15f: {  	[sflag:s31] =	ssyncadd.s32 $0xFFFFB1E0  }
0x160: {  	v3 =	vadd.s32 s2, v0;
	_ =	swait.ge [sflag:s31], $0x4E20  }
0x161: {  	v4 =	vadd.s32 s2, v2;
	[sflag:s31] =	ssyncset.done $0x0  }
0x162: {  	[sflag:s31] =	ssyncadd.s32 $0xFFFFB1E0  }
0x163: {  	s2 =	simm.s32 $0x4;
	v5 =	vld.idx.msk [tilespmem:v0+s28+$0x0], $0xffff  }
0x164: {  	s3 =	simm.s32 $0x3;
	v7 =	vadd.s32 s2, v0;
	v6 =	vld.idx.msk [tilespmem:v2+s28+$0x0], $0xffff  }
0x165: {  	s4 =	simm.s32 $0x2;
	v9 =	vadd.s32 s3, v0;
	v8 =	vld.idx.msk [tilespmem:v3+s28+$0x0], $0xffff  }
0x166: {  	s6 =	simm.s32 $0x1;
	v11 =	vadd.s32 s4, v0;
	v10 =	vld.idx.msk [tilespmem:v4+s28+$0x0], $0xffff  }
0x167: {  	v12 =	vadd.s32 s6, v0;
	v3 =	vld.idx.msk [tilespmem:v3+s26+$0x0], $0xffff  }
0x168: {  	v4 =	vld.idx.msk [tilespmem:v4+s26+$0x0], $0xffff  }
0x169: {  	v13 =	vadd.s32 s6, v2;
	v14 =	vld.idx.msk [tilespmem:v7+s26+$0x0], $0xffff  }
0x16a: {  	v15 =	vld.idx.msk [tilespmem:v9+s26+$0x0], $0xffff  }
0x16b: {  	v16 =	vld.idx.msk [tilespmem:v11+s28+$0x0], $0xffff  }
0x16c: {  	v18 =	vadd.s32 s4, v2;
	v17 =	vld.idx.msk [tilespmem:v12+s28+$0x0], $0xffff  }
0x16d: {  	v12 =	vld.idx.msk [tilespmem:v12+s26+$0x0], $0xffff  }
0x16e: {  	v19 =	vld.idx.msk [tilespmem:v13+s26+$0x0], $0xffff  }
0x16f: {  	v20 =	vadd.s32 s3, v2;
	v13 =	vld.idx.msk [tilespmem:v13+s28+$0x0], $0xffff  }
0x170: {  	v22 =	vimm.f32 $0.0e+00;
	v21 =	vld.idx.msk [tilespmem:v11+s26+$0x0], $0xffff  }
0x171: {  	v59 =	vadd.s32 s2, v2;
	v23 =	vld.idx.msk [tilespmem:v18+s26+$0x0], $0xffff;
	v11 =	vadd.f32 v3, v22  }
0x172: {  	v60 =	vld.idx.msk [tilespmem:v18+s28+$0x0], $0xffff;
	v18 =	vadd.f32 v4, v22;
	vm1 =	vne.s32 v8, v5  }
0x173: {  	vm2 =	vne.s32 v17, v8;
	vm0 =	vne.s32 v10, v6;
	v62 =	vsel vm1, v3, v11;
	v3 =	vld.idx.msk [tilespmem:v9+s28+$0x0], $0xffff  }
0x174: {  	vm3 =	vne.s32 v13, v10;
	v9 =	vsel vm0, v4, v18;
	v4 =	vld.idx.msk [tilespmem:v20+s28+$0x0], $0xffff  }
0x175: {  	v61 =	vld.idx.msk [tilespmem:v20+s26+$0x0], $0xffff;
	v11 =	vadd.f32 v12, v62;
	v18 =	vadd.f32 v19, v9  }
0x176: {  	vm13 =	vne.s32 v16, v17;
	v20 =	vld.idx.msk [tilespmem:v59+s26+$0x0], $0xffff  }
0x177: {  	vm14 =	vne.s32 v60, v13;
	v63 =	vsel vm2, v12, v11;
	v11 =	vld.idx.msk [tilespmem:v7+s28+$0x0], $0xffff;
	v7 =	vsel vm3, v19, v18  }
0x178: {  	v12 =	vld.idx.msk [tilespmem:v59+s28+$0x0], $0xffff;
	v18 =	vadd.f32 v21, v63;
	v19 =	vadd.f32 v23, v7  }
0x179: {  	[tilespmem:v8+s30+$0x0] =	vst.idx.add.f32.msk vm2, v62;
	vm2 =	vne.s32 v3, v16;
	vm15 =	vne.s32 v4, v60  }
0x17a: {  	s6 =	simm.s32 $0x5;
	[tilespmem:v10+s30+$0x0] =	vst.idx.add.f32.msk vm3, v9;
	v8 =	vsel vm13, v21, v18;
	v10 =	vsel vm14, v23, v19  }
0x17b: {  	[tilespmem:v5+s30+$0x0] =	vst.idx.add.f32.msk vm1, v22;
	v18 =	vadd.s32 s6, v0;
	v5 =	vadd.f32 v15, v8;
	v21 =	vadd.f32 v61, v10  }
0x17c: {  	[tilespmem:v17+s30+$0x0] =	vst.idx.add.f32.msk vm13, v63  }
0x17d: {  	[tilespmem:v13+s30+$0x0] =	vst.idx.add.f32.msk vm14, v7;
	v19 =	vadd.s32 s6, v2;
	v9 =	vsel vm2, v15, v5;
	v7 =	vsel vm15, v61, v21  }
0x17e: {  	[tilespmem:v6+s30+$0x0] =	vst.idx.add.f32.msk vm0, v22;
	v5 =	vadd.f32 v14, v9;
	v6 =	vadd.f32 v20, v7  }
0x17f: {  	s3 =	simm.s32 $0x9;
	[tilespmem:v16+s30+$0x0] =	vst.idx.add.f32.msk vm2, v8  }
0x180: {  	s4 =	simm.s32 $0x8;
	vm0 =	vne.s32 v12, v4;
	v15 =	vadd.s32 s3, v0;
	v13 =	vld.idx.msk [tilespmem:v18+s28+$0x0], $0xffff  }
0x181: {  	s5 =	simm.s32 $0x7;
	v17 =	vadd.s32 s4, v0;
	vm1 =	vne.s32 v11, v3;
	[tilespmem:v60+s30+$0x0] =	vst.idx.add.f32.msk vm15, v10;
	v16 =	vsel vm0, v20, v6  }
0x182: {  	s2 =	simm.s32 $0xA;
	s6 =	simm.s32 $0x6;
	v8 =	vsel vm1, v14, v5;
	v14 =	vld.idx.msk [tilespmem:v19+s28+$0x0], $0xffff;
	v20 =	vadd.s32 s5, v0;
	v10 =	vmovc v11;
	v5 =	vmovc v16;
	v6 =	vmov v12  }
.LBB2_10:
0x183: {  	p0 =	slt.u32 s2, $0x26C;
	v18 =	vld.idx.msk [tilespmem:v18+s26+$0x0], $0xffff;
	v21 =	vadd.s32 s6, v0  }
0x184: {  	v19 =	vld.idx.msk [tilespmem:v19+s26+$0x0], $0xffff  }
0x185: {  	v22 =	vadd.s32 s6, v2;
	v23 =	vld.idx.msk [tilespmem:v15+s26+$0x0], $0xffff  }
0x186: {  	v24 =	vld.idx.msk [tilespmem:v17+s26+$0x0], $0xffff  }
0x187: {  	v25 =	vld.idx.msk [tilespmem:v20+s28+$0x0], $0xffff  }
0x188: {  	v27 =	vadd.s32 s5, v2;
	v26 =	vld.idx.msk [tilespmem:v21+s28+$0x0], $0xffff  }
0x189: {  	v21 =	vld.idx.msk [tilespmem:v21+s26+$0x0], $0xffff  }
0x18a: {  	v29 =	vadd.s32 s4, v2;
	v28 =	vld.idx.msk [tilespmem:v22+s26+$0x0], $0xffff  }
0x18b: {  	v22 =	vld.idx.msk [tilespmem:v22+s28+$0x0], $0xffff  }
0x18c: {  	v20 =	vld.idx.msk [tilespmem:v20+s26+$0x0], $0xffff  }
0x18d: {  	v32 =	vadd.s32 s3, v2;
	v30 =	vadd.f32 v18, v8;
	v16 =	vadd.f32 v19, v16;
	v31 =	vld.idx.msk [tilespmem:v27+s26+$0x0], $0xffff  }
0x18e: {  	vm3 =	vne.s32 v13, v11;
	vm2 =	vne.s32 v14, v12;
	v27 =	vld.idx.msk [tilespmem:v27+s28+$0x0], $0xffff  }
0x18f: {  	v18 =	vsel vm3, v18, v30;
	v16 =	vsel vm2, v19, v16;
	v19 =	vld.idx.msk [tilespmem:v29+s26+$0x0], $0xffff  }
0x190: {  	v11 =	vadd.f32 v21, v18;
	v12 =	vadd.f32 v28, v16;
	v17 =	vld.idx.msk [tilespmem:v17+s28+$0x0], $0xffff  }
0x191: {  	vm4 =	vne.s32 v26, v13;
	vm5 =	vne.s32 v22, v14;
	v29 =	vld.idx.msk [tilespmem:v29+s28+$0x0], $0xffff  }
0x192: {  	v21 =	vsel vm4, v21, v11;
	v28 =	vsel vm5, v28, v12;
	v30 =	vld.idx.msk [tilespmem:v32+s26+$0x0], $0xffff  }
0x193: {  	v33 =	vadd.f32 v20, v21;
	v34 =	vadd.f32 v31, v28;
	v11 =	vld.idx.msk [tilespmem:v15+s28+$0x0], $0xffff  }
0x194: {  	vm6 =	vne.s32 v25, v26;
	vm7 =	vne.s32 v27, v22;
	v12 =	vld.idx.msk [tilespmem:v32+s28+$0x0], $0xffff  }
0x195: {  	v15 =	vsel vm6, v20, v33;
	v20 =	vsel vm7, v31, v34;
	[tilespmem:v3+s30+$0x0] =	vst.idx.add.f32.msk vm1, v9;
	v3 =	vmov v17  }
0x196: {  	v9 =	vadd.f32 v24, v15;
	v17 =	vadd.f32 v19, v20;
	[tilespmem:v4+s30+$0x0] =	vst.idx.add.f32.msk vm0, v7;
	v4 =	vmov v29  }
0x197: {  	[tilespmem:v13+s30+$0x0] =	vst.idx.add.f32.msk vm4, v18;
	vm4 =	vne.s32 v3, v25;
	vm8 =	vne.s32 v4, v27  }
0x198: {  	[tilespmem:v14+s30+$0x0] =	vst.idx.add.f32.msk vm5, v16;
	v9 =	vsel vm4, v24, v9;
	v7 =	vsel vm8, v19, v17  }
0x199: {  	[tilespmem:v10+s30+$0x0] =	vst.idx.add.f32.msk vm3, v8;
	v8 =	vadd.f32 v23, v9;
	v13 =	vadd.f32 v30, v7;
	v10 =	vmov v11  }
0x19a: {  	v18 =	vadd.s32 s2, v0;
	vm1 =	vne.s32 v11, v3;
	vm0 =	vne.s32 v12, v4;
	[tilespmem:v26+s30+$0x0] =	vst.idx.add.f32.msk vm6, v21  }
0x19b: {  	v19 =	vadd.s32 s2, v2;
	[tilespmem:v22+s30+$0x0] =	vst.idx.add.f32.msk vm7, v28;
	v8 =	vsel vm1, v23, v8;
	v16 =	vsel vm0, v30, v13  }
.Ltmp4:
0x19c: {  	[tilespmem:v6+s30+$0x0] =	vst.idx.add.f32.msk vm2, v5;
	v6 =	vmov v12;
	v5 =	vmov v16;
	(pc) =	sbr.rel @p0 .LBB2_10-.Ltmp4, $4  }
0x19d: {  	s3 =	sadd.s32 $0x4, s2;
	[tilespmem:v25+s30+$0x0] =	vst.idx.add.f32.msk vm4, v15  }
0x19e: {  	s4 =	sadd.s32 $0x3, s2;
	v15 =	vadd.s32 s3, v0;
	[tilespmem:v27+s30+$0x0] =	vst.idx.add.f32.msk vm8, v20  }
0x19f: {  	s5 =	sadd.s32 $0x2, s2;
	v17 =	vadd.s32 s4, v0;
	v13 =	vld.idx.msk [tilespmem:v18+s28+$0x0], $0xffff  }
0x1a0: {  	s6 =	sadd.s32 $0x1, s2;
	s2 =	sadd.s32 $0x5, s2;
	v20 =	vadd.s32 s5, v0;
	v14 =	vld.idx.msk [tilespmem:v19+s28+$0x0], $0xffff  }
0x1a1: {  	_ =	sdelay $0x3  }
0x1a2: {  	v18 =	vld.idx.msk [tilespmem:v18+s26+$0x0], $0xffff  }
0x1a3: {  	v19 =	vld.idx.msk [tilespmem:v19+s26+$0x0], $0xffff  }
0x1a4: {  	v23 =	vld.idx.msk [tilespmem:v15+s26+$0x0], $0xffff  }
0x1a5: {  	v21 =	vadd.s32 s6, v0;
	v24 =	vld.idx.msk [tilespmem:v17+s26+$0x0], $0xffff  }
0x1a6: {  	v25 =	vld.idx.msk [tilespmem:v20+s28+$0x0], $0xffff  }
0x1a7: {  	v22 =	vadd.s32 s6, v2;
	v20 =	vld.idx.msk [tilespmem:v20+s26+$0x0], $0xffff  }
0x1a8: {  	v17 =	vld.idx.msk [tilespmem:v17+s28+$0x0], $0xffff  }
0x1a9: {  	v27 =	vadd.s32 s5, v2;
	v15 =	vld.idx.msk [tilespmem:v15+s28+$0x0], $0xffff  }
0x1aa: {  	v26 =	vld.idx.msk [tilespmem:v21+s28+$0x0], $0xffff  }
0x1ab: {  	v29 =	vadd.s32 s4, v2;
	v21 =	vld.idx.msk [tilespmem:v21+s26+$0x0], $0xffff  }
0x1ac: {  	v28 =	vld.idx.msk [tilespmem:v22+s26+$0x0], $0xffff  }
0x1ad: {  	v22 =	vld.idx.msk [tilespmem:v22+s28+$0x0], $0xffff  }
0x1ae: {  	v30 =	vld.idx.msk [tilespmem:v27+s26+$0x0], $0xffff  }
0x1af: {  	v31 =	vadd.s32 s3, v2;
	vm3 =	vne.s32 v13, v11;
	v27 =	vld.idx.msk [tilespmem:v27+s28+$0x0], $0xffff  }
0x1b0: {  	v32 =	vld.idx.msk [tilespmem:v29+s26+$0x0], $0xffff  }
0x1b1: {  	vm5 =	vne.s32 v14, v12;
	v33 =	vadd.f32 v18, v8;
	v29 =	vld.idx.msk [tilespmem:v29+s28+$0x0], $0xffff  }
0x1b2: {  	[tilespmem:v3+s30+$0x0] =	vst.idx.add.f32.msk vm1, v9;
	v16 =	vadd.f32 v19, v16;
	vm2 =	vne.s32 v26, v13  }
0x1b3: {  	[tilespmem:v4+s30+$0x0] =	vst.idx.add.f32.msk vm0, v7;
	v12 =	vsel vm3, v18, v33;
	vm6 =	vne.s32 v25, v26  }
0x1b4: {  	vm0 =	vne.s32 v17, v25;
	v16 =	vsel vm5, v19, v16;
	v19 =	vld.idx.msk [tilespmem:v31+s28+$0x0], $0xffff;
	v18 =	vadd.f32 v21, v12  }
0x1b5: {  	[tilespmem:v10+s30+$0x0] =	vst.idx.add.f32.msk vm3, v8;
	v58 =	vadd.f32 v28, v16;
	vm7 =	vne.s32 v27, v22  }
0x1b6: {  	v11 =	vld.idx.msk [tilespmem:v31+s26+$0x0], $0xffff;
	vm4 =	vne.s32 v22, v14;
	vm1 =	vne.s32 v29, v27;
	v3 =	vsel vm2, v21, v18  }
0x1b7: {  	[tilespmem:v6+s30+$0x0] =	vst.idx.add.f32.msk vm5, v5;
	v4 =	vsel vm4, v28, v58;
	v7 =	vadd.f32 v20, v3  }
0x1b8: {  	v9 =	vadd.f32 v30, v4;
	[tilespmem:v13+s30+$0x0] =	vst.idx.add.f32.msk vm2, v12;
	vm2 =	vne.s32 v15, v17  }
0x1b9: {  	vm3 =	vne.s32 v19, v29;
	v7 =	vsel vm6, v20, v7;
	[tilespmem:v26+s30+$0x0] =	vst.idx.add.f32.msk vm6, v3  }
0x1ba: {  	v3 =	vsel vm7, v30, v9;
	v8 =	vadd.f32 v24, v7;
	[tilespmem:v25+s30+$0x0] =	vst.idx.add.f32.msk vm0, v7  }
0x1bb: {  	[tilespmem:v22+s30+$0x0] =	vst.idx.add.f32.msk vm7, v4;
	v4 =	vadd.f32 v32, v3  }
0x1bc: {  	[tilespmem:v14+s30+$0x0] =	vst.idx.add.f32.msk vm4, v16;
	v5 =	vsel vm0, v24, v8  }
0x1bd: {  	[tilespmem:v27+s30+$0x0] =	vst.idx.add.f32.msk vm1, v3;
	v4 =	vsel vm1, v32, v4;
	v6 =	vadd.f32 v23, v5  }
0x1be: {  	v3 =	vadd.f32 v11, v4;
	[tilespmem:v17+s30+$0x0] =	vst.idx.add.f32.msk vm2, v5  }
0x1bf: {  	v5 =	vsel vm2, v23, v6;
	[tilespmem:v29+s30+$0x0] =	vst.idx.add.f32.msk vm3, v4  }
0x1c0: {  	v3 =	vsel vm3, v11, v3;
	[tilespmem:v15+s30+$0x0] =	vst.idx.add.f32.msk $0xffff, v5  }
0x1c1: {  	s2 =	simm.s32 $0x0;
	[tilespmem:v19+s30+$0x0] =	vst.idx.add.f32.msk $0xffff, v3  }
0x1c2: {  	[tilespmem:s26], [sflag:$0x2] =	stream.linear.gather [hbm4b:s12+s2], $0x4E20, $0x38;
	[tilespmem:$0x14A00] =	vst v63  }
0x1c3: {  	_ = 	snop  }
0x1c4: {  	[tilespmem:s28], [sflag:$0x2] =	stream.linear.gather [hbm4b:s13+s2], $0x4E20, $0x38;
	[tilespmem:$0x14A00] =	vst v63  }
0x1c5: {  	_ =	swait.ge [sflag:s29], $0x4E20  }
0x1c6: {  	[sflag:s29] =	ssyncset.done $0x0  }
0x1c7: {  	[sflag:s29] =	ssyncadd.s32 $0xFFFFB1E0  }
0x1c8: {  	v3 =	vadd.s32 s2, v0;
	_ =	swait.ge [sflag:s29], $0x4E20  }
0x1c9: {  	v4 =	vadd.s32 s2, v2;
	[sflag:s29] =	ssyncset.done $0x0  }
0x1ca: {  	[sflag:s29] =	ssyncadd.s32 $0xFFFFB1E0  }
0x1cb: {  	s2 =	simm.s32 $0x4;
	v5 =	vld.idx.msk [tilespmem:v0+s25+$0x0], $0xffff  }
0x1cc: {  	s3 =	simm.s32 $0x3;
	v7 =	vadd.s32 s2, v0;
	v6 =	vld.idx.msk [tilespmem:v2+s25+$0x0], $0xffff  }
0x1cd: {  	s4 =	simm.s32 $0x2;
	v9 =	vadd.s32 s3, v0;
	v8 =	vld.idx.msk [tilespmem:v3+s25+$0x0], $0xffff  }
0x1ce: {  	s6 =	simm.s32 $0x1;
	v11 =	vadd.s32 s4, v0;
	v10 =	vld.idx.msk [tilespmem:v4+s25+$0x0], $0xffff  }
0x1cf: {  	v12 =	vadd.s32 s6, v0;
	v3 =	vld.idx.msk [tilespmem:v3+s1+$0x0], $0xffff  }
0x1d0: {  	v4 =	vld.idx.msk [tilespmem:v4+s1+$0x0], $0xffff  }
0x1d1: {  	v13 =	vadd.s32 s6, v2;
	v14 =	vld.idx.msk [tilespmem:v7+s1+$0x0], $0xffff  }
0x1d2: {  	v15 =	vld.idx.msk [tilespmem:v9+s1+$0x0], $0xffff  }
0x1d3: {  	v16 =	vld.idx.msk [tilespmem:v11+s25+$0x0], $0xffff  }
0x1d4: {  	v18 =	vadd.s32 s4, v2;
	v17 =	vld.idx.msk [tilespmem:v12+s25+$0x0], $0xffff  }
0x1d5: {  	v12 =	vld.idx.msk [tilespmem:v12+s1+$0x0], $0xffff  }
0x1d6: {  	v19 =	vld.idx.msk [tilespmem:v13+s1+$0x0], $0xffff  }
0x1d7: {  	v20 =	vadd.s32 s3, v2;
	v13 =	vld.idx.msk [tilespmem:v13+s25+$0x0], $0xffff  }
0x1d8: {  	v22 =	vimm.f32 $0.0e+00;
	v21 =	vld.idx.msk [tilespmem:v11+s1+$0x0], $0xffff  }
0x1d9: {  	v59 =	vadd.s32 s2, v2;
	v23 =	vld.idx.msk [tilespmem:v18+s1+$0x0], $0xffff;
	v11 =	vadd.f32 v3, v22  }
0x1da: {  	v60 =	vld.idx.msk [tilespmem:v18+s25+$0x0], $0xffff;
	v18 =	vadd.f32 v4, v22;
	vm1 =	vne.s32 v8, v5  }
0x1db: {  	vm2 =	vne.s32 v17, v8;
	vm0 =	vne.s32 v10, v6;
	v62 =	vsel vm1, v3, v11;
	v3 =	vld.idx.msk [tilespmem:v9+s25+$0x0], $0xffff  }
0x1dc: {  	vm3 =	vne.s32 v13, v10;
	v9 =	vsel vm0, v4, v18;
	v4 =	vld.idx.msk [tilespmem:v20+s25+$0x0], $0xffff  }
0x1dd: {  	v61 =	vld.idx.msk [tilespmem:v20+s1+$0x0], $0xffff;
	v11 =	vadd.f32 v12, v62;
	v18 =	vadd.f32 v19, v9  }
0x1de: {  	vm13 =	vne.s32 v16, v17;
	v20 =	vld.idx.msk [tilespmem:v59+s1+$0x0], $0xffff  }
0x1df: {  	vm14 =	vne.s32 v60, v13;
	v63 =	vsel vm2, v12, v11;
	v11 =	vld.idx.msk [tilespmem:v7+s25+$0x0], $0xffff;
	v7 =	vsel vm3, v19, v18  }
0x1e0: {  	v12 =	vld.idx.msk [tilespmem:v59+s25+$0x0], $0xffff;
	v18 =	vadd.f32 v21, v63;
	v19 =	vadd.f32 v23, v7  }
0x1e1: {  	[tilespmem:v8+s30+$0x0] =	vst.idx.add.f32.msk vm2, v62;
	vm2 =	vne.s32 v3, v16;
	vm15 =	vne.s32 v4, v60  }
0x1e2: {  	s6 =	simm.s32 $0x5;
	[tilespmem:v10+s30+$0x0] =	vst.idx.add.f32.msk vm3, v9;
	v8 =	vsel vm13, v21, v18;
	v10 =	vsel vm14, v23, v19  }
0x1e3: {  	[tilespmem:v5+s30+$0x0] =	vst.idx.add.f32.msk vm1, v22;
	v18 =	vadd.s32 s6, v0;
	v5 =	vadd.f32 v15, v8;
	v21 =	vadd.f32 v61, v10  }
0x1e4: {  	[tilespmem:v17+s30+$0x0] =	vst.idx.add.f32.msk vm13, v63  }
0x1e5: {  	[tilespmem:v13+s30+$0x0] =	vst.idx.add.f32.msk vm14, v7;
	v19 =	vadd.s32 s6, v2;
	v9 =	vsel vm2, v15, v5;
	v7 =	vsel vm15, v61, v21  }
0x1e6: {  	[tilespmem:v6+s30+$0x0] =	vst.idx.add.f32.msk vm0, v22;
	v5 =	vadd.f32 v14, v9;
	v6 =	vadd.f32 v20, v7  }
0x1e7: {  	s3 =	simm.s32 $0x9;
	[tilespmem:v16+s30+$0x0] =	vst.idx.add.f32.msk vm2, v8  }
0x1e8: {  	s4 =	simm.s32 $0x8;
	vm0 =	vne.s32 v12, v4;
	v15 =	vadd.s32 s3, v0;
	v13 =	vld.idx.msk [tilespmem:v18+s25+$0x0], $0xffff  }
0x1e9: {  	s5 =	simm.s32 $0x7;
	v17 =	vadd.s32 s4, v0;
	vm1 =	vne.s32 v11, v3;
	[tilespmem:v60+s30+$0x0] =	vst.idx.add.f32.msk vm15, v10;
	v16 =	vsel vm0, v20, v6  }
0x1ea: {  	s2 =	simm.s32 $0xA;
	s6 =	simm.s32 $0x6;
	v8 =	vsel vm1, v14, v5;
	v14 =	vld.idx.msk [tilespmem:v19+s25+$0x0], $0xffff;
	v20 =	vadd.s32 s5, v0;
	v10 =	vmovc v11;
	v5 =	vmovc v16;
	v6 =	vmov v12  }
.LBB2_12:
0x1eb: {  	p0 =	slt.u32 s2, $0x26C;
	v18 =	vld.idx.msk [tilespmem:v18+s1+$0x0], $0xffff;
	v21 =	vadd.s32 s6, v0  }
0x1ec: {  	v19 =	vld.idx.msk [tilespmem:v19+s1+$0x0], $0xffff  }
0x1ed: {  	v22 =	vadd.s32 s6, v2;
	v23 =	vld.idx.msk [tilespmem:v15+s1+$0x0], $0xffff  }
0x1ee: {  	v24 =	vld.idx.msk [tilespmem:v17+s1+$0x0], $0xffff  }
0x1ef: {  	v25 =	vld.idx.msk [tilespmem:v20+s25+$0x0], $0xffff  }
0x1f0: {  	v27 =	vadd.s32 s5, v2;
	v26 =	vld.idx.msk [tilespmem:v21+s25+$0x0], $0xffff  }
0x1f1: {  	v21 =	vld.idx.msk [tilespmem:v21+s1+$0x0], $0xffff  }
0x1f2: {  	v29 =	vadd.s32 s4, v2;
	v28 =	vld.idx.msk [tilespmem:v22+s1+$0x0], $0xffff  }
0x1f3: {  	v22 =	vld.idx.msk [tilespmem:v22+s25+$0x0], $0xffff  }
0x1f4: {  	v20 =	vld.idx.msk [tilespmem:v20+s1+$0x0], $0xffff  }
0x1f5: {  	v32 =	vadd.s32 s3, v2;
	v30 =	vadd.f32 v18, v8;
	v16 =	vadd.f32 v19, v16;
	v31 =	vld.idx.msk [tilespmem:v27+s1+$0x0], $0xffff  }
0x1f6: {  	vm3 =	vne.s32 v13, v11;
	vm2 =	vne.s32 v14, v12;
	v27 =	vld.idx.msk [tilespmem:v27+s25+$0x0], $0xffff  }
0x1f7: {  	v18 =	vsel vm3, v18, v30;
	v16 =	vsel vm2, v19, v16;
	v19 =	vld.idx.msk [tilespmem:v29+s1+$0x0], $0xffff  }
0x1f8: {  	v11 =	vadd.f32 v21, v18;
	v12 =	vadd.f32 v28, v16;
	v17 =	vld.idx.msk [tilespmem:v17+s25+$0x0], $0xffff  }
0x1f9: {  	vm4 =	vne.s32 v26, v13;
	vm5 =	vne.s32 v22, v14;
	v29 =	vld.idx.msk [tilespmem:v29+s25+$0x0], $0xffff  }
0x1fa: {  	v21 =	vsel vm4, v21, v11;
	v28 =	vsel vm5, v28, v12;
	v30 =	vld.idx.msk [tilespmem:v32+s1+$0x0], $0xffff  }
0x1fb: {  	v33 =	vadd.f32 v20, v21;
	v34 =	vadd.f32 v31, v28;
	v11 =	vld.idx.msk [tilespmem:v15+s25+$0x0], $0xffff  }
0x1fc: {  	vm6 =	vne.s32 v25, v26;
	vm7 =	vne.s32 v27, v22;
	v12 =	vld.idx.msk [tilespmem:v32+s25+$0x0], $0xffff  }
0x1fd: {  	v15 =	vsel vm6, v20, v33;
	v20 =	vsel vm7, v31, v34;
	[tilespmem:v3+s30+$0x0] =	vst.idx.add.f32.msk vm1, v9;
	v3 =	vmov v17  }
0x1fe: {  	v9 =	vadd.f32 v24, v15;
	v17 =	vadd.f32 v19, v20;
	[tilespmem:v4+s30+$0x0] =	vst.idx.add.f32.msk vm0, v7;
	v4 =	vmov v29  }
0x1ff: {  	[tilespmem:v13+s30+$0x0] =	vst.idx.add.f32.msk vm4, v18;
	vm4 =	vne.s32 v3, v25;
	vm8 =	vne.s32 v4, v27  }
0x200: {  	[tilespmem:v14+s30+$0x0] =	vst.idx.add.f32.msk vm5, v16;
	v9 =	vsel vm4, v24, v9;
	v7 =	vsel vm8, v19, v17  }
0x201: {  	[tilespmem:v10+s30+$0x0] =	vst.idx.add.f32.msk vm3, v8;
	v8 =	vadd.f32 v23, v9;
	v13 =	vadd.f32 v30, v7;
	v10 =	vmov v11  }
0x202: {  	v18 =	vadd.s32 s2, v0;
	vm1 =	vne.s32 v11, v3;
	vm0 =	vne.s32 v12, v4;
	[tilespmem:v26+s30+$0x0] =	vst.idx.add.f32.msk vm6, v21  }
0x203: {  	v19 =	vadd.s32 s2, v2;
	[tilespmem:v22+s30+$0x0] =	vst.idx.add.f32.msk vm7, v28;
	v8 =	vsel vm1, v23, v8;
	v16 =	vsel vm0, v30, v13  }
.Ltmp5:
0x204: {  	[tilespmem:v6+s30+$0x0] =	vst.idx.add.f32.msk vm2, v5;
	v6 =	vmov v12;
	v5 =	vmov v16;
	(pc) =	sbr.rel @p0 .LBB2_12-.Ltmp5, $4  }
0x205: {  	s3 =	sadd.s32 $0x4, s2;
	[tilespmem:v25+s30+$0x0] =	vst.idx.add.f32.msk vm4, v15  }
0x206: {  	s4 =	sadd.s32 $0x3, s2;
	v15 =	vadd.s32 s3, v0;
	[tilespmem:v27+s30+$0x0] =	vst.idx.add.f32.msk vm8, v20  }
0x207: {  	s5 =	sadd.s32 $0x2, s2;
	v17 =	vadd.s32 s4, v0;
	v13 =	vld.idx.msk [tilespmem:v18+s25+$0x0], $0xffff  }
0x208: {  	s6 =	sadd.s32 $0x1, s2;
	s2 =	sadd.s32 $0x5, s2;
	v20 =	vadd.s32 s5, v0;
	v14 =	vld.idx.msk [tilespmem:v19+s25+$0x0], $0xffff  }
0x209: {  	_ =	sdelay $0x3  }
0x20a: {  	v18 =	vld.idx.msk [tilespmem:v18+s1+$0x0], $0xffff  }
0x20b: {  	v19 =	vld.idx.msk [tilespmem:v19+s1+$0x0], $0xffff  }
0x20c: {  	v23 =	vld.idx.msk [tilespmem:v15+s1+$0x0], $0xffff  }
0x20d: {  	v21 =	vadd.s32 s6, v0;
	v24 =	vld.idx.msk [tilespmem:v17+s1+$0x0], $0xffff  }
0x20e: {  	v25 =	vld.idx.msk [tilespmem:v20+s25+$0x0], $0xffff  }
0x20f: {  	v22 =	vadd.s32 s6, v2;
	v20 =	vld.idx.msk [tilespmem:v20+s1+$0x0], $0xffff  }
0x210: {  	v17 =	vld.idx.msk [tilespmem:v17+s25+$0x0], $0xffff  }
0x211: {  	v27 =	vadd.s32 s5, v2;
	v15 =	vld.idx.msk [tilespmem:v15+s25+$0x0], $0xffff  }
0x212: {  	v26 =	vld.idx.msk [tilespmem:v21+s25+$0x0], $0xffff  }
0x213: {  	v29 =	vadd.s32 s4, v2;
	v21 =	vld.idx.msk [tilespmem:v21+s1+$0x0], $0xffff  }
0x214: {  	v28 =	vld.idx.msk [tilespmem:v22+s1+$0x0], $0xffff  }
0x215: {  	v22 =	vld.idx.msk [tilespmem:v22+s25+$0x0], $0xffff  }
0x216: {  	v30 =	vld.idx.msk [tilespmem:v27+s1+$0x0], $0xffff  }
0x217: {  	v31 =	vadd.s32 s3, v2;
	vm3 =	vne.s32 v13, v11;
	v27 =	vld.idx.msk [tilespmem:v27+s25+$0x0], $0xffff  }
0x218: {  	v32 =	vld.idx.msk [tilespmem:v29+s1+$0x0], $0xffff  }
0x219: {  	vm5 =	vne.s32 v14, v12;
	v33 =	vadd.f32 v18, v8;
	v29 =	vld.idx.msk [tilespmem:v29+s25+$0x0], $0xffff  }
0x21a: {  	[tilespmem:v3+s30+$0x0] =	vst.idx.add.f32.msk vm1, v9;
	v16 =	vadd.f32 v19, v16;
	vm2 =	vne.s32 v26, v13  }
0x21b: {  	[tilespmem:v4+s30+$0x0] =	vst.idx.add.f32.msk vm0, v7;
	v12 =	vsel vm3, v18, v33;
	vm6 =	vne.s32 v25, v26  }
0x21c: {  	vm0 =	vne.s32 v17, v25;
	v16 =	vsel vm5, v19, v16;
	v19 =	vld.idx.msk [tilespmem:v31+s25+$0x0], $0xffff;
	v18 =	vadd.f32 v21, v12  }
0x21d: {  	[tilespmem:v10+s30+$0x0] =	vst.idx.add.f32.msk vm3, v8;
	v58 =	vadd.f32 v28, v16;
	vm7 =	vne.s32 v27, v22  }
0x21e: {  	v11 =	vld.idx.msk [tilespmem:v31+s1+$0x0], $0xffff;
	vm4 =	vne.s32 v22, v14;
	vm1 =	vne.s32 v29, v27;
	v3 =	vsel vm2, v21, v18  }
0x21f: {  	[tilespmem:v6+s30+$0x0] =	vst.idx.add.f32.msk vm5, v5;
	v4 =	vsel vm4, v28, v58;
	v7 =	vadd.f32 v20, v3  }
0x220: {  	v9 =	vadd.f32 v30, v4;
	[tilespmem:v13+s30+$0x0] =	vst.idx.add.f32.msk vm2, v12;
	vm2 =	vne.s32 v15, v17  }
0x221: {  	vm3 =	vne.s32 v19, v29;
	v7 =	vsel vm6, v20, v7;
	[tilespmem:v26+s30+$0x0] =	vst.idx.add.f32.msk vm6, v3  }
0x222: {  	v3 =	vsel vm7, v30, v9;
	v8 =	vadd.f32 v24, v7;
	[tilespmem:v25+s30+$0x0] =	vst.idx.add.f32.msk vm0, v7  }
0x223: {  	[tilespmem:v22+s30+$0x0] =	vst.idx.add.f32.msk vm7, v4;
	v4 =	vadd.f32 v32, v3  }
0x224: {  	[tilespmem:v14+s30+$0x0] =	vst.idx.add.f32.msk vm4, v16;
	v5 =	vsel vm0, v24, v8  }
0x225: {  	[tilespmem:v27+s30+$0x0] =	vst.idx.add.f32.msk vm1, v3;
	v4 =	vsel vm1, v32, v4;
	v6 =	vadd.f32 v23, v5  }
0x226: {  	v3 =	vadd.f32 v11, v4;
	[tilespmem:v17+s30+$0x0] =	vst.idx.add.f32.msk vm2, v5  }
0x227: {  	v5 =	vsel vm2, v23, v6;
	[tilespmem:v29+s30+$0x0] =	vst.idx.add.f32.msk vm3, v4  }
0x228: {  	v3 =	vsel vm3, v11, v3;
	[tilespmem:v15+s30+$0x0] =	vst.idx.add.f32.msk $0xffff, v5  }
0x229: {  	s2 =	simm.s32 $0x0;
	[tilespmem:v19+s30+$0x0] =	vst.idx.add.f32.msk $0xffff, v3  }
0x22a: {  	[tilespmem:s2], [sflag:$0x1] =	stream.linear.gather [hbm4b:s14+s2], $0x4E20, $0x38;
	[tilespmem:$0x14A00] =	vst v63  }
0x22b: {  	_ = 	snop  }
0x22c: {  	[tilespmem:s25], [sflag:$0x1] =	stream.linear.gather [hbm4b:s15+s2], $0x4E20, $0x38;
	[tilespmem:$0x14A00] =	vst v63  }
0x22d: {  	_ =	swait.ge [sflag:s31], $0x4E20  }
0x22e: {  	[sflag:s31] =	ssyncset.done $0x0  }
0x22f: {  	[sflag:s31] =	ssyncadd.s32 $0xFFFFB1E0  }
0x230: {  	v3 =	vadd.s32 s2, v0;
	_ =	swait.ge [sflag:s31], $0x4E20  }
0x231: {  	v4 =	vadd.s32 s2, v2;
	[sflag:s31] =	ssyncset.done $0x0  }
0x232: {  	[sflag:s31] =	ssyncadd.s32 $0xFFFFB1E0  }
0x233: {  	s2 =	simm.s32 $0x4;
	v5 =	vld.idx.msk [tilespmem:v0+s28+$0x0], $0xffff  }
0x234: {  	s3 =	simm.s32 $0x3;
	v7 =	vadd.s32 s2, v0;
	v6 =	vld.idx.msk [tilespmem:v2+s28+$0x0], $0xffff  }
0x235: {  	s4 =	simm.s32 $0x2;
	v9 =	vadd.s32 s3, v0;
	v8 =	vld.idx.msk [tilespmem:v3+s28+$0x0], $0xffff  }
0x236: {  	s6 =	simm.s32 $0x1;
	v11 =	vadd.s32 s4, v0;
	v10 =	vld.idx.msk [tilespmem:v4+s28+$0x0], $0xffff  }
0x237: {  	v12 =	vadd.s32 s6, v0;
	v3 =	vld.idx.msk [tilespmem:v3+s26+$0x0], $0xffff  }
0x238: {  	v4 =	vld.idx.msk [tilespmem:v4+s26+$0x0], $0xffff  }
0x239: {  	v13 =	vadd.s32 s6, v2;
	v14 =	vld.idx.msk [tilespmem:v7+s26+$0x0], $0xffff  }
0x23a: {  	v15 =	vld.idx.msk [tilespmem:v9+s26+$0x0], $0xffff  }
0x23b: {  	v16 =	vld.idx.msk [tilespmem:v11+s28+$0x0], $0xffff  }
0x23c: {  	v18 =	vadd.s32 s4, v2;
	v17 =	vld.idx.msk [tilespmem:v12+s28+$0x0], $0xffff  }
0x23d: {  	v12 =	vld.idx.msk [tilespmem:v12+s26+$0x0], $0xffff  }
0x23e: {  	v19 =	vld.idx.msk [tilespmem:v13+s26+$0x0], $0xffff  }
0x23f: {  	v20 =	vadd.s32 s3, v2;
	v13 =	vld.idx.msk [tilespmem:v13+s28+$0x0], $0xffff  }
0x240: {  	v22 =	vimm.f32 $0.0e+00;
	v21 =	vld.idx.msk [tilespmem:v11+s26+$0x0], $0xffff  }
0x241: {  	v59 =	vadd.s32 s2, v2;
	v23 =	vld.idx.msk [tilespmem:v18+s26+$0x0], $0xffff;
	v11 =	vadd.f32 v3, v22  }
0x242: {  	v60 =	vld.idx.msk [tilespmem:v18+s28+$0x0], $0xffff;
	v18 =	vadd.f32 v4, v22;
	vm1 =	vne.s32 v8, v5  }
0x243: {  	vm2 =	vne.s32 v17, v8;
	vm0 =	vne.s32 v10, v6;
	v62 =	vsel vm1, v3, v11;
	v3 =	vld.idx.msk [tilespmem:v9+s28+$0x0], $0xffff  }
0x244: {  	vm3 =	vne.s32 v13, v10;
	v9 =	vsel vm0, v4, v18;
	v4 =	vld.idx.msk [tilespmem:v20+s28+$0x0], $0xffff  }
0x245: {  	v61 =	vld.idx.msk [tilespmem:v20+s26+$0x0], $0xffff;
	v11 =	vadd.f32 v12, v62;
	v18 =	vadd.f32 v19, v9  }
0x246: {  	vm13 =	vne.s32 v16, v17;
	v20 =	vld.idx.msk [tilespmem:v59+s26+$0x0], $0xffff  }
0x247: {  	vm14 =	vne.s32 v60, v13;
	v63 =	vsel vm2, v12, v11;
	v11 =	vld.idx.msk [tilespmem:v7+s28+$0x0], $0xffff;
	v7 =	vsel vm3, v19, v18  }
0x248: {  	v12 =	vld.idx.msk [tilespmem:v59+s28+$0x0], $0xffff;
	v18 =	vadd.f32 v21, v63;
	v19 =	vadd.f32 v23, v7  }
0x249: {  	[tilespmem:v8+s30+$0x0] =	vst.idx.add.f32.msk vm2, v62;
	vm2 =	vne.s32 v3, v16;
	vm15 =	vne.s32 v4, v60  }
0x24a: {  	s6 =	simm.s32 $0x5;
	[tilespmem:v10+s30+$0x0] =	vst.idx.add.f32.msk vm3, v9;
	v8 =	vsel vm13, v21, v18;
	v10 =	vsel vm14, v23, v19  }
0x24b: {  	[tilespmem:v5+s30+$0x0] =	vst.idx.add.f32.msk vm1, v22;
	v18 =	vadd.s32 s6, v0;
	v5 =	vadd.f32 v15, v8;
	v21 =	vadd.f32 v61, v10  }
0x24c: {  	[tilespmem:v17+s30+$0x0] =	vst.idx.add.f32.msk vm13, v63  }
0x24d: {  	[tilespmem:v13+s30+$0x0] =	vst.idx.add.f32.msk vm14, v7;
	v19 =	vadd.s32 s6, v2;
	v9 =	vsel vm2, v15, v5;
	v7 =	vsel vm15, v61, v21  }
0x24e: {  	[tilespmem:v6+s30+$0x0] =	vst.idx.add.f32.msk vm0, v22;
	v5 =	vadd.f32 v14, v9;
	v6 =	vadd.f32 v20, v7  }
0x24f: {  	s3 =	simm.s32 $0x9;
	[tilespmem:v16+s30+$0x0] =	vst.idx.add.f32.msk vm2, v8  }
0x250: {  	s4 =	simm.s32 $0x8;
	vm0 =	vne.s32 v12, v4;
	v15 =	vadd.s32 s3, v0;
	v13 =	vld.idx.msk [tilespmem:v18+s28+$0x0], $0xffff  }
0x251: {  	s5 =	simm.s32 $0x7;
	v17 =	vadd.s32 s4, v0;
	vm1 =	vne.s32 v11, v3;
	[tilespmem:v60+s30+$0x0] =	vst.idx.add.f32.msk vm15, v10;
	v16 =	vsel vm0, v20, v6  }
0x252: {  	s2 =	simm.s32 $0xA;
	s6 =	simm.s32 $0x6;
	v8 =	vsel vm1, v14, v5;
	v14 =	vld.idx.msk [tilespmem:v19+s28+$0x0], $0xffff;
	v20 =	vadd.s32 s5, v0;
	v10 =	vmovc v11;
	v5 =	vmovc v16;
	v6 =	vmov v12  }
.LBB2_14:
0x253: {  	p0 =	slt.u32 s2, $0x26C;
	v18 =	vld.idx.msk [tilespmem:v18+s26+$0x0], $0xffff;
	v21 =	vadd.s32 s6, v0  }
0x254: {  	v19 =	vld.idx.msk [tilespmem:v19+s26+$0x0], $0xffff  }
0x255: {  	v22 =	vadd.s32 s6, v2;
	v23 =	vld.idx.msk [tilespmem:v15+s26+$0x0], $0xffff  }
0x256: {  	v24 =	vld.idx.msk [tilespmem:v17+s26+$0x0], $0xffff  }
0x257: {  	v25 =	vld.idx.msk [tilespmem:v20+s28+$0x0], $0xffff  }
0x258: {  	v27 =	vadd.s32 s5, v2;
	v26 =	vld.idx.msk [tilespmem:v21+s28+$0x0], $0xffff  }
0x259: {  	v21 =	vld.idx.msk [tilespmem:v21+s26+$0x0], $0xffff  }
0x25a: {  	v29 =	vadd.s32 s4, v2;
	v28 =	vld.idx.msk [tilespmem:v22+s26+$0x0], $0xffff  }
0x25b: {  	v22 =	vld.idx.msk [tilespmem:v22+s28+$0x0], $0xffff  }
0x25c: {  	v20 =	vld.idx.msk [tilespmem:v20+s26+$0x0], $0xffff  }
0x25d: {  	v32 =	vadd.s32 s3, v2;
	v30 =	vadd.f32 v18, v8;
	v16 =	vadd.f32 v19, v16;
	v31 =	vld.idx.msk [tilespmem:v27+s26+$0x0], $0xffff  }
0x25e: {  	vm3 =	vne.s32 v13, v11;
	vm2 =	vne.s32 v14, v12;
	v27 =	vld.idx.msk [tilespmem:v27+s28+$0x0], $0xffff  }
0x25f: {  	v18 =	vsel vm3, v18, v30;
	v16 =	vsel vm2, v19, v16;
	v19 =	vld.idx.msk [tilespmem:v29+s26+$0x0], $0xffff  }
0x260: {  	v11 =	vadd.f32 v21, v18;
	v12 =	vadd.f32 v28, v16;
	v17 =	vld.idx.msk [tilespmem:v17+s28+$0x0], $0xffff  }
0x261: {  	vm4 =	vne.s32 v26, v13;
	vm5 =	vne.s32 v22, v14;
	v29 =	vld.idx.msk [tilespmem:v29+s28+$0x0], $0xffff  }
0x262: {  	v21 =	vsel vm4, v21, v11;
	v28 =	vsel vm5, v28, v12;
	v30 =	vld.idx.msk [tilespmem:v32+s26+$0x0], $0xffff  }
0x263: {  	v33 =	vadd.f32 v20, v21;
	v34 =	vadd.f32 v31, v28;
	v11 =	vld.idx.msk [tilespmem:v15+s28+$0x0], $0xffff  }
0x264: {  	vm6 =	vne.s32 v25, v26;
	vm7 =	vne.s32 v27, v22;
	v12 =	vld.idx.msk [tilespmem:v32+s28+$0x0], $0xffff  }
0x265: {  	v15 =	vsel vm6, v20, v33;
	v20 =	vsel vm7, v31, v34;
	[tilespmem:v3+s30+$0x0] =	vst.idx.add.f32.msk vm1, v9;
	v3 =	vmov v17  }
0x266: {  	v9 =	vadd.f32 v24, v15;
	v17 =	vadd.f32 v19, v20;
	[tilespmem:v4+s30+$0x0] =	vst.idx.add.f32.msk vm0, v7;
	v4 =	vmov v29  }
0x267: {  	[tilespmem:v13+s30+$0x0] =	vst.idx.add.f32.msk vm4, v18;
	vm4 =	vne.s32 v3, v25;
	vm8 =	vne.s32 v4, v27  }
0x268: {  	[tilespmem:v14+s30+$0x0] =	vst.idx.add.f32.msk vm5, v16;
	v9 =	vsel vm4, v24, v9;
	v7 =	vsel vm8, v19, v17  }
0x269: {  	[tilespmem:v10+s30+$0x0] =	vst.idx.add.f32.msk vm3, v8;
	v8 =	vadd.f32 v23, v9;
	v13 =	vadd.f32 v30, v7;
	v10 =	vmov v11  }
0x26a: {  	v18 =	vadd.s32 s2, v0;
	vm1 =	vne.s32 v11, v3;
	vm0 =	vne.s32 v12, v4;
	[tilespmem:v26+s30+$0x0] =	vst.idx.add.f32.msk vm6, v21  }
0x26b: {  	v19 =	vadd.s32 s2, v2;
	[tilespmem:v22+s30+$0x0] =	vst.idx.add.f32.msk vm7, v28;
	v8 =	vsel vm1, v23, v8;
	v16 =	vsel vm0, v30, v13  }
.Ltmp6:
0x26c: {  	[tilespmem:v6+s30+$0x0] =	vst.idx.add.f32.msk vm2, v5;
	v6 =	vmov v12;
	v5 =	vmov v16;
	(pc) =	sbr.rel @p0 .LBB2_14-.Ltmp6, $4  }
0x26d: {  	s3 =	sadd.s32 $0x4, s2;
	[tilespmem:v25+s30+$0x0] =	vst.idx.add.f32.msk vm4, v15  }
0x26e: {  	s4 =	sadd.s32 $0x3, s2;
	v15 =	vadd.s32 s3, v0;
	[tilespmem:v27+s30+$0x0] =	vst.idx.add.f32.msk vm8, v20  }
0x26f: {  	s5 =	sadd.s32 $0x2, s2;
	v17 =	vadd.s32 s4, v0;
	v13 =	vld.idx.msk [tilespmem:v18+s28+$0x0], $0xffff  }
0x270: {  	s6 =	sadd.s32 $0x1, s2;
	s2 =	sadd.s32 $0x5, s2;
	v20 =	vadd.s32 s5, v0;
	v14 =	vld.idx.msk [tilespmem:v19+s28+$0x0], $0xffff  }
0x271: {  	_ =	sdelay $0x3  }
0x272: {  	v18 =	vld.idx.msk [tilespmem:v18+s26+$0x0], $0xffff  }
0x273: {  	v19 =	vld.idx.msk [tilespmem:v19+s26+$0x0], $0xffff  }
0x274: {  	v23 =	vld.idx.msk [tilespmem:v15+s26+$0x0], $0xffff  }
0x275: {  	v21 =	vadd.s32 s6, v0;
	v24 =	vld.idx.msk [tilespmem:v17+s26+$0x0], $0xffff  }
0x276: {  	v25 =	vld.idx.msk [tilespmem:v20+s28+$0x0], $0xffff  }
0x277: {  	v22 =	vadd.s32 s6, v2;
	v20 =	vld.idx.msk [tilespmem:v20+s26+$0x0], $0xffff  }
0x278: {  	v17 =	vld.idx.msk [tilespmem:v17+s28+$0x0], $0xffff  }
0x279: {  	v27 =	vadd.s32 s5, v2;
	v15 =	vld.idx.msk [tilespmem:v15+s28+$0x0], $0xffff  }
0x27a: {  	v26 =	vld.idx.msk [tilespmem:v21+s28+$0x0], $0xffff  }
0x27b: {  	v29 =	vadd.s32 s4, v2;
	v21 =	vld.idx.msk [tilespmem:v21+s26+$0x0], $0xffff  }
0x27c: {  	v28 =	vld.idx.msk [tilespmem:v22+s26+$0x0], $0xffff  }
0x27d: {  	v22 =	vld.idx.msk [tilespmem:v22+s28+$0x0], $0xffff  }
0x27e: {  	v30 =	vld.idx.msk [tilespmem:v27+s26+$0x0], $0xffff  }
0x27f: {  	v31 =	vadd.s32 s3, v2;
	vm3 =	vne.s32 v13, v11;
	v27 =	vld.idx.msk [tilespmem:v27+s28+$0x0], $0xffff  }
0x280: {  	v32 =	vld.idx.msk [tilespmem:v29+s26+$0x0], $0xffff  }
0x281: {  	vm5 =	vne.s32 v14, v12;
	v33 =	vadd.f32 v18, v8;
	v29 =	vld.idx.msk [tilespmem:v29+s28+$0x0], $0xffff  }
0x282: {  	[tilespmem:v3+s30+$0x0] =	vst.idx.add.f32.msk vm1, v9;
	v16 =	vadd.f32 v19, v16;
	vm2 =	vne.s32 v26, v13  }
0x283: {  	[tilespmem:v4+s30+$0x0] =	vst.idx.add.f32.msk vm0, v7;
	v12 =	vsel vm3, v18, v33;
	vm6 =	vne.s32 v25, v26  }
0x284: {  	vm0 =	vne.s32 v17, v25;
	v16 =	vsel vm5, v19, v16;
	v19 =	vld.idx.msk [tilespmem:v31+s28+$0x0], $0xffff;
	v18 =	vadd.f32 v21, v12  }
0x285: {  	[tilespmem:v10+s30+$0x0] =	vst.idx.add.f32.msk vm3, v8;
	v58 =	vadd.f32 v28, v16;
	vm7 =	vne.s32 v27, v22  }
0x286: {  	v11 =	vld.idx.msk [tilespmem:v31+s26+$0x0], $0xffff;
	vm4 =	vne.s32 v22, v14;
	vm1 =	vne.s32 v29, v27;
	v3 =	vsel vm2, v21, v18  }
0x287: {  	[tilespmem:v6+s30+$0x0] =	vst.idx.add.f32.msk vm5, v5;
	v4 =	vsel vm4, v28, v58;
	v7 =	vadd.f32 v20, v3  }
0x288: {  	v9 =	vadd.f32 v30, v4;
	[tilespmem:v13+s30+$0x0] =	vst.idx.add.f32.msk vm2, v12;
	vm2 =	vne.s32 v15, v17  }
0x289: {  	vm3 =	vne.s32 v19, v29;
	v7 =	vsel vm6, v20, v7;
	[tilespmem:v26+s30+$0x0] =	vst.idx.add.f32.msk vm6, v3  }
0x28a: {  	v3 =	vsel vm7, v30, v9;
	v8 =	vadd.f32 v24, v7;
	[tilespmem:v25+s30+$0x0] =	vst.idx.add.f32.msk vm0, v7  }
0x28b: {  	[tilespmem:v22+s30+$0x0] =	vst.idx.add.f32.msk vm7, v4;
	v4 =	vadd.f32 v32, v3  }
0x28c: {  	[tilespmem:v14+s30+$0x0] =	vst.idx.add.f32.msk vm4, v16;
	v5 =	vsel vm0, v24, v8  }
0x28d: {  	[tilespmem:v27+s30+$0x0] =	vst.idx.add.f32.msk vm1, v3;
	v4 =	vsel vm1, v32, v4;
	v6 =	vadd.f32 v23, v5  }
0x28e: {  	v3 =	vadd.f32 v11, v4;
	[tilespmem:v17+s30+$0x0] =	vst.idx.add.f32.msk vm2, v5  }
0x28f: {  	v5 =	vsel vm2, v23, v6;
	[tilespmem:v29+s30+$0x0] =	vst.idx.add.f32.msk vm3, v4  }
0x290: {  	v3 =	vsel vm3, v11, v3;
	[tilespmem:v15+s30+$0x0] =	vst.idx.add.f32.msk $0xffff, v5  }
0x291: {  	s2 =	simm.s32 $0x0;
	[tilespmem:v19+s30+$0x0] =	vst.idx.add.f32.msk $0xffff, v3  }
0x292: {  	[tilespmem:s26], [sflag:$0x2] =	stream.linear.gather [hbm4b:s16+s2], $0x4E20, $0x38;
	[tilespmem:$0x14A00] =	vst v63  }
0x293: {  	_ = 	snop  }
0x294: {  	[tilespmem:s28], [sflag:$0x2] =	stream.linear.gather [hbm4b:s17+s2], $0x4E20, $0x38;
	[tilespmem:$0x14A00] =	vst v63  }
0x295: {  	_ =	swait.ge [sflag:s29], $0x4E20  }
0x296: {  	[sflag:s29] =	ssyncset.done $0x0  }
0x297: {  	[sflag:s29] =	ssyncadd.s32 $0xFFFFB1E0  }
0x298: {  	v3 =	vadd.s32 s2, v0;
	_ =	swait.ge [sflag:s29], $0x4E20  }
0x299: {  	v4 =	vadd.s32 s2, v2;
	[sflag:s29] =	ssyncset.done $0x0  }
0x29a: {  	[sflag:s29] =	ssyncadd.s32 $0xFFFFB1E0  }
0x29b: {  	s2 =	simm.s32 $0x4;
	v5 =	vld.idx.msk [tilespmem:v0+s25+$0x0], $0xffff  }
0x29c: {  	s3 =	simm.s32 $0x3;
	v7 =	vadd.s32 s2, v0;
	v6 =	vld.idx.msk [tilespmem:v2+s25+$0x0], $0xffff  }
0x29d: {  	s4 =	simm.s32 $0x2;
	v9 =	vadd.s32 s3, v0;
	v8 =	vld.idx.msk [tilespmem:v3+s25+$0x0], $0xffff  }
0x29e: {  	s6 =	simm.s32 $0x1;
	v11 =	vadd.s32 s4, v0;
	v10 =	vld.idx.msk [tilespmem:v4+s25+$0x0], $0xffff  }
0x29f: {  	v12 =	vadd.s32 s6, v0;
	v3 =	vld.idx.msk [tilespmem:v3+s1+$0x0], $0xffff  }
0x2a0: {  	v4 =	vld.idx.msk [tilespmem:v4+s1+$0x0], $0xffff  }
0x2a1: {  	v13 =	vadd.s32 s6, v2;
	v14 =	vld.idx.msk [tilespmem:v7+s1+$0x0], $0xffff  }
0x2a2: {  	v15 =	vld.idx.msk [tilespmem:v9+s1+$0x0], $0xffff  }
0x2a3: {  	v16 =	vld.idx.msk [tilespmem:v11+s25+$0x0], $0xffff  }
0x2a4: {  	v18 =	vadd.s32 s4, v2;
	v17 =	vld.idx.msk [tilespmem:v12+s25+$0x0], $0xffff  }
0x2a5: {  	v12 =	vld.idx.msk [tilespmem:v12+s1+$0x0], $0xffff  }
0x2a6: {  	v19 =	vld.idx.msk [tilespmem:v13+s1+$0x0], $0xffff  }
0x2a7: {  	v20 =	vadd.s32 s3, v2;
	v13 =	vld.idx.msk [tilespmem:v13+s25+$0x0], $0xffff  }
0x2a8: {  	v22 =	vimm.f32 $0.0e+00;
	v21 =	vld.idx.msk [tilespmem:v11+s1+$0x0], $0xffff  }
0x2a9: {  	v59 =	vadd.s32 s2, v2;
	v23 =	vld.idx.msk [tilespmem:v18+s1+$0x0], $0xffff;
	v11 =	vadd.f32 v3, v22  }
0x2aa: {  	v60 =	vld.idx.msk [tilespmem:v18+s25+$0x0], $0xffff;
	v18 =	vadd.f32 v4, v22;
	vm1 =	vne.s32 v8, v5  }
0x2ab: {  	vm2 =	vne.s32 v17, v8;
	vm0 =	vne.s32 v10, v6;
	v62 =	vsel vm1, v3, v11;
	v3 =	vld.idx.msk [tilespmem:v9+s25+$0x0], $0xffff  }
0x2ac: {  	vm3 =	vne.s32 v13, v10;
	v9 =	vsel vm0, v4, v18;
	v4 =	vld.idx.msk [tilespmem:v20+s25+$0x0], $0xffff  }
0x2ad: {  	v61 =	vld.idx.msk [tilespmem:v20+s1+$0x0], $0xffff;
	v11 =	vadd.f32 v12, v62;
	v18 =	vadd.f32 v19, v9  }
0x2ae: {  	vm13 =	vne.s32 v16, v17;
	v20 =	vld.idx.msk [tilespmem:v59+s1+$0x0], $0xffff  }
0x2af: {  	vm14 =	vne.s32 v60, v13;
	v63 =	vsel vm2, v12, v11;
	v11 =	vld.idx.msk [tilespmem:v7+s25+$0x0], $0xffff;
	v7 =	vsel vm3, v19, v18  }
0x2b0: {  	v12 =	vld.idx.msk [tilespmem:v59+s25+$0x0], $0xffff;
	v18 =	vadd.f32 v21, v63;
	v19 =	vadd.f32 v23, v7  }
0x2b1: {  	[tilespmem:v8+s30+$0x0] =	vst.idx.add.f32.msk vm2, v62;
	vm2 =	vne.s32 v3, v16;
	vm15 =	vne.s32 v4, v60  }
0x2b2: {  	s6 =	simm.s32 $0x5;
	[tilespmem:v10+s30+$0x0] =	vst.idx.add.f32.msk vm3, v9;
	v8 =	vsel vm13, v21, v18;
	v10 =	vsel vm14, v23, v19  }
0x2b3: {  	[tilespmem:v5+s30+$0x0] =	vst.idx.add.f32.msk vm1, v22;
	v18 =	vadd.s32 s6, v0;
	v5 =	vadd.f32 v15, v8;
	v21 =	vadd.f32 v61, v10  }
0x2b4: {  	[tilespmem:v17+s30+$0x0] =	vst.idx.add.f32.msk vm13, v63  }
0x2b5: {  	[tilespmem:v13+s30+$0x0] =	vst.idx.add.f32.msk vm14, v7;
	v19 =	vadd.s32 s6, v2;
	v9 =	vsel vm2, v15, v5;
	v7 =	vsel vm15, v61, v21  }
0x2b6: {  	[tilespmem:v6+s30+$0x0] =	vst.idx.add.f32.msk vm0, v22;
	v5 =	vadd.f32 v14, v9;
	v6 =	vadd.f32 v20, v7  }
0x2b7: {  	s3 =	simm.s32 $0x9;
	[tilespmem:v16+s30+$0x0] =	vst.idx.add.f32.msk vm2, v8  }
0x2b8: {  	s4 =	simm.s32 $0x8;
	vm0 =	vne.s32 v12, v4;
	v15 =	vadd.s32 s3, v0;
	v13 =	vld.idx.msk [tilespmem:v18+s25+$0x0], $0xffff  }
0x2b9: {  	s5 =	simm.s32 $0x7;
	v17 =	vadd.s32 s4, v0;
	vm1 =	vne.s32 v11, v3;
	[tilespmem:v60+s30+$0x0] =	vst.idx.add.f32.msk vm15, v10;
	v16 =	vsel vm0, v20, v6  }
0x2ba: {  	s2 =	simm.s32 $0xA;
	s6 =	simm.s32 $0x6;
	v8 =	vsel vm1, v14, v5;
	v14 =	vld.idx.msk [tilespmem:v19+s25+$0x0], $0xffff;
	v20 =	vadd.s32 s5, v0;
	v10 =	vmovc v11;
	v5 =	vmovc v16;
	v6 =	vmov v12  }
.LBB2_16:
0x2bb: {  	p0 =	slt.u32 s2, $0x26C;
	v18 =	vld.idx.msk [tilespmem:v18+s1+$0x0], $0xffff;
	v21 =	vadd.s32 s6, v0  }
0x2bc: {  	v19 =	vld.idx.msk [tilespmem:v19+s1+$0x0], $0xffff  }
0x2bd: {  	v22 =	vadd.s32 s6, v2;
	v23 =	vld.idx.msk [tilespmem:v15+s1+$0x0], $0xffff  }
0x2be: {  	v24 =	vld.idx.msk [tilespmem:v17+s1+$0x0], $0xffff  }
0x2bf: {  	v25 =	vld.idx.msk [tilespmem:v20+s25+$0x0], $0xffff  }
0x2c0: {  	v27 =	vadd.s32 s5, v2;
	v26 =	vld.idx.msk [tilespmem:v21+s25+$0x0], $0xffff  }
0x2c1: {  	v21 =	vld.idx.msk [tilespmem:v21+s1+$0x0], $0xffff  }
0x2c2: {  	v29 =	vadd.s32 s4, v2;
	v28 =	vld.idx.msk [tilespmem:v22+s1+$0x0], $0xffff  }
0x2c3: {  	v22 =	vld.idx.msk [tilespmem:v22+s25+$0x0], $0xffff  }
0x2c4: {  	v20 =	vld.idx.msk [tilespmem:v20+s1+$0x0], $0xffff  }
0x2c5: {  	v32 =	vadd.s32 s3, v2;
	v30 =	vadd.f32 v18, v8;
	v16 =	vadd.f32 v19, v16;
	v31 =	vld.idx.msk [tilespmem:v27+s1+$0x0], $0xffff  }
0x2c6: {  	vm3 =	vne.s32 v13, v11;
	vm2 =	vne.s32 v14, v12;
	v27 =	vld.idx.msk [tilespmem:v27+s25+$0x0], $0xffff  }
0x2c7: {  	v18 =	vsel vm3, v18, v30;
	v16 =	vsel vm2, v19, v16;
	v19 =	vld.idx.msk [tilespmem:v29+s1+$0x0], $0xffff  }
0x2c8: {  	v11 =	vadd.f32 v21, v18;
	v12 =	vadd.f32 v28, v16;
	v17 =	vld.idx.msk [tilespmem:v17+s25+$0x0], $0xffff  }
0x2c9: {  	vm4 =	vne.s32 v26, v13;
	vm5 =	vne.s32 v22, v14;
	v29 =	vld.idx.msk [tilespmem:v29+s25+$0x0], $0xffff  }
0x2ca: {  	v21 =	vsel vm4, v21, v11;
	v28 =	vsel vm5, v28, v12;
	v30 =	vld.idx.msk [tilespmem:v32+s1+$0x0], $0xffff  }
0x2cb: {  	v33 =	vadd.f32 v20, v21;
	v34 =	vadd.f32 v31, v28;
	v11 =	vld.idx.msk [tilespmem:v15+s25+$0x0], $0xffff  }
0x2cc: {  	vm6 =	vne.s32 v25, v26;
	vm7 =	vne.s32 v27, v22;
	v12 =	vld.idx.msk [tilespmem:v32+s25+$0x0], $0xffff  }
0x2cd: {  	v15 =	vsel vm6, v20, v33;
	v20 =	vsel vm7, v31, v34;
	[tilespmem:v3+s30+$0x0] =	vst.idx.add.f32.msk vm1, v9;
	v3 =	vmov v17  }
0x2ce: {  	v9 =	vadd.f32 v24, v15;
	v17 =	vadd.f32 v19, v20;
	[tilespmem:v4+s30+$0x0] =	vst.idx.add.f32.msk vm0, v7;
	v4 =	vmov v29  }
0x2cf: {  	[tilespmem:v13+s30+$0x0] =	vst.idx.add.f32.msk vm4, v18;
	vm4 =	vne.s32 v3, v25;
	vm8 =	vne.s32 v4, v27  }
0x2d0: {  	[tilespmem:v14+s30+$0x0] =	vst.idx.add.f32.msk vm5, v16;
	v9 =	vsel vm4, v24, v9;
	v7 =	vsel vm8, v19, v17  }
0x2d1: {  	[tilespmem:v10+s30+$0x0] =	vst.idx.add.f32.msk vm3, v8;
	v8 =	vadd.f32 v23, v9;
	v13 =	vadd.f32 v30, v7;
	v10 =	vmov v11  }
0x2d2: {  	v18 =	vadd.s32 s2, v0;
	vm1 =	vne.s32 v11, v3;
	vm0 =	vne.s32 v12, v4;
	[tilespmem:v26+s30+$0x0] =	vst.idx.add.f32.msk vm6, v21  }
0x2d3: {  	v19 =	vadd.s32 s2, v2;
	[tilespmem:v22+s30+$0x0] =	vst.idx.add.f32.msk vm7, v28;
	v8 =	vsel vm1, v23, v8;
	v16 =	vsel vm0, v30, v13  }
.Ltmp7:
0x2d4: {  	[tilespmem:v6+s30+$0x0] =	vst.idx.add.f32.msk vm2, v5;
	v6 =	vmov v12;
	v5 =	vmov v16;
	(pc) =	sbr.rel @p0 .LBB2_16-.Ltmp7, $4  }
0x2d5: {  	s3 =	sadd.s32 $0x4, s2;
	[tilespmem:v25+s30+$0x0] =	vst.idx.add.f32.msk vm4, v15  }
0x2d6: {  	s4 =	sadd.s32 $0x3, s2;
	v15 =	vadd.s32 s3, v0;
	[tilespmem:v27+s30+$0x0] =	vst.idx.add.f32.msk vm8, v20  }
0x2d7: {  	s5 =	sadd.s32 $0x2, s2;
	v17 =	vadd.s32 s4, v0;
	v13 =	vld.idx.msk [tilespmem:v18+s25+$0x0], $0xffff  }
0x2d8: {  	s6 =	sadd.s32 $0x1, s2;
	s2 =	sadd.s32 $0x5, s2;
	v20 =	vadd.s32 s5, v0;
	v14 =	vld.idx.msk [tilespmem:v19+s25+$0x0], $0xffff  }
0x2d9: {  	_ =	sdelay $0x3  }
0x2da: {  	v18 =	vld.idx.msk [tilespmem:v18+s1+$0x0], $0xffff  }
0x2db: {  	v19 =	vld.idx.msk [tilespmem:v19+s1+$0x0], $0xffff  }
0x2dc: {  	v23 =	vld.idx.msk [tilespmem:v15+s1+$0x0], $0xffff  }
0x2dd: {  	v21 =	vadd.s32 s6, v0;
	v24 =	vld.idx.msk [tilespmem:v17+s1+$0x0], $0xffff  }
0x2de: {  	v25 =	vld.idx.msk [tilespmem:v20+s25+$0x0], $0xffff  }
0x2df: {  	v22 =	vadd.s32 s6, v2;
	v20 =	vld.idx.msk [tilespmem:v20+s1+$0x0], $0xffff  }
0x2e0: {  	v17 =	vld.idx.msk [tilespmem:v17+s25+$0x0], $0xffff  }
0x2e1: {  	v27 =	vadd.s32 s5, v2;
	v15 =	vld.idx.msk [tilespmem:v15+s25+$0x0], $0xffff  }
0x2e2: {  	v26 =	vld.idx.msk [tilespmem:v21+s25+$0x0], $0xffff  }
0x2e3: {  	v29 =	vadd.s32 s4, v2;
	v21 =	vld.idx.msk [tilespmem:v21+s1+$0x0], $0xffff  }
0x2e4: {  	v28 =	vld.idx.msk [tilespmem:v22+s1+$0x0], $0xffff  }
0x2e5: {  	v22 =	vld.idx.msk [tilespmem:v22+s25+$0x0], $0xffff  }
0x2e6: {  	v30 =	vld.idx.msk [tilespmem:v27+s1+$0x0], $0xffff  }
0x2e7: {  	v31 =	vadd.s32 s3, v2;
	vm3 =	vne.s32 v13, v11;
	v27 =	vld.idx.msk [tilespmem:v27+s25+$0x0], $0xffff  }
0x2e8: {  	v32 =	vld.idx.msk [tilespmem:v29+s1+$0x0], $0xffff  }
0x2e9: {  	vm5 =	vne.s32 v14, v12;
	v33 =	vadd.f32 v18, v8;
	v29 =	vld.idx.msk [tilespmem:v29+s25+$0x0], $0xffff  }
0x2ea: {  	[tilespmem:v3+s30+$0x0] =	vst.idx.add.f32.msk vm1, v9;
	v16 =	vadd.f32 v19, v16;
	vm2 =	vne.s32 v26, v13  }
0x2eb: {  	[tilespmem:v4+s30+$0x0] =	vst.idx.add.f32.msk vm0, v7;
	v12 =	vsel vm3, v18, v33;
	vm6 =	vne.s32 v25, v26  }
0x2ec: {  	vm0 =	vne.s32 v17, v25;
	v16 =	vsel vm5, v19, v16;
	v19 =	vld.idx.msk [tilespmem:v31+s25+$0x0], $0xffff;
	v18 =	vadd.f32 v21, v12  }
0x2ed: {  	[tilespmem:v10+s30+$0x0] =	vst.idx.add.f32.msk vm3, v8;
	v58 =	vadd.f32 v28, v16;
	vm7 =	vne.s32 v27, v22  }
0x2ee: {  	v11 =	vld.idx.msk [tilespmem:v31+s1+$0x0], $0xffff;
	vm4 =	vne.s32 v22, v14;
	vm1 =	vne.s32 v29, v27;
	v3 =	vsel vm2, v21, v18  }
0x2ef: {  	[tilespmem:v6+s30+$0x0] =	vst.idx.add.f32.msk vm5, v5;
	v4 =	vsel vm4, v28, v58;
	v7 =	vadd.f32 v20, v3  }
0x2f0: {  	v9 =	vadd.f32 v30, v4;
	[tilespmem:v13+s30+$0x0] =	vst.idx.add.f32.msk vm2, v12;
	vm2 =	vne.s32 v15, v17  }
0x2f1: {  	vm3 =	vne.s32 v19, v29;
	v7 =	vsel vm6, v20, v7;
	[tilespmem:v26+s30+$0x0] =	vst.idx.add.f32.msk vm6, v3  }
0x2f2: {  	v3 =	vsel vm7, v30, v9;
	v8 =	vadd.f32 v24, v7;
	[tilespmem:v25+s30+$0x0] =	vst.idx.add.f32.msk vm0, v7  }
0x2f3: {  	[tilespmem:v22+s30+$0x0] =	vst.idx.add.f32.msk vm7, v4;
	v4 =	vadd.f32 v32, v3  }
0x2f4: {  	[tilespmem:v14+s30+$0x0] =	vst.idx.add.f32.msk vm4, v16;
	v5 =	vsel vm0, v24, v8  }
0x2f5: {  	[tilespmem:v27+s30+$0x0] =	vst.idx.add.f32.msk vm1, v3;
	v4 =	vsel vm1, v32, v4;
	v6 =	vadd.f32 v23, v5  }
0x2f6: {  	v3 =	vadd.f32 v11, v4;
	[tilespmem:v17+s30+$0x0] =	vst.idx.add.f32.msk vm2, v5  }
0x2f7: {  	v5 =	vsel vm2, v23, v6;
	[tilespmem:v29+s30+$0x0] =	vst.idx.add.f32.msk vm3, v4  }
0x2f8: {  	v3 =	vsel vm3, v11, v3;
	[tilespmem:v15+s30+$0x0] =	vst.idx.add.f32.msk $0xffff, v5  }
0x2f9: {  	s2 =	simm.s32 $0x0;
	[tilespmem:v19+s30+$0x0] =	vst.idx.add.f32.msk $0xffff, v3  }
0x2fa: {  	[tilespmem:s2], [sflag:$0x1] =	stream.linear.gather [hbm4b:s19+s2], $0x4E20, $0x38;
	[tilespmem:$0x14A00] =	vst v63  }
0x2fb: {  	_ = 	snop  }
0x2fc: {  	[tilespmem:s25], [sflag:$0x1] =	stream.linear.gather [hbm4b:s20+s2], $0x4E20, $0x38;
	[tilespmem:$0x14A00] =	vst v63  }
0x2fd: {  	_ =	swait.ge [sflag:s31], $0x4E20  }
0x2fe: {  	[sflag:s31] =	ssyncset.done $0x0  }
0x2ff: {  	[sflag:s31] =	ssyncadd.s32 $0xFFFFB1E0  }
0x300: {  	v3 =	vadd.s32 s2, v0;
	_ =	swait.ge [sflag:s31], $0x4E20  }
0x301: {  	v4 =	vadd.s32 s2, v2;
	[sflag:s31] =	ssyncset.done $0x0  }
0x302: {  	[sflag:s31] =	ssyncadd.s32 $0xFFFFB1E0  }
0x303: {  	s2 =	simm.s32 $0x4;
	v5 =	vld.idx.msk [tilespmem:v0+s28+$0x0], $0xffff  }
0x304: {  	s3 =	simm.s32 $0x3;
	v7 =	vadd.s32 s2, v0;
	v6 =	vld.idx.msk [tilespmem:v2+s28+$0x0], $0xffff  }
0x305: {  	s4 =	simm.s32 $0x2;
	v9 =	vadd.s32 s3, v0;
	v8 =	vld.idx.msk [tilespmem:v3+s28+$0x0], $0xffff  }
0x306: {  	s6 =	simm.s32 $0x1;
	v11 =	vadd.s32 s4, v0;
	v10 =	vld.idx.msk [tilespmem:v4+s28+$0x0], $0xffff  }
0x307: {  	v12 =	vadd.s32 s6, v0;
	v3 =	vld.idx.msk [tilespmem:v3+s26+$0x0], $0xffff  }
0x308: {  	v4 =	vld.idx.msk [tilespmem:v4+s26+$0x0], $0xffff  }
0x309: {  	v13 =	vadd.s32 s6, v2;
	v14 =	vld.idx.msk [tilespmem:v7+s26+$0x0], $0xffff  }
0x30a: {  	v15 =	vld.idx.msk [tilespmem:v9+s26+$0x0], $0xffff  }
0x30b: {  	v16 =	vld.idx.msk [tilespmem:v11+s28+$0x0], $0xffff  }
0x30c: {  	v18 =	vadd.s32 s4, v2;
	v17 =	vld.idx.msk [tilespmem:v12+s28+$0x0], $0xffff  }
0x30d: {  	v12 =	vld.idx.msk [tilespmem:v12+s26+$0x0], $0xffff  }
0x30e: {  	v19 =	vld.idx.msk [tilespmem:v13+s26+$0x0], $0xffff  }
0x30f: {  	v20 =	vadd.s32 s3, v2;
	v13 =	vld.idx.msk [tilespmem:v13+s28+$0x0], $0xffff  }
0x310: {  	v22 =	vimm.f32 $0.0e+00;
	v21 =	vld.idx.msk [tilespmem:v11+s26+$0x0], $0xffff  }
0x311: {  	v59 =	vadd.s32 s2, v2;
	v23 =	vld.idx.msk [tilespmem:v18+s26+$0x0], $0xffff;
	v11 =	vadd.f32 v3, v22  }
0x312: {  	v60 =	vld.idx.msk [tilespmem:v18+s28+$0x0], $0xffff;
	v18 =	vadd.f32 v4, v22;
	vm1 =	vne.s32 v8, v5  }
0x313: {  	vm2 =	vne.s32 v17, v8;
	vm0 =	vne.s32 v10, v6;
	v62 =	vsel vm1, v3, v11;
	v3 =	vld.idx.msk [tilespmem:v9+s28+$0x0], $0xffff  }
0x314: {  	vm3 =	vne.s32 v13, v10;
	v9 =	vsel vm0, v4, v18;
	v4 =	vld.idx.msk [tilespmem:v20+s28+$0x0], $0xffff  }
0x315: {  	v61 =	vld.idx.msk [tilespmem:v20+s26+$0x0], $0xffff;
	v11 =	vadd.f32 v12, v62;
	v18 =	vadd.f32 v19, v9  }
0x316: {  	vm13 =	vne.s32 v16, v17;
	v20 =	vld.idx.msk [tilespmem:v59+s26+$0x0], $0xffff  }
0x317: {  	vm14 =	vne.s32 v60, v13;
	v63 =	vsel vm2, v12, v11;
	v11 =	vld.idx.msk [tilespmem:v7+s28+$0x0], $0xffff;
	v7 =	vsel vm3, v19, v18  }
0x318: {  	v12 =	vld.idx.msk [tilespmem:v59+s28+$0x0], $0xffff;
	v18 =	vadd.f32 v21, v63;
	v19 =	vadd.f32 v23, v7  }
0x319: {  	[tilespmem:v8+s30+$0x0] =	vst.idx.add.f32.msk vm2, v62;
	vm2 =	vne.s32 v3, v16;
	vm15 =	vne.s32 v4, v60  }
0x31a: {  	s6 =	simm.s32 $0x5;
	[tilespmem:v10+s30+$0x0] =	vst.idx.add.f32.msk vm3, v9;
	v8 =	vsel vm13, v21, v18;
	v10 =	vsel vm14, v23, v19  }
0x31b: {  	[tilespmem:v5+s30+$0x0] =	vst.idx.add.f32.msk vm1, v22;
	v18 =	vadd.s32 s6, v0;
	v5 =	vadd.f32 v15, v8;
	v21 =	vadd.f32 v61, v10  }
0x31c: {  	[tilespmem:v17+s30+$0x0] =	vst.idx.add.f32.msk vm13, v63  }
0x31d: {  	[tilespmem:v13+s30+$0x0] =	vst.idx.add.f32.msk vm14, v7;
	v19 =	vadd.s32 s6, v2;
	v9 =	vsel vm2, v15, v5;
	v7 =	vsel vm15, v61, v21  }
0x31e: {  	[tilespmem:v6+s30+$0x0] =	vst.idx.add.f32.msk vm0, v22;
	v5 =	vadd.f32 v14, v9;
	v6 =	vadd.f32 v20, v7  }
0x31f: {  	s3 =	simm.s32 $0x9;
	[tilespmem:v16+s30+$0x0] =	vst.idx.add.f32.msk vm2, v8  }
0x320: {  	s4 =	simm.s32 $0x8;
	vm0 =	vne.s32 v12, v4;
	v15 =	vadd.s32 s3, v0;
	v13 =	vld.idx.msk [tilespmem:v18+s28+$0x0], $0xffff  }
0x321: {  	s5 =	simm.s32 $0x7;
	v17 =	vadd.s32 s4, v0;
	vm1 =	vne.s32 v11, v3;
	[tilespmem:v60+s30+$0x0] =	vst.idx.add.f32.msk vm15, v10;
	v16 =	vsel vm0, v20, v6  }
0x322: {  	s2 =	simm.s32 $0xA;
	s6 =	simm.s32 $0x6;
	v8 =	vsel vm1, v14, v5;
	v14 =	vld.idx.msk [tilespmem:v19+s28+$0x0], $0xffff;
	v20 =	vadd.s32 s5, v0;
	v10 =	vmovc v11;
	v5 =	vmovc v16;
	v6 =	vmov v12  }
.LBB2_18:
0x323: {  	p0 =	slt.u32 s2, $0x26C;
	v18 =	vld.idx.msk [tilespmem:v18+s26+$0x0], $0xffff;
	v21 =	vadd.s32 s6, v0  }
0x324: {  	v19 =	vld.idx.msk [tilespmem:v19+s26+$0x0], $0xffff  }
0x325: {  	v22 =	vadd.s32 s6, v2;
	v23 =	vld.idx.msk [tilespmem:v15+s26+$0x0], $0xffff  }
0x326: {  	v24 =	vld.idx.msk [tilespmem:v17+s26+$0x0], $0xffff  }
0x327: {  	v25 =	vld.idx.msk [tilespmem:v20+s28+$0x0], $0xffff  }
0x328: {  	v27 =	vadd.s32 s5, v2;
	v26 =	vld.idx.msk [tilespmem:v21+s28+$0x0], $0xffff  }
0x329: {  	v21 =	vld.idx.msk [tilespmem:v21+s26+$0x0], $0xffff  }
0x32a: {  	v29 =	vadd.s32 s4, v2;
	v28 =	vld.idx.msk [tilespmem:v22+s26+$0x0], $0xffff  }
0x32b: {  	v22 =	vld.idx.msk [tilespmem:v22+s28+$0x0], $0xffff  }
0x32c: {  	v20 =	vld.idx.msk [tilespmem:v20+s26+$0x0], $0xffff  }
0x32d: {  	v32 =	vadd.s32 s3, v2;
	v30 =	vadd.f32 v18, v8;
	v16 =	vadd.f32 v19, v16;
	v31 =	vld.idx.msk [tilespmem:v27+s26+$0x0], $0xffff  }
0x32e: {  	vm3 =	vne.s32 v13, v11;
	vm2 =	vne.s32 v14, v12;
	v27 =	vld.idx.msk [tilespmem:v27+s28+$0x0], $0xffff  }
0x32f: {  	v18 =	vsel vm3, v18, v30;
	v16 =	vsel vm2, v19, v16;
	v19 =	vld.idx.msk [tilespmem:v29+s26+$0x0], $0xffff  }
0x330: {  	v11 =	vadd.f32 v21, v18;
	v12 =	vadd.f32 v28, v16;
	v17 =	vld.idx.msk [tilespmem:v17+s28+$0x0], $0xffff  }
0x331: {  	vm4 =	vne.s32 v26, v13;
	vm5 =	vne.s32 v22, v14;
	v29 =	vld.idx.msk [tilespmem:v29+s28+$0x0], $0xffff  }
0x332: {  	v21 =	vsel vm4, v21, v11;
	v28 =	vsel vm5, v28, v12;
	v30 =	vld.idx.msk [tilespmem:v32+s26+$0x0], $0xffff  }
0x333: {  	v33 =	vadd.f32 v20, v21;
	v34 =	vadd.f32 v31, v28;
	v11 =	vld.idx.msk [tilespmem:v15+s28+$0x0], $0xffff  }
0x334: {  	vm6 =	vne.s32 v25, v26;
	vm7 =	vne.s32 v27, v22;
	v12 =	vld.idx.msk [tilespmem:v32+s28+$0x0], $0xffff  }
0x335: {  	v15 =	vsel vm6, v20, v33;
	v20 =	vsel vm7, v31, v34;
	[tilespmem:v3+s30+$0x0] =	vst.idx.add.f32.msk vm1, v9;
	v3 =	vmov v17  }
0x336: {  	v9 =	vadd.f32 v24, v15;
	v17 =	vadd.f32 v19, v20;
	[tilespmem:v4+s30+$0x0] =	vst.idx.add.f32.msk vm0, v7;
	v4 =	vmov v29  }
0x337: {  	[tilespmem:v13+s30+$0x0] =	vst.idx.add.f32.msk vm4, v18;
	vm4 =	vne.s32 v3, v25;
	vm8 =	vne.s32 v4, v27  }
0x338: {  	[tilespmem:v14+s30+$0x0] =	vst.idx.add.f32.msk vm5, v16;
	v9 =	vsel vm4, v24, v9;
	v7 =	vsel vm8, v19, v17  }
0x339: {  	[tilespmem:v10+s30+$0x0] =	vst.idx.add.f32.msk vm3, v8;
	v8 =	vadd.f32 v23, v9;
	v13 =	vadd.f32 v30, v7;
	v10 =	vmov v11  }
0x33a: {  	v18 =	vadd.s32 s2, v0;
	vm1 =	vne.s32 v11, v3;
	vm0 =	vne.s32 v12, v4;
	[tilespmem:v26+s30+$0x0] =	vst.idx.add.f32.msk vm6, v21  }
0x33b: {  	v19 =	vadd.s32 s2, v2;
	[tilespmem:v22+s30+$0x0] =	vst.idx.add.f32.msk vm7, v28;
	v8 =	vsel vm1, v23, v8;
	v16 =	vsel vm0, v30, v13  }
.Ltmp8:
0x33c: {  	[tilespmem:v6+s30+$0x0] =	vst.idx.add.f32.msk vm2, v5;
	v6 =	vmov v12;
	v5 =	vmov v16;
	(pc) =	sbr.rel @p0 .LBB2_18-.Ltmp8, $4  }
0x33d: {  	s3 =	sadd.s32 $0x4, s2;
	[tilespmem:v25+s30+$0x0] =	vst.idx.add.f32.msk vm4, v15  }
0x33e: {  	s4 =	sadd.s32 $0x3, s2;
	v15 =	vadd.s32 s3, v0;
	[tilespmem:v27+s30+$0x0] =	vst.idx.add.f32.msk vm8, v20  }
0x33f: {  	s5 =	sadd.s32 $0x2, s2;
	v17 =	vadd.s32 s4, v0;
	v13 =	vld.idx.msk [tilespmem:v18+s28+$0x0], $0xffff  }
0x340: {  	s6 =	sadd.s32 $0x1, s2;
	s2 =	sadd.s32 $0x5, s2;
	v20 =	vadd.s32 s5, v0;
	v14 =	vld.idx.msk [tilespmem:v19+s28+$0x0], $0xffff  }
0x341: {  	_ =	sdelay $0x3  }
0x342: {  	v18 =	vld.idx.msk [tilespmem:v18+s26+$0x0], $0xffff  }
0x343: {  	v19 =	vld.idx.msk [tilespmem:v19+s26+$0x0], $0xffff  }
0x344: {  	v23 =	vld.idx.msk [tilespmem:v15+s26+$0x0], $0xffff  }
0x345: {  	v21 =	vadd.s32 s6, v0;
	v24 =	vld.idx.msk [tilespmem:v17+s26+$0x0], $0xffff  }
0x346: {  	v25 =	vld.idx.msk [tilespmem:v20+s28+$0x0], $0xffff  }
0x347: {  	v22 =	vadd.s32 s6, v2;
	v20 =	vld.idx.msk [tilespmem:v20+s26+$0x0], $0xffff  }
0x348: {  	v17 =	vld.idx.msk [tilespmem:v17+s28+$0x0], $0xffff  }
0x349: {  	v27 =	vadd.s32 s5, v2;
	v15 =	vld.idx.msk [tilespmem:v15+s28+$0x0], $0xffff  }
0x34a: {  	v26 =	vld.idx.msk [tilespmem:v21+s28+$0x0], $0xffff  }
0x34b: {  	v29 =	vadd.s32 s4, v2;
	v21 =	vld.idx.msk [tilespmem:v21+s26+$0x0], $0xffff  }
0x34c: {  	v28 =	vld.idx.msk [tilespmem:v22+s26+$0x0], $0xffff  }
0x34d: {  	v22 =	vld.idx.msk [tilespmem:v22+s28+$0x0], $0xffff  }
0x34e: {  	v30 =	vld.idx.msk [tilespmem:v27+s26+$0x0], $0xffff  }
0x34f: {  	v31 =	vadd.s32 s3, v2;
	vm3 =	vne.s32 v13, v11;
	v27 =	vld.idx.msk [tilespmem:v27+s28+$0x0], $0xffff  }
0x350: {  	v32 =	vld.idx.msk [tilespmem:v29+s26+$0x0], $0xffff  }
0x351: {  	vm5 =	vne.s32 v14, v12;
	v33 =	vadd.f32 v18, v8;
	v29 =	vld.idx.msk [tilespmem:v29+s28+$0x0], $0xffff  }
0x352: {  	[tilespmem:v3+s30+$0x0] =	vst.idx.add.f32.msk vm1, v9;
	v16 =	vadd.f32 v19, v16;
	vm2 =	vne.s32 v26, v13  }
0x353: {  	[tilespmem:v4+s30+$0x0] =	vst.idx.add.f32.msk vm0, v7;
	v12 =	vsel vm3, v18, v33;
	vm6 =	vne.s32 v25, v26  }
0x354: {  	vm0 =	vne.s32 v17, v25;
	v16 =	vsel vm5, v19, v16;
	v19 =	vld.idx.msk [tilespmem:v31+s28+$0x0], $0xffff;
	v18 =	vadd.f32 v21, v12  }
0x355: {  	[tilespmem:v10+s30+$0x0] =	vst.idx.add.f32.msk vm3, v8;
	v58 =	vadd.f32 v28, v16;
	vm7 =	vne.s32 v27, v22  }
0x356: {  	v11 =	vld.idx.msk [tilespmem:v31+s26+$0x0], $0xffff;
	vm4 =	vne.s32 v22, v14;
	vm1 =	vne.s32 v29, v27;
	v3 =	vsel vm2, v21, v18  }
0x357: {  	[tilespmem:v6+s30+$0x0] =	vst.idx.add.f32.msk vm5, v5;
	v4 =	vsel vm4, v28, v58;
	v7 =	vadd.f32 v20, v3  }
0x358: {  	v9 =	vadd.f32 v30, v4;
	[tilespmem:v13+s30+$0x0] =	vst.idx.add.f32.msk vm2, v12;
	vm2 =	vne.s32 v15, v17  }
0x359: {  	vm3 =	vne.s32 v19, v29;
	v7 =	vsel vm6, v20, v7;
	[tilespmem:v26+s30+$0x0] =	vst.idx.add.f32.msk vm6, v3  }
0x35a: {  	v3 =	vsel vm7, v30, v9;
	v8 =	vadd.f32 v24, v7;
	[tilespmem:v25+s30+$0x0] =	vst.idx.add.f32.msk vm0, v7  }
0x35b: {  	[tilespmem:v22+s30+$0x0] =	vst.idx.add.f32.msk vm7, v4;
	v4 =	vadd.f32 v32, v3  }
0x35c: {  	[tilespmem:v14+s30+$0x0] =	vst.idx.add.f32.msk vm4, v16;
	v5 =	vsel vm0, v24, v8  }
0x35d: {  	[tilespmem:v27+s30+$0x0] =	vst.idx.add.f32.msk vm1, v3;
	v4 =	vsel vm1, v32, v4;
	v6 =	vadd.f32 v23, v5  }
0x35e: {  	v3 =	vadd.f32 v11, v4;
	[tilespmem:v17+s30+$0x0] =	vst.idx.add.f32.msk vm2, v5  }
0x35f: {  	v5 =	vsel vm2, v23, v6;
	[tilespmem:v29+s30+$0x0] =	vst.idx.add.f32.msk vm3, v4  }
0x360: {  	v3 =	vsel vm3, v11, v3;
	[tilespmem:v15+s30+$0x0] =	vst.idx.add.f32.msk $0xffff, v5  }
0x361: {  	s2 =	simm.s32 $0x0;
	[tilespmem:v19+s30+$0x0] =	vst.idx.add.f32.msk $0xffff, v3  }
0x362: {  	[tilespmem:s26], [sflag:$0x2] =	stream.linear.gather [hbm4b:s21+s2], $0x4E20, $0x38;
	[tilespmem:$0x14A00] =	vst v63  }
0x363: {  	_ = 	snop  }
0x364: {  	[tilespmem:s28], [sflag:$0x2] =	stream.linear.gather [hbm4b:s22+s2], $0x4E20, $0x38;
	[tilespmem:$0x14A00] =	vst v63  }
0x365: {  	_ =	swait.ge [sflag:s29], $0x4E20  }
0x366: {  	[sflag:s29] =	ssyncset.done $0x0  }
0x367: {  	[sflag:s29] =	ssyncadd.s32 $0xFFFFB1E0  }
0x368: {  	v3 =	vadd.s32 s2, v0;
	_ =	swait.ge [sflag:s29], $0x4E20  }
0x369: {  	v4 =	vadd.s32 s2, v2;
	[sflag:s29] =	ssyncset.done $0x0  }
0x36a: {  	[sflag:s29] =	ssyncadd.s32 $0xFFFFB1E0  }
0x36b: {  	s2 =	simm.s32 $0x4;
	v5 =	vld.idx.msk [tilespmem:v0+s25+$0x0], $0xffff  }
0x36c: {  	s3 =	simm.s32 $0x3;
	v7 =	vadd.s32 s2, v0;
	v6 =	vld.idx.msk [tilespmem:v2+s25+$0x0], $0xffff  }
0x36d: {  	s4 =	simm.s32 $0x2;
	v9 =	vadd.s32 s3, v0;
	v8 =	vld.idx.msk [tilespmem:v3+s25+$0x0], $0xffff  }
0x36e: {  	s6 =	simm.s32 $0x1;
	v11 =	vadd.s32 s4, v0;
	v10 =	vld.idx.msk [tilespmem:v4+s25+$0x0], $0xffff  }
0x36f: {  	v12 =	vadd.s32 s6, v0;
	v3 =	vld.idx.msk [tilespmem:v3+s1+$0x0], $0xffff  }
0x370: {  	v4 =	vld.idx.msk [tilespmem:v4+s1+$0x0], $0xffff  }
0x371: {  	v13 =	vadd.s32 s6, v2;
	v14 =	vld.idx.msk [tilespmem:v7+s1+$0x0], $0xffff  }
0x372: {  	v15 =	vld.idx.msk [tilespmem:v9+s1+$0x0], $0xffff  }
0x373: {  	v16 =	vld.idx.msk [tilespmem:v11+s25+$0x0], $0xffff  }
0x374: {  	v18 =	vadd.s32 s4, v2;
	v17 =	vld.idx.msk [tilespmem:v12+s25+$0x0], $0xffff  }
0x375: {  	v12 =	vld.idx.msk [tilespmem:v12+s1+$0x0], $0xffff  }
0x376: {  	v19 =	vld.idx.msk [tilespmem:v13+s1+$0x0], $0xffff  }
0x377: {  	v20 =	vadd.s32 s3, v2;
	v13 =	vld.idx.msk [tilespmem:v13+s25+$0x0], $0xffff  }
0x378: {  	v22 =	vimm.f32 $0.0e+00;
	v21 =	vld.idx.msk [tilespmem:v11+s1+$0x0], $0xffff  }
0x379: {  	v59 =	vadd.s32 s2, v2;
	v23 =	vld.idx.msk [tilespmem:v18+s1+$0x0], $0xffff;
	v11 =	vadd.f32 v3, v22  }
0x37a: {  	v60 =	vld.idx.msk [tilespmem:v18+s25+$0x0], $0xffff;
	v18 =	vadd.f32 v4, v22;
	vm1 =	vne.s32 v8, v5  }
0x37b: {  	vm2 =	vne.s32 v17, v8;
	vm0 =	vne.s32 v10, v6;
	v62 =	vsel vm1, v3, v11;
	v3 =	vld.idx.msk [tilespmem:v9+s25+$0x0], $0xffff  }
0x37c: {  	vm3 =	vne.s32 v13, v10;
	v9 =	vsel vm0, v4, v18;
	v4 =	vld.idx.msk [tilespmem:v20+s25+$0x0], $0xffff  }
0x37d: {  	v61 =	vld.idx.msk [tilespmem:v20+s1+$0x0], $0xffff;
	v11 =	vadd.f32 v12, v62;
	v18 =	vadd.f32 v19, v9  }
0x37e: {  	vm13 =	vne.s32 v16, v17;
	v20 =	vld.idx.msk [tilespmem:v59+s1+$0x0], $0xffff  }
0x37f: {  	vm14 =	vne.s32 v60, v13;
	v63 =	vsel vm2, v12, v11;
	v11 =	vld.idx.msk [tilespmem:v7+s25+$0x0], $0xffff;
	v7 =	vsel vm3, v19, v18  }
0x380: {  	v12 =	vld.idx.msk [tilespmem:v59+s25+$0x0], $0xffff;
	v18 =	vadd.f32 v21, v63;
	v19 =	vadd.f32 v23, v7  }
0x381: {  	[tilespmem:v8+s30+$0x0] =	vst.idx.add.f32.msk vm2, v62;
	vm2 =	vne.s32 v3, v16;
	vm15 =	vne.s32 v4, v60  }
0x382: {  	s6 =	simm.s32 $0x5;
	[tilespmem:v10+s30+$0x0] =	vst.idx.add.f32.msk vm3, v9;
	v8 =	vsel vm13, v21, v18;
	v10 =	vsel vm14, v23, v19  }
0x383: {  	[tilespmem:v5+s30+$0x0] =	vst.idx.add.f32.msk vm1, v22;
	v18 =	vadd.s32 s6, v0;
	v5 =	vadd.f32 v15, v8;
	v21 =	vadd.f32 v61, v10  }
0x384: {  	[tilespmem:v17+s30+$0x0] =	vst.idx.add.f32.msk vm13, v63  }
0x385: {  	[tilespmem:v13+s30+$0x0] =	vst.idx.add.f32.msk vm14, v7;
	v19 =	vadd.s32 s6, v2;
	v9 =	vsel vm2, v15, v5;
	v7 =	vsel vm15, v61, v21  }
0x386: {  	[tilespmem:v6+s30+$0x0] =	vst.idx.add.f32.msk vm0, v22;
	v5 =	vadd.f32 v14, v9;
	v6 =	vadd.f32 v20, v7  }
0x387: {  	s3 =	simm.s32 $0x9;
	[tilespmem:v16+s30+$0x0] =	vst.idx.add.f32.msk vm2, v8  }
0x388: {  	s4 =	simm.s32 $0x8;
	vm0 =	vne.s32 v12, v4;
	v15 =	vadd.s32 s3, v0;
	v13 =	vld.idx.msk [tilespmem:v18+s25+$0x0], $0xffff  }
0x389: {  	s5 =	simm.s32 $0x7;
	v17 =	vadd.s32 s4, v0;
	vm1 =	vne.s32 v11, v3;
	[tilespmem:v60+s30+$0x0] =	vst.idx.add.f32.msk vm15, v10;
	v16 =	vsel vm0, v20, v6  }
0x38a: {  	s2 =	simm.s32 $0xA;
	s6 =	simm.s32 $0x6;
	v8 =	vsel vm1, v14, v5;
	v14 =	vld.idx.msk [tilespmem:v19+s25+$0x0], $0xffff;
	v20 =	vadd.s32 s5, v0;
	v10 =	vmovc v11;
	v5 =	vmovc v16;
	v6 =	vmov v12  }
.LBB2_20:
0x38b: {  	p0 =	slt.u32 s2, $0x26C;
	v18 =	vld.idx.msk [tilespmem:v18+s1+$0x0], $0xffff;
	v21 =	vadd.s32 s6, v0  }
0x38c: {  	v19 =	vld.idx.msk [tilespmem:v19+s1+$0x0], $0xffff  }
0x38d: {  	v22 =	vadd.s32 s6, v2;
	v23 =	vld.idx.msk [tilespmem:v15+s1+$0x0], $0xffff  }
0x38e: {  	v24 =	vld.idx.msk [tilespmem:v17+s1+$0x0], $0xffff  }
0x38f: {  	v25 =	vld.idx.msk [tilespmem:v20+s25+$0x0], $0xffff  }
0x390: {  	v27 =	vadd.s32 s5, v2;
	v26 =	vld.idx.msk [tilespmem:v21+s25+$0x0], $0xffff  }
0x391: {  	v21 =	vld.idx.msk [tilespmem:v21+s1+$0x0], $0xffff  }
0x392: {  	v29 =	vadd.s32 s4, v2;
	v28 =	vld.idx.msk [tilespmem:v22+s1+$0x0], $0xffff  }
0x393: {  	v22 =	vld.idx.msk [tilespmem:v22+s25+$0x0], $0xffff  }
0x394: {  	v20 =	vld.idx.msk [tilespmem:v20+s1+$0x0], $0xffff  }
0x395: {  	v32 =	vadd.s32 s3, v2;
	v30 =	vadd.f32 v18, v8;
	v16 =	vadd.f32 v19, v16;
	v31 =	vld.idx.msk [tilespmem:v27+s1+$0x0], $0xffff  }
0x396: {  	vm3 =	vne.s32 v13, v11;
	vm2 =	vne.s32 v14, v12;
	v27 =	vld.idx.msk [tilespmem:v27+s25+$0x0], $0xffff  }
0x397: {  	v18 =	vsel vm3, v18, v30;
	v16 =	vsel vm2, v19, v16;
	v19 =	vld.idx.msk [tilespmem:v29+s1+$0x0], $0xffff  }
0x398: {  	v11 =	vadd.f32 v21, v18;
	v12 =	vadd.f32 v28, v16;
	v17 =	vld.idx.msk [tilespmem:v17+s25+$0x0], $0xffff  }
0x399: {  	vm4 =	vne.s32 v26, v13;
	vm5 =	vne.s32 v22, v14;
	v29 =	vld.idx.msk [tilespmem:v29+s25+$0x0], $0xffff  }
0x39a: {  	v21 =	vsel vm4, v21, v11;
	v28 =	vsel vm5, v28, v12;
	v30 =	vld.idx.msk [tilespmem:v32+s1+$0x0], $0xffff  }
0x39b: {  	v33 =	vadd.f32 v20, v21;
	v34 =	vadd.f32 v31, v28;
	v11 =	vld.idx.msk [tilespmem:v15+s25+$0x0], $0xffff  }
0x39c: {  	vm6 =	vne.s32 v25, v26;
	vm7 =	vne.s32 v27, v22;
	v12 =	vld.idx.msk [tilespmem:v32+s25+$0x0], $0xffff  }
0x39d: {  	v15 =	vsel vm6, v20, v33;
	v20 =	vsel vm7, v31, v34;
	[tilespmem:v3+s30+$0x0] =	vst.idx.add.f32.msk vm1, v9;
	v3 =	vmov v17  }
0x39e: {  	v9 =	vadd.f32 v24, v15;
	v17 =	vadd.f32 v19, v20;
	[tilespmem:v4+s30+$0x0] =	vst.idx.add.f32.msk vm0, v7;
	v4 =	vmov v29  }
0x39f: {  	[tilespmem:v13+s30+$0x0] =	vst.idx.add.f32.msk vm4, v18;
	vm4 =	vne.s32 v3, v25;
	vm8 =	vne.s32 v4, v27  }
0x3a0: {  	[tilespmem:v14+s30+$0x0] =	vst.idx.add.f32.msk vm5, v16;
	v9 =	vsel vm4, v24, v9;
	v7 =	vsel vm8, v19, v17  }
0x3a1: {  	[tilespmem:v10+s30+$0x0] =	vst.idx.add.f32.msk vm3, v8;
	v8 =	vadd.f32 v23, v9;
	v13 =	vadd.f32 v30, v7;
	v10 =	vmov v11  }
0x3a2: {  	v18 =	vadd.s32 s2, v0;
	vm1 =	vne.s32 v11, v3;
	vm0 =	vne.s32 v12, v4;
	[tilespmem:v26+s30+$0x0] =	vst.idx.add.f32.msk vm6, v21  }
0x3a3: {  	v19 =	vadd.s32 s2, v2;
	[tilespmem:v22+s30+$0x0] =	vst.idx.add.f32.msk vm7, v28;
	v8 =	vsel vm1, v23, v8;
	v16 =	vsel vm0, v30, v13  }
.Ltmp9:
0x3a4: {  	[tilespmem:v6+s30+$0x0] =	vst.idx.add.f32.msk vm2, v5;
	v6 =	vmov v12;
	v5 =	vmov v16;
	(pc) =	sbr.rel @p0 .LBB2_20-.Ltmp9, $4  }
0x3a5: {  	s3 =	sadd.s32 $0x4, s2;
	[tilespmem:v25+s30+$0x0] =	vst.idx.add.f32.msk vm4, v15  }
0x3a6: {  	s4 =	sadd.s32 $0x3, s2;
	v15 =	vadd.s32 s3, v0;
	[tilespmem:v27+s30+$0x0] =	vst.idx.add.f32.msk vm8, v20  }
0x3a7: {  	s5 =	sadd.s32 $0x2, s2;
	v17 =	vadd.s32 s4, v0;
	v13 =	vld.idx.msk [tilespmem:v18+s25+$0x0], $0xffff  }
0x3a8: {  	s6 =	sadd.s32 $0x1, s2;
	s2 =	sadd.s32 $0x5, s2;
	v20 =	vadd.s32 s5, v0;
	v14 =	vld.idx.msk [tilespmem:v19+s25+$0x0], $0xffff  }
0x3a9: {  	_ =	sdelay $0x3  }
0x3aa: {  	v18 =	vld.idx.msk [tilespmem:v18+s1+$0x0], $0xffff  }
0x3ab: {  	v19 =	vld.idx.msk [tilespmem:v19+s1+$0x0], $0xffff  }
0x3ac: {  	v23 =	vld.idx.msk [tilespmem:v15+s1+$0x0], $0xffff  }
0x3ad: {  	v21 =	vadd.s32 s6, v0;
	v24 =	vld.idx.msk [tilespmem:v17+s1+$0x0], $0xffff  }
0x3ae: {  	v25 =	vld.idx.msk [tilespmem:v20+s25+$0x0], $0xffff  }
0x3af: {  	v22 =	vadd.s32 s6, v2;
	v20 =	vld.idx.msk [tilespmem:v20+s1+$0x0], $0xffff  }
0x3b0: {  	v17 =	vld.idx.msk [tilespmem:v17+s25+$0x0], $0xffff  }
0x3b1: {  	v27 =	vadd.s32 s5, v2;
	v15 =	vld.idx.msk [tilespmem:v15+s25+$0x0], $0xffff  }
0x3b2: {  	v26 =	vld.idx.msk [tilespmem:v21+s25+$0x0], $0xffff  }
0x3b3: {  	v29 =	vadd.s32 s4, v2;
	v21 =	vld.idx.msk [tilespmem:v21+s1+$0x0], $0xffff  }
0x3b4: {  	v28 =	vld.idx.msk [tilespmem:v22+s1+$0x0], $0xffff  }
0x3b5: {  	v22 =	vld.idx.msk [tilespmem:v22+s25+$0x0], $0xffff  }
0x3b6: {  	v30 =	vld.idx.msk [tilespmem:v27+s1+$0x0], $0xffff  }
0x3b7: {  	v31 =	vadd.s32 s3, v2;
	vm3 =	vne.s32 v13, v11;
	v27 =	vld.idx.msk [tilespmem:v27+s25+$0x0], $0xffff  }
0x3b8: {  	v32 =	vld.idx.msk [tilespmem:v29+s1+$0x0], $0xffff  }
0x3b9: {  	vm5 =	vne.s32 v14, v12;
	v33 =	vadd.f32 v18, v8;
	v29 =	vld.idx.msk [tilespmem:v29+s25+$0x0], $0xffff  }
0x3ba: {  	[tilespmem:v3+s30+$0x0] =	vst.idx.add.f32.msk vm1, v9;
	v16 =	vadd.f32 v19, v16;
	vm2 =	vne.s32 v26, v13  }
0x3bb: {  	[tilespmem:v4+s30+$0x0] =	vst.idx.add.f32.msk vm0, v7;
	v12 =	vsel vm3, v18, v33;
	vm6 =	vne.s32 v25, v26  }
0x3bc: {  	vm0 =	vne.s32 v17, v25;
	v16 =	vsel vm5, v19, v16;
	v19 =	vld.idx.msk [tilespmem:v31+s25+$0x0], $0xffff;
	v18 =	vadd.f32 v21, v12  }
0x3bd: {  	[tilespmem:v10+s30+$0x0] =	vst.idx.add.f32.msk vm3, v8;
	v58 =	vadd.f32 v28, v16;
	vm7 =	vne.s32 v27, v22  }
0x3be: {  	v11 =	vld.idx.msk [tilespmem:v31+s1+$0x0], $0xffff;
	vm4 =	vne.s32 v22, v14;
	vm1 =	vne.s32 v29, v27;
	v3 =	vsel vm2, v21, v18  }
0x3bf: {  	[tilespmem:v6+s30+$0x0] =	vst.idx.add.f32.msk vm5, v5;
	v4 =	vsel vm4, v28, v58;
	v7 =	vadd.f32 v20, v3  }
0x3c0: {  	v9 =	vadd.f32 v30, v4;
	[tilespmem:v13+s30+$0x0] =	vst.idx.add.f32.msk vm2, v12;
	vm2 =	vne.s32 v15, v17  }
0x3c1: {  	vm3 =	vne.s32 v19, v29;
	v7 =	vsel vm6, v20, v7;
	[tilespmem:v26+s30+$0x0] =	vst.idx.add.f32.msk vm6, v3  }
0x3c2: {  	v3 =	vsel vm7, v30, v9;
	v8 =	vadd.f32 v24, v7;
	[tilespmem:v25+s30+$0x0] =	vst.idx.add.f32.msk vm0, v7  }
0x3c3: {  	[tilespmem:v22+s30+$0x0] =	vst.idx.add.f32.msk vm7, v4;
	v4 =	vadd.f32 v32, v3  }
0x3c4: {  	[tilespmem:v14+s30+$0x0] =	vst.idx.add.f32.msk vm4, v16;
	v5 =	vsel vm0, v24, v8  }
0x3c5: {  	[tilespmem:v27+s30+$0x0] =	vst.idx.add.f32.msk vm1, v3;
	v4 =	vsel vm1, v32, v4;
	v6 =	vadd.f32 v23, v5  }
0x3c6: {  	v3 =	vadd.f32 v11, v4;
	[tilespmem:v17+s30+$0x0] =	vst.idx.add.f32.msk vm2, v5  }
0x3c7: {  	v5 =	vsel vm2, v23, v6;
	[tilespmem:v29+s30+$0x0] =	vst.idx.add.f32.msk vm3, v4  }
0x3c8: {  	v3 =	vsel vm3, v11, v3;
	[tilespmem:v15+s30+$0x0] =	vst.idx.add.f32.msk $0xffff, v5  }
0x3c9: {  	[tilespmem:v19+s30+$0x0] =	vst.idx.add.f32.msk $0xffff, v3  }
0x3ca: {  	_ =	swait.ge [sflag:s31], $0x4E20  }
0x3cb: {  	[sflag:s31] =	ssyncset.done $0x0  }
0x3cc: {  	s2 =	simm.s32 $0x0;
	[sflag:s31] =	ssyncadd.s32 $0xFFFFB1E0  }
0x3cd: {  	v3 =	vadd.s32 s2, v0;
	_ =	swait.ge [sflag:s31], $0x4E20  }
0x3ce: {  	v4 =	vadd.s32 s2, v2;
	[sflag:s31] =	ssyncset.done $0x0  }
0x3cf: {  	[sflag:s31] =	ssyncadd.s32 $0xFFFFB1E0  }
0x3d0: {  	s2 =	simm.s32 $0x4;
	v5 =	vld.idx.msk [tilespmem:v0+s28+$0x0], $0xffff  }
0x3d1: {  	s3 =	simm.s32 $0x3;
	v7 =	vadd.s32 s2, v0;
	v6 =	vld.idx.msk [tilespmem:v2+s28+$0x0], $0xffff  }
0x3d2: {  	s4 =	simm.s32 $0x2;
	v9 =	vadd.s32 s3, v0;
	v8 =	vld.idx.msk [tilespmem:v3+s28+$0x0], $0xffff  }
0x3d3: {  	s6 =	simm.s32 $0x1;
	v11 =	vadd.s32 s4, v0;
	v10 =	vld.idx.msk [tilespmem:v4+s28+$0x0], $0xffff  }
0x3d4: {  	v12 =	vadd.s32 s6, v0;
	v3 =	vld.idx.msk [tilespmem:v3+s26+$0x0], $0xffff  }
0x3d5: {  	v4 =	vld.idx.msk [tilespmem:v4+s26+$0x0], $0xffff  }
0x3d6: {  	v13 =	vadd.s32 s6, v2;
	v14 =	vld.idx.msk [tilespmem:v7+s26+$0x0], $0xffff  }
0x3d7: {  	v15 =	vld.idx.msk [tilespmem:v9+s26+$0x0], $0xffff  }
0x3d8: {  	v16 =	vld.idx.msk [tilespmem:v11+s28+$0x0], $0xffff  }
0x3d9: {  	v18 =	vadd.s32 s4, v2;
	v17 =	vld.idx.msk [tilespmem:v12+s28+$0x0], $0xffff  }
0x3da: {  	v12 =	vld.idx.msk [tilespmem:v12+s26+$0x0], $0xffff  }
0x3db: {  	v19 =	vld.idx.msk [tilespmem:v13+s26+$0x0], $0xffff  }
0x3dc: {  	v20 =	vadd.s32 s3, v2;
	v13 =	vld.idx.msk [tilespmem:v13+s28+$0x0], $0xffff  }
0x3dd: {  	v22 =	vimm.f32 $0.0e+00;
	v21 =	vld.idx.msk [tilespmem:v11+s26+$0x0], $0xffff  }
0x3de: {  	v59 =	vadd.s32 s2, v2;
	v23 =	vld.idx.msk [tilespmem:v18+s26+$0x0], $0xffff;
	v11 =	vadd.f32 v3, v22  }
0x3df: {  	v60 =	vld.idx.msk [tilespmem:v18+s28+$0x0], $0xffff;
	v18 =	vadd.f32 v4, v22;
	vm1 =	vne.s32 v8, v5  }
0x3e0: {  	vm2 =	vne.s32 v17, v8;
	vm0 =	vne.s32 v10, v6;
	v62 =	vsel vm1, v3, v11;
	v3 =	vld.idx.msk [tilespmem:v9+s28+$0x0], $0xffff  }
0x3e1: {  	vm3 =	vne.s32 v13, v10;
	v9 =	vsel vm0, v4, v18;
	v4 =	vld.idx.msk [tilespmem:v20+s28+$0x0], $0xffff  }
0x3e2: {  	v61 =	vld.idx.msk [tilespmem:v20+s26+$0x0], $0xffff;
	v11 =	vadd.f32 v12, v62;
	v18 =	vadd.f32 v19, v9  }
0x3e3: {  	vm13 =	vne.s32 v16, v17;
	v20 =	vld.idx.msk [tilespmem:v59+s26+$0x0], $0xffff  }
0x3e4: {  	vm14 =	vne.s32 v60, v13;
	v63 =	vsel vm2, v12, v11;
	v11 =	vld.idx.msk [tilespmem:v7+s28+$0x0], $0xffff;
	v7 =	vsel vm3, v19, v18  }
0x3e5: {  	v12 =	vld.idx.msk [tilespmem:v59+s28+$0x0], $0xffff;
	v18 =	vadd.f32 v21, v63;
	v19 =	vadd.f32 v23, v7  }
0x3e6: {  	[tilespmem:v8+s30+$0x0] =	vst.idx.add.f32.msk vm2, v62;
	vm2 =	vne.s32 v3, v16;
	vm15 =	vne.s32 v4, v60  }
0x3e7: {  	s6 =	simm.s32 $0x5;
	[tilespmem:v10+s30+$0x0] =	vst.idx.add.f32.msk vm3, v9;
	v8 =	vsel vm13, v21, v18;
	v10 =	vsel vm14, v23, v19  }
0x3e8: {  	[tilespmem:v5+s30+$0x0] =	vst.idx.add.f32.msk vm1, v22;
	v18 =	vadd.s32 s6, v0;
	v5 =	vadd.f32 v15, v8;
	v21 =	vadd.f32 v61, v10  }
0x3e9: {  	[tilespmem:v17+s30+$0x0] =	vst.idx.add.f32.msk vm13, v63  }
0x3ea: {  	[tilespmem:v13+s30+$0x0] =	vst.idx.add.f32.msk vm14, v7;
	v19 =	vadd.s32 s6, v2;
	v9 =	vsel vm2, v15, v5;
	v7 =	vsel vm15, v61, v21  }
0x3eb: {  	[tilespmem:v6+s30+$0x0] =	vst.idx.add.f32.msk vm0, v22;
	v5 =	vadd.f32 v14, v9;
	v6 =	vadd.f32 v20, v7  }
0x3ec: {  	s3 =	simm.s32 $0x9;
	[tilespmem:v16+s30+$0x0] =	vst.idx.add.f32.msk vm2, v8  }
0x3ed: {  	s4 =	simm.s32 $0x8;
	vm0 =	vne.s32 v12, v4;
	v15 =	vadd.s32 s3, v0;
	v13 =	vld.idx.msk [tilespmem:v18+s28+$0x0], $0xffff  }
0x3ee: {  	s5 =	simm.s32 $0x7;
	v17 =	vadd.s32 s4, v0;
	vm1 =	vne.s32 v11, v3;
	[tilespmem:v60+s30+$0x0] =	vst.idx.add.f32.msk vm15, v10;
	v16 =	vsel vm0, v20, v6  }
0x3ef: {  	s2 =	simm.s32 $0xA;
	s6 =	simm.s32 $0x6;
	v8 =	vsel vm1, v14, v5;
	v14 =	vld.idx.msk [tilespmem:v19+s28+$0x0], $0xffff;
	v20 =	vadd.s32 s5, v0;
	v10 =	vmovc v11;
	v5 =	vmovc v16;
	v6 =	vmov v12  }
.LBB2_22:
0x3f0: {  	p0 =	slt.u32 s2, $0x26C;
	v18 =	vld.idx.msk [tilespmem:v18+s26+$0x0], $0xffff;
	v21 =	vadd.s32 s6, v0  }
0x3f1: {  	v19 =	vld.idx.msk [tilespmem:v19+s26+$0x0], $0xffff  }
0x3f2: {  	v22 =	vadd.s32 s6, v2;
	v23 =	vld.idx.msk [tilespmem:v15+s26+$0x0], $0xffff  }
0x3f3: {  	v24 =	vld.idx.msk [tilespmem:v17+s26+$0x0], $0xffff  }
0x3f4: {  	v25 =	vld.idx.msk [tilespmem:v20+s28+$0x0], $0xffff  }
0x3f5: {  	v27 =	vadd.s32 s5, v2;
	v26 =	vld.idx.msk [tilespmem:v21+s28+$0x0], $0xffff  }
0x3f6: {  	v21 =	vld.idx.msk [tilespmem:v21+s26+$0x0], $0xffff  }
0x3f7: {  	v29 =	vadd.s32 s4, v2;
	v28 =	vld.idx.msk [tilespmem:v22+s26+$0x0], $0xffff  }
0x3f8: {  	v22 =	vld.idx.msk [tilespmem:v22+s28+$0x0], $0xffff  }
0x3f9: {  	v20 =	vld.idx.msk [tilespmem:v20+s26+$0x0], $0xffff  }
0x3fa: {  	v32 =	vadd.s32 s3, v2;
	v30 =	vadd.f32 v18, v8;
	v16 =	vadd.f32 v19, v16;
	v31 =	vld.idx.msk [tilespmem:v27+s26+$0x0], $0xffff  }
0x3fb: {  	vm3 =	vne.s32 v13, v11;
	vm2 =	vne.s32 v14, v12;
	v27 =	vld.idx.msk [tilespmem:v27+s28+$0x0], $0xffff  }
0x3fc: {  	v18 =	vsel vm3, v18, v30;
	v16 =	vsel vm2, v19, v16;
	v19 =	vld.idx.msk [tilespmem:v29+s26+$0x0], $0xffff  }
0x3fd: {  	v11 =	vadd.f32 v21, v18;
	v12 =	vadd.f32 v28, v16;
	v17 =	vld.idx.msk [tilespmem:v17+s28+$0x0], $0xffff  }
0x3fe: {  	vm4 =	vne.s32 v26, v13;
	vm5 =	vne.s32 v22, v14;
	v29 =	vld.idx.msk [tilespmem:v29+s28+$0x0], $0xffff  }
0x3ff: {  	v21 =	vsel vm4, v21, v11;
	v28 =	vsel vm5, v28, v12;
	v30 =	vld.idx.msk [tilespmem:v32+s26+$0x0], $0xffff  }
0x400: {  	v33 =	vadd.f32 v20, v21;
	v34 =	vadd.f32 v31, v28;
	v11 =	vld.idx.msk [tilespmem:v15+s28+$0x0], $0xffff  }
0x401: {  	vm6 =	vne.s32 v25, v26;
	vm7 =	vne.s32 v27, v22;
	v12 =	vld.idx.msk [tilespmem:v32+s28+$0x0], $0xffff  }
0x402: {  	v15 =	vsel vm6, v20, v33;
	v20 =	vsel vm7, v31, v34;
	[tilespmem:v3+s30+$0x0] =	vst.idx.add.f32.msk vm1, v9;
	v3 =	vmov v17  }
0x403: {  	v9 =	vadd.f32 v24, v15;
	v17 =	vadd.f32 v19, v20;
	[tilespmem:v4+s30+$0x0] =	vst.idx.add.f32.msk vm0, v7;
	v4 =	vmov v29  }
0x404: {  	[tilespmem:v13+s30+$0x0] =	vst.idx.add.f32.msk vm4, v18;
	vm4 =	vne.s32 v3, v25;
	vm8 =	vne.s32 v4, v27  }
0x405: {  	[tilespmem:v14+s30+$0x0] =	vst.idx.add.f32.msk vm5, v16;
	v9 =	vsel vm4, v24, v9;
	v7 =	vsel vm8, v19, v17  }
0x406: {  	[tilespmem:v10+s30+$0x0] =	vst.idx.add.f32.msk vm3, v8;
	v8 =	vadd.f32 v23, v9;
	v13 =	vadd.f32 v30, v7;
	v10 =	vmov v11  }
0x407: {  	v18 =	vadd.s32 s2, v0;
	vm1 =	vne.s32 v11, v3;
	vm0 =	vne.s32 v12, v4;
	[tilespmem:v26+s30+$0x0] =	vst.idx.add.f32.msk vm6, v21  }
0x408: {  	v19 =	vadd.s32 s2, v2;
	[tilespmem:v22+s30+$0x0] =	vst.idx.add.f32.msk vm7, v28;
	v8 =	vsel vm1, v23, v8;
	v16 =	vsel vm0, v30, v13  }
.Ltmp10:
0x409: {  	[tilespmem:v6+s30+$0x0] =	vst.idx.add.f32.msk vm2, v5;
	v6 =	vmov v12;
	v5 =	vmov v16;
	(pc) =	sbr.rel @p0 .LBB2_22-.Ltmp10, $4  }
0x40a: {  	s3 =	sadd.s32 $0x4, s2;
	[tilespmem:v25+s30+$0x0] =	vst.idx.add.f32.msk vm4, v15  }
0x40b: {  	s4 =	sadd.s32 $0x3, s2;
	v15 =	vadd.s32 s3, v0;
	[tilespmem:v27+s30+$0x0] =	vst.idx.add.f32.msk vm8, v20  }
0x40c: {  	s5 =	sadd.s32 $0x2, s2;
	v17 =	vadd.s32 s4, v0;
	v13 =	vld.idx.msk [tilespmem:v18+s28+$0x0], $0xffff  }
0x40d: {  	s6 =	sadd.s32 $0x1, s2;
	s2 =	sadd.s32 $0x5, s2;
	v20 =	vadd.s32 s5, v0;
	v14 =	vld.idx.msk [tilespmem:v19+s28+$0x0], $0xffff  }
0x40e: {  	_ =	sdelay $0x3  }
0x40f: {  	v18 =	vld.idx.msk [tilespmem:v18+s26+$0x0], $0xffff  }
0x410: {  	v19 =	vld.idx.msk [tilespmem:v19+s26+$0x0], $0xffff  }
0x411: {  	v23 =	vld.idx.msk [tilespmem:v15+s26+$0x0], $0xffff  }
0x412: {  	v21 =	vadd.s32 s6, v0;
	v24 =	vld.idx.msk [tilespmem:v17+s26+$0x0], $0xffff  }
0x413: {  	v25 =	vld.idx.msk [tilespmem:v20+s28+$0x0], $0xffff  }
0x414: {  	v22 =	vadd.s32 s6, v2;
	v49 =	vld.idx.msk [tilespmem:v20+s26+$0x0], $0xffff  }
0x415: {  	v50 =	vld.idx.msk [tilespmem:v17+s28+$0x0], $0xffff  }
0x416: {  	v27 =	vadd.s32 s5, v2;
	v53 =	vld.idx.msk [tilespmem:v15+s28+$0x0], $0xffff  }
0x417: {  	v26 =	vld.idx.msk [tilespmem:v21+s28+$0x0], $0xffff  }
0x418: {  	v29 =	vadd.s32 s4, v2;
	v21 =	vld.idx.msk [tilespmem:v21+s26+$0x0], $0xffff  }
0x419: {  	v28 =	vld.idx.msk [tilespmem:v22+s26+$0x0], $0xffff  }
0x41a: {  	v22 =	vld.idx.msk [tilespmem:v22+s28+$0x0], $0xffff  }
0x41b: {  	v30 =	vld.idx.msk [tilespmem:v27+s26+$0x0], $0xffff  }
0x41c: {  	v31 =	vadd.s32 s3, v2;
	vm3 =	vne.s32 v13, v11;
	v27 =	vld.idx.msk [tilespmem:v27+s28+$0x0], $0xffff  }
0x41d: {  	v32 =	vld.idx.msk [tilespmem:v29+s26+$0x0], $0xffff  }
0x41e: {  	vm5 =	vne.s32 v14, v12;
	v33 =	vadd.f32 v18, v8;
	v29 =	vld.idx.msk [tilespmem:v29+s28+$0x0], $0xffff  }
0x41f: {  	[tilespmem:v3+s30+$0x0] =	vst.idx.add.f32.msk vm1, v9;
	v16 =	vadd.f32 v19, v16;
	vm2 =	vne.s32 v26, v13  }
0x420: {  	[tilespmem:v4+s30+$0x0] =	vst.idx.add.f32.msk vm0, v7;
	v52 =	vsel vm3, v18, v33;
	vm6 =	vne.s32 v25, v26  }
0x421: {  	v54 =	vld.idx.msk [tilespmem:v31+s28+$0x0], $0xffff;
	vm12 =	vne.s32 v50, v25;
	v16 =	vsel vm5, v19, v16;
	v18 =	vadd.f32 v21, v52  }
0x422: {  	[tilespmem:v10+s30+$0x0] =	vst.idx.add.f32.msk vm3, v8;
	vm4 =	vne.s32 v22, v14;
	v55 =	vadd.f32 v28, v16  }
0x423: {  	v51 =	vld.idx.msk [tilespmem:v31+s26+$0x0], $0xffff;
	vm7 =	vne.s32 v27, v22;
	vm13 =	vne.s32 v29, v27;
	v3 =	vsel vm2, v21, v18  }
0x424: {  	[tilespmem:v6+s30+$0x0] =	vst.idx.add.f32.msk vm5, v5;
	v56 =	vsel vm4, v28, v55;
	v57 =	vadd.f32 v49, v3  }
0x425: {  	vm14 =	vne.s32 v53, v50;
	v58 =	vadd.f32 v30, v56;
	[tilespmem:v13+s30+$0x0] =	vst.idx.add.f32.msk vm2, v52  }
0x426: {  	vm15 =	vne.s32 v54, v29;
	v7 =	vsel vm6, v49, v57;
	[tilespmem:v26+s30+$0x0] =	vst.idx.add.f32.msk vm6, v3  }
0x427: {  	v3 =	vsel vm7, v30, v58;
	v59 =	vadd.f32 v24, v7;
	[tilespmem:v25+s30+$0x0] =	vst.idx.add.f32.msk vm12, v7  }
0x428: {  	[tilespmem:v14+s30+$0x0] =	vst.idx.add.f32.msk vm4, v16;
	v60 =	vadd.f32 v32, v3  }
0x429: {  	[tilespmem:v22+s30+$0x0] =	vst.idx.add.f32.msk vm7, v56;
	v61 =	vsel vm12, v24, v59  }
0x42a: {  	[tilespmem:v27+s30+$0x0] =	vst.idx.add.f32.msk vm13, v3;
	v4 =	vsel vm13, v32, v60;
	v62 =	vadd.f32 v23, v61  }
0x42b: {  	[tilespmem:v50+s30+$0x0] =	vst.idx.add.f32.msk vm14, v61;
	v3 =	vadd.f32 v51, v4  }
0x42c: {  	s0 =	sadd.s32 $0x1, s0;
	[tilespmem:v29+s30+$0x0] =	vst.idx.add.f32.msk vm15, v4;
	v63 =	vsel vm14, v23, v62  }
0x42d: {  	p0 =	sne.s32 s0, s24;
	v3 =	vsel vm15, v51, v3;
	[tilespmem:v53+s30+$0x0] =	vst.idx.add.f32.msk $0xffff, v63  }
.Ltmp11:
0x42e: {  	s2 =	simm.s32 $0x80;
	s6 =	simm.s32 $0x400;
	[tilespmem:v54+s30+$0x0] =	vst.idx.add.f32.msk $0xffff, v3;
	(pc) =	sbr.rel @p0 .LBB2_1-.Ltmp11, $4  }
0x42f: {  	[hbm4b:s23+s2] =	stream.strided.scatter [tilespmem:s30], [sflag:$0x3], $0x1000, s6, s2, $0x38;
	[tilespmem:$0x14A00] =	vst v63  }
0x430: {  	_ =	swait.ge [sflag:s18], $0x1000  }
0x431: {  	[sflag:s18] =	ssyncset.done $0x0  }
0x432: {  	[sflag:s18] =	ssyncadd.s32 $0xFFFFF000  }
0x433: {  	_ =	sfence.sel $0x180000  }
0x434: {  	[bflag:$0x0] =	sbarrier.arrive $0xFFFF  }
0x435: {  	_ =	strace $0x90000047  }
0x436: {  	s0 =	stileid.u32;
	[bflag:$0x2] =	sbarrier.arrive $0xFFFF  }
0x437: {  	p0 =	sne.s32 s0, $0x0;
	s0 =	rddreg [dreg:$0x3]  }
0x438: {  	s0 =	sadd.s32 @!p0 $0x100000, s0  }
0x439: {  	[sflag:s0] =	ssyncadd.tile.s32 @!p0 $0x1;
	_ =	shalt  }
.Lfunc_end2:
_tile_overlayer_lowered:
.L_overlay_start_2:
0x43a: {  	(tag) =	ssettag $0x2  }
0x43b: {  	s0 =	rddreg [dreg:$0x0];
	s2 =	stileid.u32  }
0x43c: {  	s1 =	rddreg [dreg:$0x1];
	p0 =	sne.s32 s2, $0x0  }
0x43d: {  	s3 =	rddreg [dreg:$0x2];
	[bflag:$0x3] =	sbarrier.arrive $0xFFFF;
	s2 =	simm.s32 @!p0 $0x1C03  }
0x43e: {  	[timem:s3], [sflag:s2] =	dma.local @!p0 [hbm:s0], s1  }
0x43f: {  	s0 =	simm.s32 @!p0 $0x3  }
0x440: {  	_ =	swait.ge @!p0 [sflag:s0], s1  }
0x441: {  	s1 =	ssub.s32 @!p0 $0x0, s1;
	[sflag:s0] =	ssyncset.done @!p0 $0x0  }
0x442: {  	[sflag:s0] =	ssyncadd.s32 @!p0 s1  }
0x443: {  	[bflag:$0x3] =	sbarrier.arrive $0xFFFF  }
0x444: {  	_ =	shalt  }

</sc_bundles>
